<compile_context>
chip_gen: v7x
topology: tpu7x:2x2x1
jax: 0.10.2.dev20260603
libtpu: 0.0.44.dev20260713+nightly
codegen_flags: <defaults>
</compile_context>

<pallas_src>
import functools

import jax
import jax.numpy as jnp
from jax import lax
from jax.experimental import pallas as pl
from jax.experimental.pallas import tpu as pltpu
from jax.experimental.pallas import tpu_sc as plsc

N = 10000
E = 160000
F = 256
H = 4
C = 64
ED = 16
NEG_SLOPE = 0.2

NC = 2
NS = 16
L = 16

N_PAD = 10112
ROWS_PT = N_PAD // NS
DEN_PT = ROWS_PT * 4

K1 = 1024
NCH1 = 5
TPT1 = NCH1 * K1
E_PAD = NC * NS * TPT1
NV1 = K1 // L

K2 = 128
TPT2 = E_PAD // NS
NCH2 = TPT2 // K2
NV2 = K2 // L

_f32 = jnp.float32
_i32 = jnp.int32


def _proj_body(x_ref, w0_ref, w1_ref, ud_ref, xs_ref, nad_ref):
    xb = x_ref[...]
    xs_ref[0] = jnp.dot(xb, w0_ref[...], preferred_element_type=_f32)
    xs_ref[1] = jnp.dot(xb, w1_ref[...], preferred_element_type=_f32)
    nad_ref[...] = jnp.dot(xb, ud_ref[...], preferred_element_type=_f32)


def _edge_body(ea_ref, v_ref, ae_ref):
    ae_ref[...] = jnp.dot(ea_ref[...], v_ref[...], preferred_element_type=_f32)


def _tc_proj(x, w0, w1, ud):
    bn = 2000
    return pl.pallas_call(
        _proj_body,
        grid=(N // bn,),
        in_specs=[
            pl.BlockSpec((bn, F), lambda i: (i, 0)),
            pl.BlockSpec((F, 128), lambda i: (0, 0)),
            pl.BlockSpec((F, 128), lambda i: (0, 0)),
            pl.BlockSpec((F, 8), lambda i: (0, 0)),
        ],
        out_specs=[
            pl.BlockSpec((2, bn, 128), lambda i: (0, i, 0)),
            pl.BlockSpec((bn, 8), lambda i: (i, 0)),
        ],
        out_shape=[
            jax.ShapeDtypeStruct((2, N, 128), _f32),
            jax.ShapeDtypeStruct((N, 8), _f32),
        ],
    )(x, w0, w1, ud)


def _tc_edge(edge_attr, v):
    be = 8000
    return pl.pallas_call(
        _edge_body,
        grid=(E // be,),
        in_specs=[
            pl.BlockSpec((be, ED), lambda i: (i, 0)),
            pl.BlockSpec((ED, 4), lambda i: (0, 0)),
        ],
        out_specs=pl.BlockSpec((be, 4), lambda i: (i, 0)),
        out_shape=jax.ShapeDtypeStruct((E, 4), _f32),
    )(edge_attr, v)


def _sc_attn_body(src_h, dst_h, asrc_h, adst_h, aedge_h, ex_h, den_h,
                  asrcT, adstT, sidx, didx,
                  aeb0, aeb1, aeb2, aeb3,
                  exb0, exb1, exb2, exb3,
                  ixb0, ixb1, ixb2, ixb3,
                  dbounce, dacc):
    cid = lax.axis_index("c")
    sid = lax.axis_index("s")
    wid = sid * NC + cid
    aebs = (aeb0, aeb1, aeb2, aeb3)
    exbs = (exb0, exb1, exb2, exb3)
    ixbs = (ixb0, ixb1, ixb2, ixb3)

    pltpu.sync_copy(asrc_h, asrcT)
    pltpu.sync_copy(adst_h, adstT)
    def zinit(i, c):
        dbounce[pl.ds(i * L, L)] = jnp.zeros((L,), _f32)
        return c
    lax.fori_loop(0, DEN_PT // L, zinit, 0)
    d0 = sid * DEN_PT
    pltpu.sync_copy(dbounce, dacc.at[pl.ds(d0, DEN_PT)])
    plsc.subcore_barrier()

    base = wid * TPT1

    def chunk(k, carry):
        e0 = base + k * K1
        pltpu.sync_copy(src_h.at[pl.ds(e0, K1)], sidx)
        pltpu.sync_copy(dst_h.at[pl.ds(e0, K1)], didx)
        for h in range(H):
            pltpu.sync_copy(aedge_h.at[pl.ds(h * E_PAD + e0, K1)], aebs[h])

        def vec(v, c2):
            off = v * L
            sv4 = sidx[pl.ds(off, L)] * 4
            dv4 = didx[pl.ds(off, L)] * 4
            r = v // 8
            c0 = (v % 8) * L
            for h in range(H):
                av = plsc.load_gather(asrcT, [sv4 + h])
                bv = plsc.load_gather(adstT, [dv4 + h])
                cv = aebs[h][pl.ds(off, L)]
                al = av + bv + cv
                al = jnp.where(al > 0, al, NEG_SLOPE * al)
                exbs[h][pl.ds(off, L)] = jnp.exp(al)
                ixbs[h][r, pl.ds(c0, L)] = dv4 + h
            return c2

        lax.fori_loop(0, NV1, vec, 0)
        for h in range(H):
            pltpu.sync_copy(exbs[h], ex_h.at[pl.ds(h * E_PAD + e0, K1)])
            for j in range(K1 // 128):
                pltpu.sync_copy(exbs[h].at[pl.ds(j * 128, 128)],
                                dacc.at[ixbs[h].at[j]], add=True)
        return carry

    lax.fori_loop(0, NCH1, chunk, 0)
    plsc.subcore_barrier()
    pltpu.sync_copy(dacc.at[pl.ds(d0, DEN_PT)], dbounce)
    pltpu.sync_copy(dbounce, den_h.at[pl.ds(cid * (N_PAD * 4) + d0, DEN_PT)])


_sc_attn = functools.partial(
    pl.kernel,
    out_type=(
        jax.ShapeDtypeStruct((H * E_PAD,), _f32),
        jax.ShapeDtypeStruct((NC * N_PAD * 4,), _f32),
    ),
    mesh=plsc.VectorSubcoreMesh(core_axis_name="c", subcore_axis_name="s"),
    compiler_params=pltpu.CompilerParams(needs_layout_passes=False),
    scratch_types=(
        pltpu.VMEM((N_PAD * 4,), _f32),
        pltpu.VMEM((N_PAD * 4,), _f32),
        pltpu.VMEM((K1,), _i32),
        pltpu.VMEM((K1,), _i32),
        pltpu.VMEM((K1,), _f32),
        pltpu.VMEM((K1,), _f32),
        pltpu.VMEM((K1,), _f32),
        pltpu.VMEM((K1,), _f32),
        pltpu.VMEM((K1,), _f32),
        pltpu.VMEM((K1,), _f32),
        pltpu.VMEM((K1,), _f32),
        pltpu.VMEM((K1,), _f32),
        pltpu.VMEM((K1 // 128, 128), _i32),
        pltpu.VMEM((K1 // 128, 128), _i32),
        pltpu.VMEM((K1 // 128, 128), _i32),
        pltpu.VMEM((K1 // 128, 128), _i32),
        pltpu.VMEM((DEN_PT,), _f32),
        pltpu.VMEM_SHARED((N_PAD * 4,), _f32),
    ),
)(_sc_attn_body)


def _sc_agg_body(src_h, dst_h, ex_h, den_h, xs_h, binit_h, out_h,
                 denT, sidx, sidx2, didx, exb0, exb1, att0, att1,
                 rows, oacc):
    cid = lax.axis_index("c")
    sid = lax.axis_index("s")
    pltpu.sync_copy(den_h.at[pl.ds(cid * (N_PAD * 2), N_PAD * 2)], denT)
    r0 = sid * ROWS_PT
    pltpu.sync_copy(binit_h.at[cid, pl.ds(r0, ROWS_PT)],
                    oacc.at[pl.ds(r0, ROWS_PT)])
    plsc.subcore_barrier()
    base = sid * TPT2
    row_off = cid * N
    h0 = 2 * cid

    def chunk(k, carry):
        e0 = base + k * K2
        pltpu.sync_copy(src_h.at[pl.ds(e0, K2)], sidx)
        pltpu.sync_copy(dst_h.at[pl.ds(e0, K2)], didx)
        pltpu.sync_copy(ex_h.at[pl.ds(h0 * E_PAD + e0, K2)], exb0)
        pltpu.sync_copy(ex_h.at[pl.ds((h0 + 1) * E_PAD + e0, K2)], exb1)

        def vec(v, c2):
            off = v * L
            sv = sidx[pl.ds(off, L)]
            sidx2[pl.ds(off, L)] = sv + row_off
            dv2 = didx[pl.ds(off, L)] * 2
            den0 = plsc.load_gather(denT, [dv2])
            den1 = plsc.load_gather(denT, [dv2 + 1])
            att0[pl.ds(off, L)] = exb0[pl.ds(off, L)] / (den0 + 1e-16)
            att1[pl.ds(off, L)] = exb1[pl.ds(off, L)] / (den1 + 1e-16)
            return c2

        lax.fori_loop(0, NV2, vec, 0)
        pltpu.sync_copy(xs_h.at[sidx2], rows)

        def medge(e, c2):
            a0 = att0[pl.ds(e, L)][0]
            a1 = att1[pl.ds(e, L)][0]
            for j in range(4):
                rows[e, pl.ds(j * L, L)] = rows[e, pl.ds(j * L, L)] * a0
            for j in range(4, 8):
                rows[e, pl.ds(j * L, L)] = rows[e, pl.ds(j * L, L)] * a1
            return c2

        lax.fori_loop(0, K2, medge, 0)
        pltpu.sync_copy(rows, oacc.at[didx], add=True)
        return carry

    lax.fori_loop(0, NCH2, chunk, 0)
    plsc.subcore_barrier()
    pltpu.sync_copy(oacc.at[pl.ds(r0, ROWS_PT)],
                    out_h.at[cid, pl.ds(r0, ROWS_PT)])


_sc_agg = functools.partial(
    pl.kernel,
    out_type=jax.ShapeDtypeStruct((NC, N_PAD, 128), _f32),
    mesh=plsc.VectorSubcoreMesh(core_axis_name="c", subcore_axis_name="s"),
    compiler_params=pltpu.CompilerParams(needs_layout_passes=False),
    scratch_types=(
        pltpu.VMEM((N_PAD * 2,), _f32),
        pltpu.VMEM((K2,), _i32),
        pltpu.VMEM((K2,), _i32),
        pltpu.VMEM((K2,), _i32),
        pltpu.VMEM((K2,), _f32),
        pltpu.VMEM((K2,), _f32),
        pltpu.VMEM((K2 + L,), _f32),
        pltpu.VMEM((K2 + L,), _f32),
        pltpu.VMEM((K2, 128), _f32),
        pltpu.VMEM_SHARED((N_PAD, 128), _f32),
    ),
)(_sc_agg_body)


def kernel(x, edge_index, edge_attr, W_src, W_dst, W_edge,
           att_src, att_dst, att_edge, bias):
    u = jnp.einsum("fhc,hc->fh", W_src.reshape(F, H, C), att_src[0])
    dm = jnp.einsum("fhc,hc->fh", W_dst.reshape(F, H, C), att_dst[0])
    v = jnp.einsum("dhc,hc->dh", W_edge.reshape(ED, H, C), att_edge[0])
    ud = jnp.concatenate([u, dm], axis=1)
    w0 = W_src[:, :128]
    w1 = W_src[:, 128:]

    xs2, nad = _tc_proj(x, w0, w1, ud)
    aedge = _tc_edge(edge_attr, v)

    src = edge_index[0]
    dst = edge_index[1]
    padv = E_PAD - E
    src_p = jnp.concatenate([src, jnp.zeros((padv,), _i32)])
    dst_p = jnp.concatenate([dst, jnp.full((padv,), N, _i32)])
    aedge_hm = jnp.concatenate(
        [aedge, jnp.zeros((padv, 4), _f32)]).T.reshape(H * E_PAD)
    npad = N_PAD - N
    asrc_f = jnp.concatenate(
        [nad[:, 0:4], jnp.zeros((npad, 4), _f32)]).reshape(N_PAD * 4)
    adst_f = jnp.concatenate(
        [nad[:, 4:8], jnp.zeros((npad, 4), _f32)]).reshape(N_PAD * 4)

    ex, den2 = _sc_attn(src_p, dst_p, asrc_f, adst_f, aedge_hm)
    den4 = (den2[: N_PAD * 4] + den2[N_PAD * 4:]).reshape(N_PAD, 4)
    den_pc = jnp.concatenate(
        [den4[:, 0:2].reshape(-1), den4[:, 2:4].reshape(-1)])

    xs_flat = xs2.reshape(2 * N, 128)
    binit = jnp.broadcast_to(bias.reshape(2, 1, 128), (2, N_PAD, 128))
    halves = _sc_agg(src_p, dst_p, ex, den_pc, xs_flat, binit)
    return jnp.concatenate([halves[0, :N], halves[1, :N]], axis=1)

# --- scband reference (transcript-rebuilt; emitter-appended) ---
"""Pipeline reference for scband-gatlayer-37477884625637 (READ-ONLY COPY).

The authoritative reference and input builder live on the scoring server;
editing this copy changes nothing except your own understanding.
"""

import jax, jax.numpy as jnp
import numpy as np

N = 10000
E = 160000
F = 256
H = 4
C = 64
ED = 16
NEG_SLOPE = 0.2


def setup_inputs(seed: int = 0) -> dict:
    key = jax.random.key(seed)
    ks = jax.random.split(key, 10)
    x = jax.random.normal(ks[0], (N, F), dtype=jnp.float32)
    edge_index = jax.random.randint(ks[1], (2, E), 0, N, dtype=jnp.int32)
    edge_attr = jax.random.normal(ks[2], (E, ED), dtype=jnp.float32)
    s = 1.0 / np.sqrt(F)
    W_src = jax.random.normal(ks[3], (F, H * C), dtype=jnp.float32) * s
    W_dst = jax.random.normal(ks[4], (F, H * C), dtype=jnp.float32) * s
    W_edge = jax.random.normal(ks[5], (ED, H * C), dtype=jnp.float32) * (1.0 / np.sqrt(ED))
    att_src = jax.random.normal(ks[6], (1, H, C), dtype=jnp.float32) * (1.0 / np.sqrt(C))
    att_dst = jax.random.normal(ks[7], (1, H, C), dtype=jnp.float32) * (1.0 / np.sqrt(C))
    att_edge = jax.random.normal(ks[8], (1, H, C), dtype=jnp.float32) * (1.0 / np.sqrt(C))
    bias = jnp.zeros((H * C,), dtype=jnp.float32)
    return {"x": x, "edge_index": edge_index, "edge_attr": edge_attr, "W_src": W_src, "W_dst": W_dst, "W_edge": W_edge, "att_src": att_src, "att_dst": att_dst, "att_edge": att_edge, "bias": bias}


def reference(x, edge_index, edge_attr, W_src, W_dst, W_edge, att_src, att_dst, att_edge, bias):
    src = edge_index[0]
    dst = edge_index[1]
    xs = (x @ W_src).reshape(N, H, C)
    xd = (x @ W_dst).reshape(N, H, C)
    a_src = jnp.sum(xs * att_src, axis=-1)
    a_dst = jnp.sum(xd * att_dst, axis=-1)
    e = (edge_attr @ W_edge).reshape(E, H, C)
    a_edge = jnp.sum(e * att_edge, axis=-1)
    alpha = a_src[src] + a_dst[dst] + a_edge
    alpha = jax.nn.leaky_relu(alpha, NEG_SLOPE)
    amax = jax.ops.segment_max(alpha, dst, num_segments=N)
    amax = jnp.where(jnp.isfinite(amax), amax, 0.0)
    ex = jnp.exp(alpha - amax[dst])
    denom = jax.ops.segment_sum(ex, dst, num_segments=N)
    att = ex / (denom[dst] + 1e-16)
    msg = xs[src] * att[:, :, None]
    out = jax.ops.segment_sum(msg, dst, num_segments=N)
    out = out.reshape(N, H * C) + bias
    return out

if __name__ == "__main__":
    import jax
    _d = setup_inputs()
    print(jax.jit(kernel)(*tuple(_d.values())))

</pallas_src>

<mosaic_0001>
#map = affine_map<(d0, d1) -> (0)>
module attributes {stable_mosaic.version = 14 : i64} {
  func.func @_sc_attn_body(%arg0: i32, %arg1: i32, %arg2: memref<163840xi32, #tpu.memory_space<hbm>>, %arg3: memref<163840xi32, #tpu.memory_space<hbm>>, %arg4: memref<40448xf32, #tpu.memory_space<hbm>>, %arg5: memref<40448xf32, #tpu.memory_space<hbm>>, %arg6: memref<655360xf32, #tpu.memory_space<hbm>>, %arg7: memref<655360xf32, #tpu.memory_space<hbm>>, %arg8: memref<80896xf32, #tpu.memory_space<hbm>>, %arg9: memref<40448xf32, #tpu.memory_space<vmem>>, %arg10: memref<40448xf32, #tpu.memory_space<vmem>>, %arg11: memref<1024xi32, #tpu.memory_space<vmem>>, %arg12: memref<1024xi32, #tpu.memory_space<vmem>>, %arg13: memref<1024xf32, #tpu.memory_space<vmem>>, %arg14: memref<1024xf32, #tpu.memory_space<vmem>>, %arg15: memref<1024xf32, #tpu.memory_space<vmem>>, %arg16: memref<1024xf32, #tpu.memory_space<vmem>>, %arg17: memref<1024xf32, #tpu.memory_space<vmem>>, %arg18: memref<1024xf32, #tpu.memory_space<vmem>>, %arg19: memref<1024xf32, #tpu.memory_space<vmem>>, %arg20: memref<1024xf32, #tpu.memory_space<vmem>>, %arg21: memref<8x128xi32, #tpu.memory_space<vmem>>, %arg22: memref<8x128xi32, #tpu.memory_space<vmem>>, %arg23: memref<8x128xi32, #tpu.memory_space<vmem>>, %arg24: memref<8x128xi32, #tpu.memory_space<vmem>>, %arg25: memref<2528xf32, #tpu.memory_space<vmem>>, %arg26: memref<40448xf32, #tpu.memory_space<vmem_shared>>) attributes {dimension_semantics = [#tpu.dimension_semantics<core_parallel>, #tpu.dimension_semantics<subcore_parallel>], iteration_bounds = array<i64: 2, 16>, scalar_prefetch = 0 : i64, scratch_operands = 18 : i64, tpu.core_type = #tpu.core_type<sc_vector_subcore>, window_params = [{transform_indices = #map}, {transform_indices = #map}, {transform_indices = #map}, {transform_indices = #map}, {transform_indices = #map}, {transform_indices = #map}, {transform_indices = #map}]} {
    %mul3A = arith.constant 2 : i32
    %mul3A_0 = arith.muli %arg1, %mul3A : i32
    %add3A = arith.addi %mul3A_0, %arg0 : i32
    "tpu.region"() ({
      %run_scoped3A = tpu.sem_alloc : memref<!tpu.dma_semaphore, #tpu.memory_space<semaphore_mem>>
      tpu.enqueue_dma source(%arg4 : memref<40448xf32, #tpu.memory_space<hbm>>) target(%arg9 : memref<40448xf32, #tpu.memory_space<vmem>>) target_semaphore(%run_scoped3A : memref<!tpu.dma_semaphore, #tpu.memory_space<semaphore_mem>>)
      tpu.wait_dma2 semaphore(%run_scoped3A : memref<!tpu.dma_semaphore, #tpu.memory_space<semaphore_mem>>) src(%arg4 : memref<40448xf32, #tpu.memory_space<hbm>>) dst(%arg9 : memref<40448xf32, #tpu.memory_space<vmem>>)
      tpu.yield
    }) : () -> ()
    "tpu.region"() ({
      %run_scoped3A = tpu.sem_alloc : memref<!tpu.dma_semaphore, #tpu.memory_space<semaphore_mem>>
      tpu.enqueue_dma source(%arg5 : memref<40448xf32, #tpu.memory_space<hbm>>) target(%arg10 : memref<40448xf32, #tpu.memory_space<vmem>>) target_semaphore(%run_scoped3A : memref<!tpu.dma_semaphore, #tpu.memory_space<semaphore_mem>>)
      tpu.wait_dma2 semaphore(%run_scoped3A : memref<!tpu.dma_semaphore, #tpu.memory_space<semaphore_mem>>) src(%arg5 : memref<40448xf32, #tpu.memory_space<hbm>>) dst(%arg10 : memref<40448xf32, #tpu.memory_space<vmem>>)
      tpu.yield
    }) : () -> ()
    %scan3A = arith.constant 0 : i32
    %scan3A_1 = arith.constant 0 : i32
    %scan3A_2 = arith.constant 158 : i32
    %scan3A_3 = arith.addi %scan3A_1, %scan3A_2 : i32
    %scan3A_4 = arith.constant 1 : i32
    scf.for %scan3A_20 = %scan3A_1 to %scan3A_3 step %scan3A_4  : i32 {
      %broadcast_in_dim3A = arith.constant 0.000000e+00 : f32
      %broadcast_in_dim3A_21 = vector.broadcast %broadcast_in_dim3A : f32 to vector<16xf32>
      %mul3A_22 = arith.constant 16 : i32
      %mul3A_23 = arith.muli %scan3A_20, %mul3A_22 : i32
      %swap3A = arith.index_cast %mul3A_23 : i32 to index
      %swap3A_24 = tpu.vector_load %arg25[%swap3A] {strides = array<i32>} : memref<2528xf32, #tpu.memory_space<vmem>>, vector<16xf32>,
      tpu.vector_store %arg25[%swap3A], %broadcast_in_dim3A_21 {strides = array<i32>} : memref<2528xf32, #tpu.memory_space<vmem>>, vector<16xf32>,
    }
    %scan3A_5 = arith.constant 158 : i32
    %mul3A_6 = arith.constant 2528 : i32
    %mul3A_7 = arith.muli %arg1, %mul3A_6 : i32
    "tpu.region"() ({
      %run_scoped3A = tpu.sem_alloc : memref<!tpu.dma_semaphore, #tpu.memory_space<semaphore_mem>>
      %dma_start3A = tpu.memref_slice %arg26[%mul3A_7] : memref<40448xf32, #tpu.memory_space<vmem_shared>> -> memref<2528xf32, #tpu.memory_space<vmem_shared>>
      %dma_start3A_20 = tpu.memref_slice %arg26[%mul3A_7] : memref<40448xf32, #tpu.memory_space<vmem_shared>> -> memref<2528xf32, #tpu.memory_space<vmem_shared>>
      tpu.enqueue_dma source(%arg25 : memref<2528xf32, #tpu.memory_space<vmem>>) target(%dma_start3A_20 : memref<2528xf32, #tpu.memory_space<vmem_shared>>) target_semaphore(%run_scoped3A : memref<!tpu.dma_semaphore, #tpu.memory_space<semaphore_mem>>)
      %dma_wait3A = tpu.memref_slice %arg26[%mul3A_7] : memref<40448xf32, #tpu.memory_space<vmem_shared>> -> memref<2528xf32, #tpu.memory_space<vmem_shared>>
      %dma_wait3A_21 = tpu.memref_slice %arg26[%mul3A_7] : memref<40448xf32, #tpu.memory_space<vmem_shared>> -> memref<2528xf32, #tpu.memory_space<vmem_shared>>
      tpu.wait_dma2 semaphore(%run_scoped3A : memref<!tpu.dma_semaphore, #tpu.memory_space<semaphore_mem>>) src(%arg25 : memref<2528xf32, #tpu.memory_space<vmem>>) dst(%dma_wait3A_21 : memref<2528xf32, #tpu.memory_space<vmem_shared>>)
      tpu.yield
    }) : () -> ()
    %barrier3A = arith.constant 0 : index
    tpu.barrier barrier_id(%barrier3A)
    %mul3A_8 = arith.constant 5120 : i32
    %mul3A_9 = arith.muli %add3A, %mul3A_8 : i32
    %scan3A_10 = arith.constant 0 : i32
    %scan3A_11 = arith.constant 0 : i32
    %scan3A_12 = arith.constant 5 : i32
    %scan3A_13 = arith.addi %scan3A_11, %scan3A_12 : i32
    %scan3A_14 = arith.constant 1 : i32
    scf.for %scan3A_20 = %scan3A_11 to %scan3A_13 step %scan3A_14  : i32 {
      %mul3A_21 = arith.constant 1024 : i32
      %mul3A_22 = arith.muli %scan3A_20, %mul3A_21 : i32
      %add3A_23 = arith.addi %mul3A_9, %mul3A_22 : i32
      "tpu.region"() ({
        %run_scoped3A_77 = tpu.sem_alloc : memref<!tpu.dma_semaphore, #tpu.memory_space<semaphore_mem>>
        %dma_start3A = tpu.memref_slice %arg2[%add3A_23] : memref<163840xi32, #tpu.memory_space<hbm>> -> memref<1024xi32, #tpu.memory_space<hbm>>
        %dma_start3A_78 = tpu.memref_slice %arg2[%add3A_23] : memref<163840xi32, #tpu.memory_space<hbm>> -> memref<1024xi32, #tpu.memory_space<hbm>>
        tpu.enqueue_dma source(%dma_start3A_78 : memref<1024xi32, #tpu.memory_space<hbm>>) target(%arg11 : memref<1024xi32, #tpu.memory_space<vmem>>) target_semaphore(%run_scoped3A_77 : memref<!tpu.dma_semaphore, #tpu.memory_space<semaphore_mem>>)
        %dma_wait3A = tpu.memref_slice %arg2[%add3A_23] : memref<163840xi32, #tpu.memory_space<hbm>> -> memref<1024xi32, #tpu.memory_space<hbm>>
        %dma_wait3A_79 = tpu.memref_slice %arg2[%add3A_23] : memref<163840xi32, #tpu.memory_space<hbm>> -> memref<1024xi32, #tpu.memory_space<hbm>>
        tpu.wait_dma2 semaphore(%run_scoped3A_77 : memref<!tpu.dma_semaphore, #tpu.memory_space<semaphore_mem>>) src(%dma_wait3A_79 : memref<1024xi32, #tpu.memory_space<hbm>>) dst(%arg11 : memref<1024xi32, #tpu.memory_space<vmem>>)
        tpu.yield
      }) : () -> ()
      "tpu.region"() ({
        %run_scoped3A_77 = tpu.sem_alloc : memref<!tpu.dma_semaphore, #tpu.memory_space<semaphore_mem>>
        %dma_start3A = tpu.memref_slice %arg3[%add3A_23] : memref<163840xi32, #tpu.memory_space<hbm>> -> memref<1024xi32, #tpu.memory_space<hbm>>
        %dma_start3A_78 = tpu.memref_slice %arg3[%add3A_23] : memref<163840xi32, #tpu.memory_space<hbm>> -> memref<1024xi32, #tpu.memory_space<hbm>>
        tpu.enqueue_dma source(%dma_start3A_78 : memref<1024xi32, #tpu.memory_space<hbm>>) target(%arg12 : memref<1024xi32, #tpu.memory_space<vmem>>) target_semaphore(%run_scoped3A_77 : memref<!tpu.dma_semaphore, #tpu.memory_space<semaphore_mem>>)
        %dma_wait3A = tpu.memref_slice %arg3[%add3A_23] : memref<163840xi32, #tpu.memory_space<hbm>> -> memref<1024xi32, #tpu.memory_space<hbm>>
        %dma_wait3A_79 = tpu.memref_slice %arg3[%add3A_23] : memref<163840xi32, #tpu.memory_space<hbm>> -> memref<1024xi32, #tpu.memory_space<hbm>>
        tpu.wait_dma2 semaphore(%run_scoped3A_77 : memref<!tpu.dma_semaphore, #tpu.memory_space<semaphore_mem>>) src(%dma_wait3A_79 : memref<1024xi32, #tpu.memory_space<hbm>>) dst(%arg12 : memref<1024xi32, #tpu.memory_space<vmem>>)
        tpu.yield
      }) : () -> ()
      %add3A_24 = arith.constant 0 : i32
      %add3A_25 = arith.addi %add3A_24, %add3A_23 : i32
      "tpu.region"() ({
        %run_scoped3A_77 = tpu.sem_alloc : memref<!tpu.dma_semaphore, #tpu.memory_space<semaphore_mem>>
        %dma_start3A = tpu.memref_slice %arg6[%add3A_25] : memref<655360xf32, #tpu.memory_space<hbm>> -> memref<1024xf32, #tpu.memory_space<hbm>>
        %dma_start3A_78 = tpu.memref_slice %arg6[%add3A_25] : memref<655360xf32, #tpu.memory_space<hbm>> -> memref<1024xf32, #tpu.memory_space<hbm>>
        tpu.enqueue_dma source(%dma_start3A_78 : memref<1024xf32, #tpu.memory_space<hbm>>) target(%arg13 : memref<1024xf32, #tpu.memory_space<vmem>>) target_semaphore(%run_scoped3A_77 : memref<!tpu.dma_semaphore, #tpu.memory_space<semaphore_mem>>)
        %dma_wait3A = tpu.memref_slice %arg6[%add3A_25] : memref<655360xf32, #tpu.memory_space<hbm>> -> memref<1024xf32, #tpu.memory_space<hbm>>
        %dma_wait3A_79 = tpu.memref_slice %arg6[%add3A_25] : memref<655360xf32, #tpu.memory_space<hbm>> -> memref<1024xf32, #tpu.memory_space<hbm>>
        tpu.wait_dma2 semaphore(%run_scoped3A_77 : memref<!tpu.dma_semaphore, #tpu.memory_space<semaphore_mem>>) src(%dma_wait3A_79 : memref<1024xf32, #tpu.memory_space<hbm>>) dst(%arg13 : memref<1024xf32, #tpu.memory_space<vmem>>)
        tpu.yield
      }) : () -> ()
      %add3A_26 = arith.constant 163840 : i32
      %add3A_27 = arith.addi %add3A_26, %add3A_23 : i32
      "tpu.region"() ({
        %run_scoped3A_77 = tpu.sem_alloc : memref<!tpu.dma_semaphore, #tpu.memory_space<semaphore_mem>>
        %dma_start3A = tpu.memref_slice %arg6[%add3A_27] : memref<655360xf32, #tpu.memory_space<hbm>> -> memref<1024xf32, #tpu.memory_space<hbm>>
        %dma_start3A_78 = tpu.memref_slice %arg6[%add3A_27] : memref<655360xf32, #tpu.memory_space<hbm>> -> memref<1024xf32, #tpu.memory_space<hbm>>
        tpu.enqueue_dma source(%dma_start3A_78 : memref<1024xf32, #tpu.memory_space<hbm>>) target(%arg14 : memref<1024xf32, #tpu.memory_space<vmem>>) target_semaphore(%run_scoped3A_77 : memref<!tpu.dma_semaphore, #tpu.memory_space<semaphore_mem>>)
        %dma_wait3A = tpu.memref_slice %arg6[%add3A_27] : memref<655360xf32, #tpu.memory_space<hbm>> -> memref<1024xf32, #tpu.memory_space<hbm>>
        %dma_wait3A_79 = tpu.memref_slice %arg6[%add3A_27] : memref<655360xf32, #tpu.memory_space<hbm>> -> memref<1024xf32, #tpu.memory_space<hbm>>
        tpu.wait_dma2 semaphore(%run_scoped3A_77 : memref<!tpu.dma_semaphore, #tpu.memory_space<semaphore_mem>>) src(%dma_wait3A_79 : memref<1024xf32, #tpu.memory_space<hbm>>) dst(%arg14 : memref<1024xf32, #tpu.memory_space<vmem>>)
        tpu.yield
      }) : () -> ()
      %add3A_28 = arith.constant 327680 : i32
      %add3A_29 = arith.addi %add3A_28, %add3A_23 : i32
      "tpu.region"() ({
        %run_scoped3A_77 = tpu.sem_alloc : memref<!tpu.dma_semaphore, #tpu.memory_space<semaphore_mem>>
        %dma_start3A = tpu.memref_slice %arg6[%add3A_29] : memref<655360xf32, #tpu.memory_space<hbm>> -> memref<1024xf32, #tpu.memory_space<hbm>>
        %dma_start3A_78 = tpu.memref_slice %arg6[%add3A_29] : memref<655360xf32, #tpu.memory_space<hbm>> -> memref<1024xf32, #tpu.memory_space<hbm>>
        tpu.enqueue_dma source(%dma_start3A_78 : memref<1024xf32, #tpu.memory_space<hbm>>) target(%arg15 : memref<1024xf32, #tpu.memory_space<vmem>>) target_semaphore(%run_scoped3A_77 : memref<!tpu.dma_semaphore, #tpu.memory_space<semaphore_mem>>)
        %dma_wait3A = tpu.memref_slice %arg6[%add3A_29] : memref<655360xf32, #tpu.memory_space<hbm>> -> memref<1024xf32, #tpu.memory_space<hbm>>
        %dma_wait3A_79 = tpu.memref_slice %arg6[%add3A_29] : memref<655360xf32, #tpu.memory_space<hbm>> -> memref<1024xf32, #tpu.memory_space<hbm>>
        tpu.wait_dma2 semaphore(%run_scoped3A_77 : memref<!tpu.dma_semaphore, #tpu.memory_space<semaphore_mem>>) src(%dma_wait3A_79 : memref<1024xf32, #tpu.memory_space<hbm>>) dst(%arg15 : memref<1024xf32, #tpu.memory_space<vmem>>)
        tpu.yield
      }) : () -> ()
      %add3A_30 = arith.constant 491520 : i32
      %add3A_31 = arith.addi %add3A_30, %add3A_23 : i32
      "tpu.region"() ({
        %run_scoped3A_77 = tpu.sem_alloc : memref<!tpu.dma_semaphore, #tpu.memory_space<semaphore_mem>>
        %dma_start3A = tpu.memref_slice %arg6[%add3A_31] : memref<655360xf32, #tpu.memory_space<hbm>> -> memref<1024xf32, #tpu.memory_space<hbm>>
        %dma_start3A_78 = tpu.memref_slice %arg6[%add3A_31] : memref<655360xf32, #tpu.memory_space<hbm>> -> memref<1024xf32, #tpu.memory_space<hbm>>
        tpu.enqueue_dma source(%dma_start3A_78 : memref<1024xf32, #tpu.memory_space<hbm>>) target(%arg16 : memref<1024xf32, #tpu.memory_space<vmem>>) target_semaphore(%run_scoped3A_77 : memref<!tpu.dma_semaphore, #tpu.memory_space<semaphore_mem>>)
        %dma_wait3A = tpu.memref_slice %arg6[%add3A_31] : memref<655360xf32, #tpu.memory_space<hbm>> -> memref<1024xf32, #tpu.memory_space<hbm>>
        %dma_wait3A_79 = tpu.memref_slice %arg6[%add3A_31] : memref<655360xf32, #tpu.memory_space<hbm>> -> memref<1024xf32, #tpu.memory_space<hbm>>
        tpu.wait_dma2 semaphore(%run_scoped3A_77 : memref<!tpu.dma_semaphore, #tpu.memory_space<semaphore_mem>>) src(%dma_wait3A_79 : memref<1024xf32, #tpu.memory_space<hbm>>) dst(%arg16 : memref<1024xf32, #tpu.memory_space<vmem>>)
        tpu.yield
      }) : () -> ()
      %scan3A_32 = arith.constant 0 : i32
      %scan3A_33 = arith.constant 0 : i32
      %scan3A_34 = arith.constant 64 : i32
      %scan3A_35 = arith.addi %scan3A_33, %scan3A_34 : i32
      %scan3A_36 = arith.constant 1 : i32
      scf.for %scan3A_77 = %scan3A_33 to %scan3A_35 step %scan3A_36  : i32 {
        %mul3A_78 = arith.constant 16 : i32
        %mul3A_79 = arith.muli %scan3A_77, %mul3A_78 : i32
        %get3A = arith.index_cast %mul3A_79 : i32 to index
        %get3A_80 = tpu.vector_load %arg11[%get3A] {strides = array<i32>} : memref<1024xi32, #tpu.memory_space<vmem>>, vector<16xi32>,
        %mul3A_81 = arith.constant 4 : i32
        %mul3A_82 = vector.broadcast %mul3A_81 : i32 to vector<16xi32>
        %mul3A_83 = arith.muli %get3A_80, %mul3A_82 : vector<16xi32>
        %get3A_84 = arith.index_cast %mul3A_79 : i32 to index
        %get3A_85 = tpu.vector_load %arg12[%get3A_84] {strides = array<i32>} : memref<1024xi32, #tpu.memory_space<vmem>>, vector<16xi32>,
        %mul3A_86 = arith.constant 4 : i32
        %mul3A_87 = vector.broadcast %mul3A_86 : i32 to vector<16xi32>
        %mul3A_88 = arith.muli %get3A_85, %mul3A_87 : vector<16xi32>
        %jit3A = arith.constant 8 : i32
        %div3A = arith.divsi %scan3A_77, %jit3A : i32
        %sign3A = arith.constant 0 : i32
        %sign3A_89 = arith.cmpi sgt, %scan3A_77, %sign3A : i32
        %sign3A_90 = arith.extui %sign3A_89 : i1 to i32
        %sign3A_91 = arith.constant 0 : i32
        %sign3A_92 = arith.cmpi slt, %scan3A_77, %sign3A_91 : i32
        %sign3A_93 = arith.extui %sign3A_92 : i1 to i32
        %sign3A_94 = arith.subi %sign3A_90, %sign3A_93 : i32
        %sign3A_95 = arith.constant 0 : i32
        %sign3A_96 = arith.cmpi sgt, %jit3A, %sign3A_95 : i32
        %sign3A_97 = arith.extui %sign3A_96 : i1 to i32
        %sign3A_98 = arith.constant 0 : i32
        %sign3A_99 = arith.cmpi slt, %jit3A, %sign3A_98 : i32
        %sign3A_100 = arith.extui %sign3A_99 : i1 to i32
        %sign3A_101 = arith.subi %sign3A_97, %sign3A_100 : i32
        %ne3A = arith.cmpi ne, %sign3A_94, %sign3A_101 : i32
        %rem3A = arith.remsi %scan3A_77, %jit3A : i32
        %ne3A_102 = arith.constant 0 : i32
        %ne3A_103 = arith.cmpi ne, %rem3A, %ne3A_102 : i32
        %and3A = arith.andi %ne3A, %ne3A_103 : i1
        %sub3A = arith.constant 1 : i32
        %sub3A_104 = arith.subi %div3A, %sub3A : i32
        %select_n3A = arith.select %and3A, %sub3A_104, %div3A : i32
        %jit3A_105 = arith.constant 8 : i32
        %eq3A = arith.constant 0 : i32
        %eq3A_106 = arith.cmpi eq, %jit3A_105, %eq3A : i32
        %jit3A_107 = arith.constant 1 : i32
        %select_n3A_108 = arith.select %eq3A_106, %jit3A_107, %jit3A_105 : i32
        %rem3A_109 = arith.remsi %scan3A_77, %select_n3A_108 : i32
        %ne3A_110 = arith.constant 0 : i32
        %ne3A_111 = arith.cmpi ne, %rem3A_109, %ne3A_110 : i32
        %lt3A = arith.constant 0 : i32
        %lt3A_112 = arith.cmpi slt, %rem3A_109, %lt3A : i32
        %lt3A_113 = arith.constant 0 : i32
        %lt3A_114 = arith.cmpi slt, %select_n3A_108, %lt3A_113 : i32
        %ne3A_115 = arith.xori %lt3A_112, %lt3A_114 : i1
        %and3A_116 = arith.andi %ne3A_115, %ne3A_111 : i1
        %add3A_117 = arith.addi %rem3A_109, %select_n3A_108 : i32
        %select_n3A_118 = arith.select %and3A_116, %add3A_117, %rem3A_109 : i32
        %mul3A_119 = arith.constant 16 : i32
        %mul3A_120 = arith.muli %select_n3A_118, %mul3A_119 : i32
        %add3A_121 = arith.constant 0 : i32
        %add3A_122 = vector.broadcast %add3A_121 : i32 to vector<16xi32>
        %add3A_123 = arith.addi %mul3A_83, %add3A_122 : vector<16xi32>
        %gather3A = tpu.vector_load_idx %arg9[%add3A_123] : memref<40448xf32, #tpu.memory_space<vmem>>[vector<16xi32>], vector<16xf32>,
        %add3A_124 = arith.constant 0 : i32
        %add3A_125 = vector.broadcast %add3A_124 : i32 to vector<16xi32>
        %add3A_126 = arith.addi %mul3A_88, %add3A_125 : vector<16xi32>
        %gather3A_127 = tpu.vector_load_idx %arg10[%add3A_126] : memref<40448xf32, #tpu.memory_space<vmem>>[vector<16xi32>], vector<16xf32>,
        %get3A_128 = arith.index_cast %mul3A_79 : i32 to index
        %get3A_129 = tpu.vector_load %arg13[%get3A_128] {strides = array<i32>} : memref<1024xf32, #tpu.memory_space<vmem>>, vector<16xf32>,
        %add3A_130 = arith.addf %gather3A, %gather3A_127 : vector<16xf32>
        %add3A_131 = arith.addf %add3A_130, %get3A_129 : vector<16xf32>
        %gt3A = arith.constant 0.000000e+00 : f32
        %gt3A_132 = vector.broadcast %gt3A : f32 to vector<16xf32>
        %gt3A_133 = arith.cmpf ogt, %add3A_131, %gt3A_132 : vector<16xf32>
        %mul3A_134 = arith.constant 2.000000e-01 : f32
        %mul3A_135 = vector.broadcast %mul3A_134 : f32 to vector<16xf32>
        %mul3A_136 = arith.mulf %mul3A_135, %add3A_131 : vector<16xf32>
        %select_n3A_137 = arith.select %gt3A_133, %add3A_131, %mul3A_136 : vector<16xi1>, vector<16xf32>
        %exp3A = math.exp %select_n3A_137 : vector<16xf32>
        %swap3A = arith.index_cast %mul3A_79 : i32 to index
        %swap3A_138 = tpu.vector_load %arg17[%swap3A] {strides = array<i32>} : memref<1024xf32, #tpu.memory_space<vmem>>, vector<16xf32>,
        tpu.vector_store %arg17[%swap3A], %exp3A {strides = array<i32>} : memref<1024xf32, #tpu.memory_space<vmem>>, vector<16xf32>,
        %add3A_139 = arith.constant 0 : i32
        %add3A_140 = vector.broadcast %add3A_139 : i32 to vector<16xi32>
        %add3A_141 = arith.addi %mul3A_88, %add3A_140 : vector<16xi32>
        %swap3A_142 = arith.index_cast %select_n3A : i32 to index
        %swap3A_143 = arith.index_cast %mul3A_120 : i32 to index
        %swap3A_144 = tpu.vector_load %arg21[%swap3A_142, %swap3A_143] {strides = array<i32>} : memref<8x128xi32, #tpu.memory_space<vmem>>, vector<16xi32>,
        tpu.vector_store %arg21[%swap3A_142, %swap3A_143], %add3A_141 {strides = array<i32>} : memref<8x128xi32, #tpu.memory_space<vmem>>, vector<16xi32>,
        %add3A_145 = arith.constant 1 : i32
        %add3A_146 = vector.broadcast %add3A_145 : i32 to vector<16xi32>
        %add3A_147 = arith.addi %mul3A_83, %add3A_146 : vector<16xi32>
        %gather3A_148 = tpu.vector_load_idx %arg9[%add3A_147] : memref<40448xf32, #tpu.memory_space<vmem>>[vector<16xi32>], vector<16xf32>,
        %add3A_149 = arith.constant 1 : i32
        %add3A_150 = vector.broadcast %add3A_149 : i32 to vector<16xi32>
        %add3A_151 = arith.addi %mul3A_88, %add3A_150 : vector<16xi32>
        %gather3A_152 = tpu.vector_load_idx %arg10[%add3A_151] : memref<40448xf32, #tpu.memory_space<vmem>>[vector<16xi32>], vector<16xf32>,
        %get3A_153 = arith.index_cast %mul3A_79 : i32 to index
        %get3A_154 = tpu.vector_load %arg14[%get3A_153] {strides = array<i32>} : memref<1024xf32, #tpu.memory_space<vmem>>, vector<16xf32>,
        %add3A_155 = arith.addf %gather3A_148, %gather3A_152 : vector<16xf32>
        %add3A_156 = arith.addf %add3A_155, %get3A_154 : vector<16xf32>
        %gt3A_157 = arith.constant 0.000000e+00 : f32
        %gt3A_158 = vector.broadcast %gt3A_157 : f32 to vector<16xf32>
        %gt3A_159 = arith.cmpf ogt, %add3A_156, %gt3A_158 : vector<16xf32>
        %mul3A_160 = arith.constant 2.000000e-01 : f32
        %mul3A_161 = vector.broadcast %mul3A_160 : f32 to vector<16xf32>
        %mul3A_162 = arith.mulf %mul3A_161, %add3A_156 : vector<16xf32>
        %select_n3A_163 = arith.select %gt3A_159, %add3A_156, %mul3A_162 : vector<16xi1>, vector<16xf32>
        %exp3A_164 = math.exp %select_n3A_163 : vector<16xf32>
        %swap3A_165 = arith.index_cast %mul3A_79 : i32 to index
        %swap3A_166 = tpu.vector_load %arg18[%swap3A_165] {strides = array<i32>} : memref<1024xf32, #tpu.memory_space<vmem>>, vector<16xf32>,
        tpu.vector_store %arg18[%swap3A_165], %exp3A_164 {strides = array<i32>} : memref<1024xf32, #tpu.memory_space<vmem>>, vector<16xf32>,
        %add3A_167 = arith.constant 1 : i32
        %add3A_168 = vector.broadcast %add3A_167 : i32 to vector<16xi32>
        %add3A_169 = arith.addi %mul3A_88, %add3A_168 : vector<16xi32>
        %swap3A_170 = arith.index_cast %select_n3A : i32 to index
        %swap3A_171 = arith.index_cast %mul3A_120 : i32 to index
        %swap3A_172 = tpu.vector_load %arg22[%swap3A_170, %swap3A_171] {strides = array<i32>} : memref<8x128xi32, #tpu.memory_space<vmem>>, vector<16xi32>,
        tpu.vector_store %arg22[%swap3A_170, %swap3A_171], %add3A_169 {strides = array<i32>} : memref<8x128xi32, #tpu.memory_space<vmem>>, vector<16xi32>,
        %add3A_173 = arith.constant 2 : i32
        %add3A_174 = vector.broadcast %add3A_173 : i32 to vector<16xi32>
        %add3A_175 = arith.addi %mul3A_83, %add3A_174 : vector<16xi32>
        %gather3A_176 = tpu.vector_load_idx %arg9[%add3A_175] : memref<40448xf32, #tpu.memory_space<vmem>>[vector<16xi32>], vector<16xf32>,
        %add3A_177 = arith.constant 2 : i32
        %add3A_178 = vector.broadcast %add3A_177 : i32 to vector<16xi32>
        %add3A_179 = arith.addi %mul3A_88, %add3A_178 : vector<16xi32>
        %gather3A_180 = tpu.vector_load_idx %arg10[%add3A_179] : memref<40448xf32, #tpu.memory_space<vmem>>[vector<16xi32>], vector<16xf32>,
        %get3A_181 = arith.index_cast %mul3A_79 : i32 to index
        %get3A_182 = tpu.vector_load %arg15[%get3A_181] {strides = array<i32>} : memref<1024xf32, #tpu.memory_space<vmem>>, vector<16xf32>,
        %add3A_183 = arith.addf %gather3A_176, %gather3A_180 : vector<16xf32>
        %add3A_184 = arith.addf %add3A_183, %get3A_182 : vector<16xf32>
        %gt3A_185 = arith.constant 0.000000e+00 : f32
        %gt3A_186 = vector.broadcast %gt3A_185 : f32 to vector<16xf32>
        %gt3A_187 = arith.cmpf ogt, %add3A_184, %gt3A_186 : vector<16xf32>
        %mul3A_188 = arith.constant 2.000000e-01 : f32
        %mul3A_189 = vector.broadcast %mul3A_188 : f32 to vector<16xf32>
        %mul3A_190 = arith.mulf %mul3A_189, %add3A_184 : vector<16xf32>
        %select_n3A_191 = arith.select %gt3A_187, %add3A_184, %mul3A_190 : vector<16xi1>, vector<16xf32>
        %exp3A_192 = math.exp %select_n3A_191 : vector<16xf32>
        %swap3A_193 = arith.index_cast %mul3A_79 : i32 to index
        %swap3A_194 = tpu.vector_load %arg19[%swap3A_193] {strides = array<i32>} : memref<1024xf32, #tpu.memory_space<vmem>>, vector<16xf32>,
        tpu.vector_store %arg19[%swap3A_193], %exp3A_192 {strides = array<i32>} : memref<1024xf32, #tpu.memory_space<vmem>>, vector<16xf32>,
        %add3A_195 = arith.constant 2 : i32
        %add3A_196 = vector.broadcast %add3A_195 : i32 to vector<16xi32>
        %add3A_197 = arith.addi %mul3A_88, %add3A_196 : vector<16xi32>
        %swap3A_198 = arith.index_cast %select_n3A : i32 to index
        %swap3A_199 = arith.index_cast %mul3A_120 : i32 to index
        %swap3A_200 = tpu.vector_load %arg23[%swap3A_198, %swap3A_199] {strides = array<i32>} : memref<8x128xi32, #tpu.memory_space<vmem>>, vector<16xi32>,
        tpu.vector_store %arg23[%swap3A_198, %swap3A_199], %add3A_197 {strides = array<i32>} : memref<8x128xi32, #tpu.memory_space<vmem>>, vector<16xi32>,
        %add3A_201 = arith.constant 3 : i32
        %add3A_202 = vector.broadcast %add3A_201 : i32 to vector<16xi32>
        %add3A_203 = arith.addi %mul3A_83, %add3A_202 : vector<16xi32>
        %gather3A_204 = tpu.vector_load_idx %arg9[%add3A_203] : memref<40448xf32, #tpu.memory_space<vmem>>[vector<16xi32>], vector<16xf32>,
        %add3A_205 = arith.constant 3 : i32
        %add3A_206 = vector.broadcast %add3A_205 : i32 to vector<16xi32>
        %add3A_207 = arith.addi %mul3A_88, %add3A_206 : vector<16xi32>
        %gather3A_208 = tpu.vector_load_idx %arg10[%add3A_207] : memref<40448xf32, #tpu.memory_space<vmem>>[vector<16xi32>], vector<16xf32>,
        %get3A_209 = arith.index_cast %mul3A_79 : i32 to index
        %get3A_210 = tpu.vector_load %arg16[%get3A_209] {strides = array<i32>} : memref<1024xf32, #tpu.memory_space<vmem>>, vector<16xf32>,
        %add3A_211 = arith.addf %gather3A_204, %gather3A_208 : vector<16xf32>
        %add3A_212 = arith.addf %add3A_211, %get3A_210 : vector<16xf32>
        %gt3A_213 = arith.constant 0.000000e+00 : f32
        %gt3A_214 = vector.broadcast %gt3A_213 : f32 to vector<16xf32>
        %gt3A_215 = arith.cmpf ogt, %add3A_212, %gt3A_214 : vector<16xf32>
        %mul3A_216 = arith.constant 2.000000e-01 : f32
        %mul3A_217 = vector.broadcast %mul3A_216 : f32 to vector<16xf32>
        %mul3A_218 = arith.mulf %mul3A_217, %add3A_212 : vector<16xf32>
        %select_n3A_219 = arith.select %gt3A_215, %add3A_212, %mul3A_218 : vector<16xi1>, vector<16xf32>
        %exp3A_220 = math.exp %select_n3A_219 : vector<16xf32>
        %swap3A_221 = arith.index_cast %mul3A_79 : i32 to index
        %swap3A_222 = tpu.vector_load %arg20[%swap3A_221] {strides = array<i32>} : memref<1024xf32, #tpu.memory_space<vmem>>, vector<16xf32>,
        tpu.vector_store %arg20[%swap3A_221], %exp3A_220 {strides = array<i32>} : memref<1024xf32, #tpu.memory_space<vmem>>, vector<16xf32>,
        %add3A_223 = arith.constant 3 : i32
        %add3A_224 = vector.broadcast %add3A_223 : i32 to vector<16xi32>
        %add3A_225 = arith.addi %mul3A_88, %add3A_224 : vector<16xi32>
        %swap3A_226 = arith.index_cast %select_n3A : i32 to index
        %swap3A_227 = arith.index_cast %mul3A_120 : i32 to index
        %swap3A_228 = tpu.vector_load %arg24[%swap3A_226, %swap3A_227] {strides = array<i32>} : memref<8x128xi32, #tpu.memory_space<vmem>>, vector<16xi32>,
        tpu.vector_store %arg24[%swap3A_226, %swap3A_227], %add3A_225 {strides = array<i32>} : memref<8x128xi32, #tpu.memory_space<vmem>>, vector<16xi32>,
      }
      %scan3A_37 = arith.constant 64 : i32
      %add3A_38 = arith.constant 0 : i32
      %add3A_39 = arith.addi %add3A_38, %add3A_23 : i32
      "tpu.region"() ({
        %run_scoped3A_77 = tpu.sem_alloc : memref<!tpu.dma_semaphore, #tpu.memory_space<semaphore_mem>>
        %dma_start3A = tpu.memref_slice %arg7[%add3A_39] : memref<655360xf32, #tpu.memory_space<hbm>> -> memref<1024xf32, #tpu.memory_space<hbm>>
        %dma_start3A_78 = tpu.memref_slice %arg7[%add3A_39] : memref<655360xf32, #tpu.memory_space<hbm>> -> memref<1024xf32, #tpu.memory_space<hbm>>
        tpu.enqueue_dma source(%arg17 : memref<1024xf32, #tpu.memory_space<vmem>>) target(%dma_start3A_78 : memref<1024xf32, #tpu.memory_space<hbm>>) target_semaphore(%run_scoped3A_77 : memref<!tpu.dma_semaphore, #tpu.memory_space<semaphore_mem>>)
        %dma_wait3A = tpu.memref_slice %arg7[%add3A_39] : memref<655360xf32, #tpu.memory_space<hbm>> -> memref<1024xf32, #tpu.memory_space<hbm>>
        %dma_wait3A_79 = tpu.memref_slice %arg7[%add3A_39] : memref<655360xf32, #tpu.memory_space<hbm>> -> memref<1024xf32, #tpu.memory_space<hbm>>
        tpu.wait_dma2 semaphore(%run_scoped3A_77 : memref<!tpu.dma_semaphore, #tpu.memory_space<semaphore_mem>>) src(%arg17 : memref<1024xf32, #tpu.memory_space<vmem>>) dst(%dma_wait3A_79 : memref<1024xf32, #tpu.memory_space<hbm>>)
        tpu.yield
      }) : () -> ()
      %run_scoped3A = arith.constant 0 : i32
      "tpu.region"() ({
        %run_scoped3A_77 = tpu.sem_alloc : memref<!tpu.dma_semaphore, #tpu.memory_space<semaphore_mem>>
        %dma_start3A = arith.constant 0 : i32
        %dma_start3A_78 = tpu.memref_slice %arg17[%dma_start3A] : memref<1024xf32, #tpu.memory_space<vmem>> -> memref<128xf32, #tpu.memory_space<vmem>>
        %dma_start3A_79 = arith.constant 0 : i32
        %dma_start3A_80 = tpu.memref_slice %arg21[%run_scoped3A, %dma_start3A_79] : memref<8x128xi32, #tpu.memory_space<vmem>> -> memref<1x128xi32, #tpu.memory_space<vmem>>
        %dma_start3A_81 = tpu.memref_squeeze %dma_start3A_80 : memref<1x128xi32, #tpu.memory_space<vmem>> -> memref<128xi32, #tpu.memory_space<vmem>>
        %dma_start3A_82 = arith.constant 0 : i32
        %dma_start3A_83 = tpu.memref_slice %arg26[%dma_start3A_82] : memref<40448xf32, #tpu.memory_space<vmem_shared>> -> memref<40448xf32, #tpu.memory_space<vmem_shared>>
        tpu.enqueue_indirect_dma source(%dma_start3A_78 : memref<128xf32, #tpu.memory_space<vmem>>) target(%dma_start3A_83 : memref<40448xf32, #tpu.memory_space<vmem_shared>>) offsets(%dma_start3A_81 : memref<128xi32, #tpu.memory_space<vmem>>) semaphore(%run_scoped3A_77 : memref<!tpu.dma_semaphore, #tpu.memory_space<semaphore_mem>>) {add = true}
        %dma_wait3A = arith.constant 0 : i32
        %dma_wait3A_84 = tpu.memref_slice %arg17[%dma_wait3A] : memref<1024xf32, #tpu.memory_space<vmem>> -> memref<128xf32, #tpu.memory_space<vmem>>
        %dma_wait3A_85 = arith.constant 0 : i32
        %dma_wait3A_86 = tpu.memref_slice %arg21[%run_scoped3A, %dma_wait3A_85] : memref<8x128xi32, #tpu.memory_space<vmem>> -> memref<1x128xi32, #tpu.memory_space<vmem>>
        %dma_wait3A_87 = tpu.memref_squeeze %dma_wait3A_86 : memref<1x128xi32, #tpu.memory_space<vmem>> -> memref<128xi32, #tpu.memory_space<vmem>>
        %dma_wait3A_88 = arith.constant 0 : i32
        %dma_wait3A_89 = tpu.memref_slice %arg26[%dma_wait3A_88] : memref<40448xf32, #tpu.memory_space<vmem_shared>> -> memref<40448xf32, #tpu.memory_space<vmem_shared>>
        tpu.wait_indirect_dma semaphore(%run_scoped3A_77 : memref<!tpu.dma_semaphore, #tpu.memory_space<semaphore_mem>>) src(%dma_wait3A_84 : memref<128xf32, #tpu.memory_space<vmem>>) dst(%dma_wait3A_89 : memref<40448xf32, #tpu.memory_space<vmem_shared>>)
        tpu.yield
      }) : () -> ()
      %run_scoped3A_40 = arith.constant 1 : i32
      "tpu.region"() ({
        %run_scoped3A_77 = tpu.sem_alloc : memref<!tpu.dma_semaphore, #tpu.memory_space<semaphore_mem>>
        %dma_start3A = arith.constant 128 : i32
        %dma_start3A_78 = tpu.memref_slice %arg17[%dma_start3A] : memref<1024xf32, #tpu.memory_space<vmem>> -> memref<128xf32, #tpu.memory_space<vmem>>
        %dma_start3A_79 = arith.constant 0 : i32
        %dma_start3A_80 = tpu.memref_slice %arg21[%run_scoped3A_40, %dma_start3A_79] : memref<8x128xi32, #tpu.memory_space<vmem>> -> memref<1x128xi32, #tpu.memory_space<vmem>>
        %dma_start3A_81 = tpu.memref_squeeze %dma_start3A_80 : memref<1x128xi32, #tpu.memory_space<vmem>> -> memref<128xi32, #tpu.memory_space<vmem>>
        %dma_start3A_82 = arith.constant 0 : i32
        %dma_start3A_83 = tpu.memref_slice %arg26[%dma_start3A_82] : memref<40448xf32, #tpu.memory_space<vmem_shared>> -> memref<40448xf32, #tpu.memory_space<vmem_shared>>
        tpu.enqueue_indirect_dma source(%dma_start3A_78 : memref<128xf32, #tpu.memory_space<vmem>>) target(%dma_start3A_83 : memref<40448xf32, #tpu.memory_space<vmem_shared>>) offsets(%dma_start3A_81 : memref<128xi32, #tpu.memory_space<vmem>>) semaphore(%run_scoped3A_77 : memref<!tpu.dma_semaphore, #tpu.memory_space<semaphore_mem>>) {add = true}
        %dma_wait3A = arith.constant 128 : i32
        %dma_wait3A_84 = tpu.memref_slice %arg17[%dma_wait3A] : memref<1024xf32, #tpu.memory_space<vmem>> -> memref<128xf32, #tpu.memory_space<vmem>>
        %dma_wait3A_85 = arith.constant 0 : i32
        %dma_wait3A_86 = tpu.memref_slice %arg21[%run_scoped3A_40, %dma_wait3A_85] : memref<8x128xi32, #tpu.memory_space<vmem>> -> memref<1x128xi32, #tpu.memory_space<vmem>>
        %dma_wait3A_87 = tpu.memref_squeeze %dma_wait3A_86 : memref<1x128xi32, #tpu.memory_space<vmem>> -> memref<128xi32, #tpu.memory_space<vmem>>
        %dma_wait3A_88 = arith.constant 0 : i32
        %dma_wait3A_89 = tpu.memref_slice %arg26[%dma_wait3A_88] : memref<40448xf32, #tpu.memory_space<vmem_shared>> -> memref<40448xf32, #tpu.memory_space<vmem_shared>>
        tpu.wait_indirect_dma semaphore(%run_scoped3A_77 : memref<!tpu.dma_semaphore, #tpu.memory_space<semaphore_mem>>) src(%dma_wait3A_84 : memref<128xf32, #tpu.memory_space<vmem>>) dst(%dma_wait3A_89 : memref<40448xf32, #tpu.memory_space<vmem_shared>>)
        tpu.yield
      }) : () -> ()
      %run_scoped3A_41 = arith.constant 2 : i32
      "tpu.region"() ({
        %run_scoped3A_77 = tpu.sem_alloc : memref<!tpu.dma_semaphore, #tpu.memory_space<semaphore_mem>>
        %dma_start3A = arith.constant 256 : i32
        %dma_start3A_78 = tpu.memref_slice %arg17[%dma_start3A] : memref<1024xf32, #tpu.memory_space<vmem>> -> memref<128xf32, #tpu.memory_space<vmem>>
        %dma_start3A_79 = arith.constant 0 : i32
        %dma_start3A_80 = tpu.memref_slice %arg21[%run_scoped3A_41, %dma_start3A_79] : memref<8x128xi32, #tpu.memory_space<vmem>> -> memref<1x128xi32, #tpu.memory_space<vmem>>
        %dma_start3A_81 = tpu.memref_squeeze %dma_start3A_80 : memref<1x128xi32, #tpu.memory_space<vmem>> -> memref<128xi32, #tpu.memory_space<vmem>>
        %dma_start3A_82 = arith.constant 0 : i32
        %dma_start3A_83 = tpu.memref_slice %arg26[%dma_start3A_82] : memref<40448xf32, #tpu.memory_space<vmem_shared>> -> memref<40448xf32, #tpu.memory_space<vmem_shared>>
        tpu.enqueue_indirect_dma source(%dma_start3A_78 : memref<128xf32, #tpu.memory_space<vmem>>) target(%dma_start3A_83 : memref<40448xf32, #tpu.memory_space<vmem_shared>>) offsets(%dma_start3A_81 : memref<128xi32, #tpu.memory_space<vmem>>) semaphore(%run_scoped3A_77 : memref<!tpu.dma_semaphore, #tpu.memory_space<semaphore_mem>>) {add = true}
        %dma_wait3A = arith.constant 256 : i32
        %dma_wait3A_84 = tpu.memref_slice %arg17[%dma_wait3A] : memref<1024xf32, #tpu.memory_space<vmem>> -> memref<128xf32, #tpu.memory_space<vmem>>
        %dma_wait3A_85 = arith.constant 0 : i32
        %dma_wait3A_86 = tpu.memref_slice %arg21[%run_scoped3A_41, %dma_wait3A_85] : memref<8x128xi32, #tpu.memory_space<vmem>> -> memref<1x128xi32, #tpu.memory_space<vmem>>
        %dma_wait3A_87 = tpu.memref_squeeze %dma_wait3A_86 : memref<1x128xi32, #tpu.memory_space<vmem>> -> memref<128xi32, #tpu.memory_space<vmem>>
        %dma_wait3A_88 = arith.constant 0 : i32
        %dma_wait3A_89 = tpu.memref_slice %arg26[%dma_wait3A_88] : memref<40448xf32, #tpu.memory_space<vmem_shared>> -> memref<40448xf32, #tpu.memory_space<vmem_shared>>
        tpu.wait_indirect_dma semaphore(%run_scoped3A_77 : memref<!tpu.dma_semaphore, #tpu.memory_space<semaphore_mem>>) src(%dma_wait3A_84 : memref<128xf32, #tpu.memory_space<vmem>>) dst(%dma_wait3A_89 : memref<40448xf32, #tpu.memory_space<vmem_shared>>)
        tpu.yield
      }) : () -> ()
      %run_scoped3A_42 = arith.constant 3 : i32
      "tpu.region"() ({
        %run_scoped3A_77 = tpu.sem_alloc : memref<!tpu.dma_semaphore, #tpu.memory_space<semaphore_mem>>
        %dma_start3A = arith.constant 384 : i32
        %dma_start3A_78 = tpu.memref_slice %arg17[%dma_start3A] : memref<1024xf32, #tpu.memory_space<vmem>> -> memref<128xf32, #tpu.memory_space<vmem>>
        %dma_start3A_79 = arith.constant 0 : i32
        %dma_start3A_80 = tpu.memref_slice %arg21[%run_scoped3A_42, %dma_start3A_79] : memref<8x128xi32, #tpu.memory_space<vmem>> -> memref<1x128xi32, #tpu.memory_space<vmem>>
        %dma_start3A_81 = tpu.memref_squeeze %dma_start3A_80 : memref<1x128xi32, #tpu.memory_space<vmem>> -> memref<128xi32, #tpu.memory_space<vmem>>
        %dma_start3A_82 = arith.constant 0 : i32
        %dma_start3A_83 = tpu.memref_slice %arg26[%dma_start3A_82] : memref<40448xf32, #tpu.memory_space<vmem_shared>> -> memref<40448xf32, #tpu.memory_space<vmem_shared>>
        tpu.enqueue_indirect_dma source(%dma_start3A_78 : memref<128xf32, #tpu.memory_space<vmem>>) target(%dma_start3A_83 : memref<40448xf32, #tpu.memory_space<vmem_shared>>) offsets(%dma_start3A_81 : memref<128xi32, #tpu.memory_space<vmem>>) semaphore(%run_scoped3A_77 : memref<!tpu.dma_semaphore, #tpu.memory_space<semaphore_mem>>) {add = true}
        %dma_wait3A = arith.constant 384 : i32
        %dma_wait3A_84 = tpu.memref_slice %arg17[%dma_wait3A] : memref<1024xf32, #tpu.memory_space<vmem>> -> memref<128xf32, #tpu.memory_space<vmem>>
        %dma_wait3A_85 = arith.constant 0 : i32
        %dma_wait3A_86 = tpu.memref_slice %arg21[%run_scoped3A_42, %dma_wait3A_85] : memref<8x128xi32, #tpu.memory_space<vmem>> -> memref<1x128xi32, #tpu.memory_space<vmem>>
        %dma_wait3A_87 = tpu.memref_squeeze %dma_wait3A_86 : memref<1x128xi32, #tpu.memory_space<vmem>> -> memref<128xi32, #tpu.memory_space<vmem>>
        %dma_wait3A_88 = arith.constant 0 : i32
        %dma_wait3A_89 = tpu.memref_slice %arg26[%dma_wait3A_88] : memref<40448xf32, #tpu.memory_space<vmem_shared>> -> memref<40448xf32, #tpu.memory_space<vmem_shared>>
        tpu.wait_indirect_dma semaphore(%run_scoped3A_77 : memref<!tpu.dma_semaphore, #tpu.memory_space<semaphore_mem>>) src(%dma_wait3A_84 : memref<128xf32, #tpu.memory_space<vmem>>) dst(%dma_wait3A_89 : memref<40448xf32, #tpu.memory_space<vmem_shared>>)
        tpu.yield
      }) : () -> ()
      %run_scoped3A_43 = arith.constant 4 : i32
      "tpu.region"() ({
        %run_scoped3A_77 = tpu.sem_alloc : memref<!tpu.dma_semaphore, #tpu.memory_space<semaphore_mem>>
        %dma_start3A = arith.constant 512 : i32
        %dma_start3A_78 = tpu.memref_slice %arg17[%dma_start3A] : memref<1024xf32, #tpu.memory_space<vmem>> -> memref<128xf32, #tpu.memory_space<vmem>>
        %dma_start3A_79 = arith.constant 0 : i32
        %dma_start3A_80 = tpu.memref_slice %arg21[%run_scoped3A_43, %dma_start3A_79] : memref<8x128xi32, #tpu.memory_space<vmem>> -> memref<1x128xi32, #tpu.memory_space<vmem>>
        %dma_start3A_81 = tpu.memref_squeeze %dma_start3A_80 : memref<1x128xi32, #tpu.memory_space<vmem>> -> memref<128xi32, #tpu.memory_space<vmem>>
        %dma_start3A_82 = arith.constant 0 : i32
        %dma_start3A_83 = tpu.memref_slice %arg26[%dma_start3A_82] : memref<40448xf32, #tpu.memory_space<vmem_shared>> -> memref<40448xf32, #tpu.memory_space<vmem_shared>>
        tpu.enqueue_indirect_dma source(%dma_start3A_78 : memref<128xf32, #tpu.memory_space<vmem>>) target(%dma_start3A_83 : memref<40448xf32, #tpu.memory_space<vmem_shared>>) offsets(%dma_start3A_81 : memref<128xi32, #tpu.memory_space<vmem>>) semaphore(%run_scoped3A_77 : memref<!tpu.dma_semaphore, #tpu.memory_space<semaphore_mem>>) {add = true}
        %dma_wait3A = arith.constant 512 : i32
        %dma_wait3A_84 = tpu.memref_slice %arg17[%dma_wait3A] : memref<1024xf32, #tpu.memory_space<vmem>> -> memref<128xf32, #tpu.memory_space<vmem>>
        %dma_wait3A_85 = arith.constant 0 : i32
        %dma_wait3A_86 = tpu.memref_slice %arg21[%run_scoped3A_43, %dma_wait3A_85] : memref<8x128xi32, #tpu.memory_space<vmem>> -> memref<1x128xi32, #tpu.memory_space<vmem>>
        %dma_wait3A_87 = tpu.memref_squeeze %dma_wait3A_86 : memref<1x128xi32, #tpu.memory_space<vmem>> -> memref<128xi32, #tpu.memory_space<vmem>>
        %dma_wait3A_88 = arith.constant 0 : i32
        %dma_wait3A_89 = tpu.memref_slice %arg26[%dma_wait3A_88] : memref<40448xf32, #tpu.memory_space<vmem_shared>> -> memref<40448xf32, #tpu.memory_space<vmem_shared>>
        tpu.wait_indirect_dma semaphore(%run_scoped3A_77 : memref<!tpu.dma_semaphore, #tpu.memory_space<semaphore_mem>>) src(%dma_wait3A_84 : memref<128xf32, #tpu.memory_space<vmem>>) dst(%dma_wait3A_89 : memref<40448xf32, #tpu.memory_space<vmem_shared>>)
        tpu.yield
      }) : () -> ()
      %run_scoped3A_44 = arith.constant 5 : i32
      "tpu.region"() ({
        %run_scoped3A_77 = tpu.sem_alloc : memref<!tpu.dma_semaphore, #tpu.memory_space<semaphore_mem>>
        %dma_start3A = arith.constant 640 : i32
        %dma_start3A_78 = tpu.memref_slice %arg17[%dma_start3A] : memref<1024xf32, #tpu.memory_space<vmem>> -> memref<128xf32, #tpu.memory_space<vmem>>
        %dma_start3A_79 = arith.constant 0 : i32
        %dma_start3A_80 = tpu.memref_slice %arg21[%run_scoped3A_44, %dma_start3A_79] : memref<8x128xi32, #tpu.memory_space<vmem>> -> memref<1x128xi32, #tpu.memory_space<vmem>>
        %dma_start3A_81 = tpu.memref_squeeze %dma_start3A_80 : memref<1x128xi32, #tpu.memory_space<vmem>> -> memref<128xi32, #tpu.memory_space<vmem>>
        %dma_start3A_82 = arith.constant 0 : i32
        %dma_start3A_83 = tpu.memref_slice %arg26[%dma_start3A_82] : memref<40448xf32, #tpu.memory_space<vmem_shared>> -> memref<40448xf32, #tpu.memory_space<vmem_shared>>
        tpu.enqueue_indirect_dma source(%dma_start3A_78 : memref<128xf32, #tpu.memory_space<vmem>>) target(%dma_start3A_83 : memref<40448xf32, #tpu.memory_space<vmem_shared>>) offsets(%dma_start3A_81 : memref<128xi32, #tpu.memory_space<vmem>>) semaphore(%run_scoped3A_77 : memref<!tpu.dma_semaphore, #tpu.memory_space<semaphore_mem>>) {add = true}
        %dma_wait3A = arith.constant 640 : i32
        %dma_wait3A_84 = tpu.memref_slice %arg17[%dma_wait3A] : memref<1024xf32, #tpu.memory_space<vmem>> -> memref<128xf32, #tpu.memory_space<vmem>>
        %dma_wait3A_85 = arith.constant 0 : i32
        %dma_wait3A_86 = tpu.memref_slice %arg21[%run_scoped3A_44, %dma_wait3A_85] : memref<8x128xi32, #tpu.memory_space<vmem>> -> memref<1x128xi32, #tpu.memory_space<vmem>>
        %dma_wait3A_87 = tpu.memref_squeeze %dma_wait3A_86 : memref<1x128xi32, #tpu.memory_space<vmem>> -> memref<128xi32, #tpu.memory_space<vmem>>
        %dma_wait3A_88 = arith.constant 0 : i32
        %dma_wait3A_89 = tpu.memref_slice %arg26[%dma_wait3A_88] : memref<40448xf32, #tpu.memory_space<vmem_shared>> -> memref<40448xf32, #tpu.memory_space<vmem_shared>>
        tpu.wait_indirect_dma semaphore(%run_scoped3A_77 : memref<!tpu.dma_semaphore, #tpu.memory_space<semaphore_mem>>) src(%dma_wait3A_84 : memref<128xf32, #tpu.memory_space<vmem>>) dst(%dma_wait3A_89 : memref<40448xf32, #tpu.memory_space<vmem_shared>>)
        tpu.yield
      }) : () -> ()
      %run_scoped3A_45 = arith.constant 6 : i32
      "tpu.region"() ({
        %run_scoped3A_77 = tpu.sem_alloc : memref<!tpu.dma_semaphore, #tpu.memory_space<semaphore_mem>>
        %dma_start3A = arith.constant 768 : i32
        %dma_start3A_78 = tpu.memref_slice %arg17[%dma_start3A] : memref<1024xf32, #tpu.memory_space<vmem>> -> memref<128xf32, #tpu.memory_space<vmem>>
        %dma_start3A_79 = arith.constant 0 : i32
        %dma_start3A_80 = tpu.memref_slice %arg21[%run_scoped3A_45, %dma_start3A_79] : memref<8x128xi32, #tpu.memory_space<vmem>> -> memref<1x128xi32, #tpu.memory_space<vmem>>
        %dma_start3A_81 = tpu.memref_squeeze %dma_start3A_80 : memref<1x128xi32, #tpu.memory_space<vmem>> -> memref<128xi32, #tpu.memory_space<vmem>>
        %dma_start3A_82 = arith.constant 0 : i32
        %dma_start3A_83 = tpu.memref_slice %arg26[%dma_start3A_82] : memref<40448xf32, #tpu.memory_space<vmem_shared>> -> memref<40448xf32, #tpu.memory_space<vmem_shared>>
        tpu.enqueue_indirect_dma source(%dma_start3A_78 : memref<128xf32, #tpu.memory_space<vmem>>) target(%dma_start3A_83 : memref<40448xf32, #tpu.memory_space<vmem_shared>>) offsets(%dma_start3A_81 : memref<128xi32, #tpu.memory_space<vmem>>) semaphore(%run_scoped3A_77 : memref<!tpu.dma_semaphore, #tpu.memory_space<semaphore_mem>>) {add = true}
        %dma_wait3A = arith.constant 768 : i32
        %dma_wait3A_84 = tpu.memref_slice %arg17[%dma_wait3A] : memref<1024xf32, #tpu.memory_space<vmem>> -> memref<128xf32, #tpu.memory_space<vmem>>
        %dma_wait3A_85 = arith.constant 0 : i32
        %dma_wait3A_86 = tpu.memref_slice %arg21[%run_scoped3A_45, %dma_wait3A_85] : memref<8x128xi32, #tpu.memory_space<vmem>> -> memref<1x128xi32, #tpu.memory_space<vmem>>
        %dma_wait3A_87 = tpu.memref_squeeze %dma_wait3A_86 : memref<1x128xi32, #tpu.memory_space<vmem>> -> memref<128xi32, #tpu.memory_space<vmem>>
        %dma_wait3A_88 = arith.constant 0 : i32
        %dma_wait3A_89 = tpu.memref_slice %arg26[%dma_wait3A_88] : memref<40448xf32, #tpu.memory_space<vmem_shared>> -> memref<40448xf32, #tpu.memory_space<vmem_shared>>
        tpu.wait_indirect_dma semaphore(%run_scoped3A_77 : memref<!tpu.dma_semaphore, #tpu.memory_space<semaphore_mem>>) src(%dma_wait3A_84 : memref<128xf32, #tpu.memory_space<vmem>>) dst(%dma_wait3A_89 : memref<40448xf32, #tpu.memory_space<vmem_shared>>)
        tpu.yield
      }) : () -> ()
      %run_scoped3A_46 = arith.constant 7 : i32
      "tpu.region"() ({
        %run_scoped3A_77 = tpu.sem_alloc : memref<!tpu.dma_semaphore, #tpu.memory_space<semaphore_mem>>
        %dma_start3A = arith.constant 896 : i32
        %dma_start3A_78 = tpu.memref_slice %arg17[%dma_start3A] : memref<1024xf32, #tpu.memory_space<vmem>> -> memref<128xf32, #tpu.memory_space<vmem>>
        %dma_start3A_79 = arith.constant 0 : i32
        %dma_start3A_80 = tpu.memref_slice %arg21[%run_scoped3A_46, %dma_start3A_79] : memref<8x128xi32, #tpu.memory_space<vmem>> -> memref<1x128xi32, #tpu.memory_space<vmem>>
        %dma_start3A_81 = tpu.memref_squeeze %dma_start3A_80 : memref<1x128xi32, #tpu.memory_space<vmem>> -> memref<128xi32, #tpu.memory_space<vmem>>
        %dma_start3A_82 = arith.constant 0 : i32
        %dma_start3A_83 = tpu.memref_slice %arg26[%dma_start3A_82] : memref<40448xf32, #tpu.memory_space<vmem_shared>> -> memref<40448xf32, #tpu.memory_space<vmem_shared>>
        tpu.enqueue_indirect_dma source(%dma_start3A_78 : memref<128xf32, #tpu.memory_space<vmem>>) target(%dma_start3A_83 : memref<40448xf32, #tpu.memory_space<vmem_shared>>) offsets(%dma_start3A_81 : memref<128xi32, #tpu.memory_space<vmem>>) semaphore(%run_scoped3A_77 : memref<!tpu.dma_semaphore, #tpu.memory_space<semaphore_mem>>) {add = true}
        %dma_wait3A = arith.constant 896 : i32
        %dma_wait3A_84 = tpu.memref_slice %arg17[%dma_wait3A] : memref<1024xf32, #tpu.memory_space<vmem>> -> memref<128xf32, #tpu.memory_space<vmem>>
        %dma_wait3A_85 = arith.constant 0 : i32
        %dma_wait3A_86 = tpu.memref_slice %arg21[%run_scoped3A_46, %dma_wait3A_85] : memref<8x128xi32, #tpu.memory_space<vmem>> -> memref<1x128xi32, #tpu.memory_space<vmem>>
        %dma_wait3A_87 = tpu.memref_squeeze %dma_wait3A_86 : memref<1x128xi32, #tpu.memory_space<vmem>> -> memref<128xi32, #tpu.memory_space<vmem>>
        %dma_wait3A_88 = arith.constant 0 : i32
        %dma_wait3A_89 = tpu.memref_slice %arg26[%dma_wait3A_88] : memref<40448xf32, #tpu.memory_space<vmem_shared>> -> memref<40448xf32, #tpu.memory_space<vmem_shared>>
        tpu.wait_indirect_dma semaphore(%run_scoped3A_77 : memref<!tpu.dma_semaphore, #tpu.memory_space<semaphore_mem>>) src(%dma_wait3A_84 : memref<128xf32, #tpu.memory_space<vmem>>) dst(%dma_wait3A_89 : memref<40448xf32, #tpu.memory_space<vmem_shared>>)
        tpu.yield
      }) : () -> ()
      %add3A_47 = arith.constant 163840 : i32
      %add3A_48 = arith.addi %add3A_47, %add3A_23 : i32
      "tpu.region"() ({
        %run_scoped3A_77 = tpu.sem_alloc : memref<!tpu.dma_semaphore, #tpu.memory_space<semaphore_mem>>
        %dma_start3A = tpu.memref_slice %arg7[%add3A_48] : memref<655360xf32, #tpu.memory_space<hbm>> -> memref<1024xf32, #tpu.memory_space<hbm>>
        %dma_start3A_78 = tpu.memref_slice %arg7[%add3A_48] : memref<655360xf32, #tpu.memory_space<hbm>> -> memref<1024xf32, #tpu.memory_space<hbm>>
        tpu.enqueue_dma source(%arg18 : memref<1024xf32, #tpu.memory_space<vmem>>) target(%dma_start3A_78 : memref<1024xf32, #tpu.memory_space<hbm>>) target_semaphore(%run_scoped3A_77 : memref<!tpu.dma_semaphore, #tpu.memory_space<semaphore_mem>>)
        %dma_wait3A = tpu.memref_slice %arg7[%add3A_48] : memref<655360xf32, #tpu.memory_space<hbm>> -> memref<1024xf32, #tpu.memory_space<hbm>>
        %dma_wait3A_79 = tpu.memref_slice %arg7[%add3A_48] : memref<655360xf32, #tpu.memory_space<hbm>> -> memref<1024xf32, #tpu.memory_space<hbm>>
        tpu.wait_dma2 semaphore(%run_scoped3A_77 : memref<!tpu.dma_semaphore, #tpu.memory_space<semaphore_mem>>) src(%arg18 : memref<1024xf32, #tpu.memory_space<vmem>>) dst(%dma_wait3A_79 : memref<1024xf32, #tpu.memory_space<hbm>>)
        tpu.yield
      }) : () -> ()
      %run_scoped3A_49 = arith.constant 0 : i32
      "tpu.region"() ({
        %run_scoped3A_77 = tpu.sem_alloc : memref<!tpu.dma_semaphore, #tpu.memory_space<semaphore_mem>>
        %dma_start3A = arith.constant 0 : i32
        %dma_start3A_78 = tpu.memref_slice %arg18[%dma_start3A] : memref<1024xf32, #tpu.memory_space<vmem>> -> memref<128xf32, #tpu.memory_space<vmem>>
        %dma_start3A_79 = arith.constant 0 : i32
        %dma_start3A_80 = tpu.memref_slice %arg22[%run_scoped3A_49, %dma_start3A_79] : memref<8x128xi32, #tpu.memory_space<vmem>> -> memref<1x128xi32, #tpu.memory_space<vmem>>
        %dma_start3A_81 = tpu.memref_squeeze %dma_start3A_80 : memref<1x128xi32, #tpu.memory_space<vmem>> -> memref<128xi32, #tpu.memory_space<vmem>>
        %dma_start3A_82 = arith.constant 0 : i32
        %dma_start3A_83 = tpu.memref_slice %arg26[%dma_start3A_82] : memref<40448xf32, #tpu.memory_space<vmem_shared>> -> memref<40448xf32, #tpu.memory_space<vmem_shared>>
        tpu.enqueue_indirect_dma source(%dma_start3A_78 : memref<128xf32, #tpu.memory_space<vmem>>) target(%dma_start3A_83 : memref<40448xf32, #tpu.memory_space<vmem_shared>>) offsets(%dma_start3A_81 : memref<128xi32, #tpu.memory_space<vmem>>) semaphore(%run_scoped3A_77 : memref<!tpu.dma_semaphore, #tpu.memory_space<semaphore_mem>>) {add = true}
        %dma_wait3A = arith.constant 0 : i32
        %dma_wait3A_84 = tpu.memref_slice %arg18[%dma_wait3A] : memref<1024xf32, #tpu.memory_space<vmem>> -> memref<128xf32, #tpu.memory_space<vmem>>
        %dma_wait3A_85 = arith.constant 0 : i32
        %dma_wait3A_86 = tpu.memref_slice %arg22[%run_scoped3A_49, %dma_wait3A_85] : memref<8x128xi32, #tpu.memory_space<vmem>> -> memref<1x128xi32, #tpu.memory_space<vmem>>
        %dma_wait3A_87 = tpu.memref_squeeze %dma_wait3A_86 : memref<1x128xi32, #tpu.memory_space<vmem>> -> memref<128xi32, #tpu.memory_space<vmem>>
        %dma_wait3A_88 = arith.constant 0 : i32
        %dma_wait3A_89 = tpu.memref_slice %arg26[%dma_wait3A_88] : memref<40448xf32, #tpu.memory_space<vmem_shared>> -> memref<40448xf32, #tpu.memory_space<vmem_shared>>
        tpu.wait_indirect_dma semaphore(%run_scoped3A_77 : memref<!tpu.dma_semaphore, #tpu.memory_space<semaphore_mem>>) src(%dma_wait3A_84 : memref<128xf32, #tpu.memory_space<vmem>>) dst(%dma_wait3A_89 : memref<40448xf32, #tpu.memory_space<vmem_shared>>)
        tpu.yield
      }) : () -> ()
      %run_scoped3A_50 = arith.constant 1 : i32
      "tpu.region"() ({
        %run_scoped3A_77 = tpu.sem_alloc : memref<!tpu.dma_semaphore, #tpu.memory_space<semaphore_mem>>
        %dma_start3A = arith.constant 128 : i32
        %dma_start3A_78 = tpu.memref_slice %arg18[%dma_start3A] : memref<1024xf32, #tpu.memory_space<vmem>> -> memref<128xf32, #tpu.memory_space<vmem>>
        %dma_start3A_79 = arith.constant 0 : i32
        %dma_start3A_80 = tpu.memref_slice %arg22[%run_scoped3A_50, %dma_start3A_79] : memref<8x128xi32, #tpu.memory_space<vmem>> -> memref<1x128xi32, #tpu.memory_space<vmem>>
        %dma_start3A_81 = tpu.memref_squeeze %dma_start3A_80 : memref<1x128xi32, #tpu.memory_space<vmem>> -> memref<128xi32, #tpu.memory_space<vmem>>
        %dma_start3A_82 = arith.constant 0 : i32
        %dma_start3A_83 = tpu.memref_slice %arg26[%dma_start3A_82] : memref<40448xf32, #tpu.memory_space<vmem_shared>> -> memref<40448xf32, #tpu.memory_space<vmem_shared>>
        tpu.enqueue_indirect_dma source(%dma_start3A_78 : memref<128xf32, #tpu.memory_space<vmem>>) target(%dma_start3A_83 : memref<40448xf32, #tpu.memory_space<vmem_shared>>) offsets(%dma_start3A_81 : memref<128xi32, #tpu.memory_space<vmem>>) semaphore(%run_scoped3A_77 : memref<!tpu.dma_semaphore, #tpu.memory_space<semaphore_mem>>) {add = true}
        %dma_wait3A = arith.constant 128 : i32
        %dma_wait3A_84 = tpu.memref_slice %arg18[%dma_wait3A] : memref<1024xf32, #tpu.memory_space<vmem>> -> memref<128xf32, #tpu.memory_space<vmem>>
        %dma_wait3A_85 = arith.constant 0 : i32
        %dma_wait3A_86 = tpu.memref_slice %arg22[%run_scoped3A_50, %dma_wait3A_85] : memref<8x128xi32, #tpu.memory_space<vmem>> -> memref<1x128xi32, #tpu.memory_space<vmem>>
        %dma_wait3A_87 = tpu.memref_squeeze %dma_wait3A_86 : memref<1x128xi32, #tpu.memory_space<vmem>> -> memref<128xi32, #tpu.memory_space<vmem>>
        %dma_wait3A_88 = arith.constant 0 : i32
        %dma_wait3A_89 = tpu.memref_slice %arg26[%dma_wait3A_88] : memref<40448xf32, #tpu.memory_space<vmem_shared>> -> memref<40448xf32, #tpu.memory_space<vmem_shared>>
        tpu.wait_indirect_dma semaphore(%run_scoped3A_77 : memref<!tpu.dma_semaphore, #tpu.memory_space<semaphore_mem>>) src(%dma_wait3A_84 : memref<128xf32, #tpu.memory_space<vmem>>) dst(%dma_wait3A_89 : memref<40448xf32, #tpu.memory_space<vmem_shared>>)
        tpu.yield
      }) : () -> ()
      %run_scoped3A_51 = arith.constant 2 : i32
      "tpu.region"() ({
        %run_scoped3A_77 = tpu.sem_alloc : memref<!tpu.dma_semaphore, #tpu.memory_space<semaphore_mem>>
        %dma_start3A = arith.constant 256 : i32
        %dma_start3A_78 = tpu.memref_slice %arg18[%dma_start3A] : memref<1024xf32, #tpu.memory_space<vmem>> -> memref<128xf32, #tpu.memory_space<vmem>>
        %dma_start3A_79 = arith.constant 0 : i32
        %dma_start3A_80 = tpu.memref_slice %arg22[%run_scoped3A_51, %dma_start3A_79] : memref<8x128xi32, #tpu.memory_space<vmem>> -> memref<1x128xi32, #tpu.memory_space<vmem>>
        %dma_start3A_81 = tpu.memref_squeeze %dma_start3A_80 : memref<1x128xi32, #tpu.memory_space<vmem>> -> memref<128xi32, #tpu.memory_space<vmem>>
        %dma_start3A_82 = arith.constant 0 : i32
        %dma_start3A_83 = tpu.memref_slice %arg26[%dma_start3A_82] : memref<40448xf32, #tpu.memory_space<vmem_shared>> -> memref<40448xf32, #tpu.memory_space<vmem_shared>>
        tpu.enqueue_indirect_dma source(%dma_start3A_78 : memref<128xf32, #tpu.memory_space<vmem>>) target(%dma_start3A_83 : memref<40448xf32, #tpu.memory_space<vmem_shared>>) offsets(%dma_start3A_81 : memref<128xi32, #tpu.memory_space<vmem>>) semaphore(%run_scoped3A_77 : memref<!tpu.dma_semaphore, #tpu.memory_space<semaphore_mem>>) {add = true}
        %dma_wait3A = arith.constant 256 : i32
        %dma_wait3A_84 = tpu.memref_slice %arg18[%dma_wait3A] : memref<1024xf32, #tpu.memory_space<vmem>> -> memref<128xf32, #tpu.memory_space<vmem>>
        %dma_wait3A_85 = arith.constant 0 : i32
        %dma_wait3A_86 = tpu.memref_slice %arg22[%run_scoped3A_51, %dma_wait3A_85] : memref<8x128xi32, #tpu.memory_space<vmem>> -> memref<1x128xi32, #tpu.memory_space<vmem>>
        %dma_wait3A_87 = tpu.memref_squeeze %dma_wait3A_86 : memref<1x128xi32, #tpu.memory_space<vmem>> -> memref<128xi32, #tpu.memory_space<vmem>>
        %dma_wait3A_88 = arith.constant 0 : i32
        %dma_wait3A_89 = tpu.memref_slice %arg26[%dma_wait3A_88] : memref<40448xf32, #tpu.memory_space<vmem_shared>> -> memref<40448xf32, #tpu.memory_space<vmem_shared>>
        tpu.wait_indirect_dma semaphore(%run_scoped3A_77 : memref<!tpu.dma_semaphore, #tpu.memory_space<semaphore_mem>>) src(%dma_wait3A_84 : memref<128xf32, #tpu.memory_space<vmem>>) dst(%dma_wait3A_89 : memref<40448xf32, #tpu.memory_space<vmem_shared>>)
        tpu.yield
      }) : () -> ()
      %run_scoped3A_52 = arith.constant 3 : i32
      "tpu.region"() ({
        %run_scoped3A_77 = tpu.sem_alloc : memref<!tpu.dma_semaphore, #tpu.memory_space<semaphore_mem>>
        %dma_start3A = arith.constant 384 : i32
        %dma_start3A_78 = tpu.memref_slice %arg18[%dma_start3A] : memref<1024xf32, #tpu.memory_space<vmem>> -> memref<128xf32, #tpu.memory_space<vmem>>
        %dma_start3A_79 = arith.constant 0 : i32
        %dma_start3A_80 = tpu.memref_slice %arg22[%run_scoped3A_52, %dma_start3A_79] : memref<8x128xi32, #tpu.memory_space<vmem>> -> memref<1x128xi32, #tpu.memory_space<vmem>>
        %dma_start3A_81 = tpu.memref_squeeze %dma_start3A_80 : memref<1x128xi32, #tpu.memory_space<vmem>> -> memref<128xi32, #tpu.memory_space<vmem>>
        %dma_start3A_82 = arith.constant 0 : i32
        %dma_start3A_83 = tpu.memref_slice %arg26[%dma_start3A_82] : memref<40448xf32, #tpu.memory_space<vmem_shared>> -> memref<40448xf32, #tpu.memory_space<vmem_shared>>
        tpu.enqueue_indirect_dma source(%dma_start3A_78 : memref<128xf32, #tpu.memory_space<vmem>>) target(%dma_start3A_83 : memref<40448xf32, #tpu.memory_space<vmem_shared>>) offsets(%dma_start3A_81 : memref<128xi32, #tpu.memory_space<vmem>>) semaphore(%run_scoped3A_77 : memref<!tpu.dma_semaphore, #tpu.memory_space<semaphore_mem>>) {add = true}
        %dma_wait3A = arith.constant 384 : i32
        %dma_wait3A_84 = tpu.memref_slice %arg18[%dma_wait3A] : memref<1024xf32, #tpu.memory_space<vmem>> -> memref<128xf32, #tpu.memory_space<vmem>>
        %dma_wait3A_85 = arith.constant 0 : i32
        %dma_wait3A_86 = tpu.memref_slice %arg22[%run_scoped3A_52, %dma_wait3A_85] : memref<8x128xi32, #tpu.memory_space<vmem>> -> memref<1x128xi32, #tpu.memory_space<vmem>>
        %dma_wait3A_87 = tpu.memref_squeeze %dma_wait3A_86 : memref<1x128xi32, #tpu.memory_space<vmem>> -> memref<128xi32, #tpu.memory_space<vmem>>
        %dma_wait3A_88 = arith.constant 0 : i32
        %dma_wait3A_89 = tpu.memref_slice %arg26[%dma_wait3A_88] : memref<40448xf32, #tpu.memory_space<vmem_shared>> -> memref<40448xf32, #tpu.memory_space<vmem_shared>>
        tpu.wait_indirect_dma semaphore(%run_scoped3A_77 : memref<!tpu.dma_semaphore, #tpu.memory_space<semaphore_mem>>) src(%dma_wait3A_84 : memref<128xf32, #tpu.memory_space<vmem>>) dst(%dma_wait3A_89 : memref<40448xf32, #tpu.memory_space<vmem_shared>>)
        tpu.yield
      }) : () -> ()
      %run_scoped3A_53 = arith.constant 4 : i32
      "tpu.region"() ({
        %run_scoped3A_77 = tpu.sem_alloc : memref<!tpu.dma_semaphore, #tpu.memory_space<semaphore_mem>>
        %dma_start3A = arith.constant 512 : i32
        %dma_start3A_78 = tpu.memref_slice %arg18[%dma_start3A] : memref<1024xf32, #tpu.memory_space<vmem>> -> memref<128xf32, #tpu.memory_space<vmem>>
        %dma_start3A_79 = arith.constant 0 : i32
        %dma_start3A_80 = tpu.memref_slice %arg22[%run_scoped3A_53, %dma_start3A_79] : memref<8x128xi32, #tpu.memory_space<vmem>> -> memref<1x128xi32, #tpu.memory_space<vmem>>
        %dma_start3A_81 = tpu.memref_squeeze %dma_start3A_80 : memref<1x128xi32, #tpu.memory_space<vmem>> -> memref<128xi32, #tpu.memory_space<vmem>>
        %dma_start3A_82 = arith.constant 0 : i32
        %dma_start3A_83 = tpu.memref_slice %arg26[%dma_start3A_82] : memref<40448xf32, #tpu.memory_space<vmem_shared>> -> memref<40448xf32, #tpu.memory_space<vmem_shared>>
        tpu.enqueue_indirect_dma source(%dma_start3A_78 : memref<128xf32, #tpu.memory_space<vmem>>) target(%dma_start3A_83 : memref<40448xf32, #tpu.memory_space<vmem_shared>>) offsets(%dma_start3A_81 : memref<128xi32, #tpu.memory_space<vmem>>) semaphore(%run_scoped3A_77 : memref<!tpu.dma_semaphore, #tpu.memory_space<semaphore_mem>>) {add = true}
        %dma_wait3A = arith.constant 512 : i32
        %dma_wait3A_84 = tpu.memref_slice %arg18[%dma_wait3A] : memref<1024xf32, #tpu.memory_space<vmem>> -> memref<128xf32, #tpu.memory_space<vmem>>
        %dma_wait3A_85 = arith.constant 0 : i32
        %dma_wait3A_86 = tpu.memref_slice %arg22[%run_scoped3A_53, %dma_wait3A_85] : memref<8x128xi32, #tpu.memory_space<vmem>> -> memref<1x128xi32, #tpu.memory_space<vmem>>
        %dma_wait3A_87 = tpu.memref_squeeze %dma_wait3A_86 : memref<1x128xi32, #tpu.memory_space<vmem>> -> memref<128xi32, #tpu.memory_space<vmem>>
        %dma_wait3A_88 = arith.constant 0 : i32
        %dma_wait3A_89 = tpu.memref_slice %arg26[%dma_wait3A_88] : memref<40448xf32, #tpu.memory_space<vmem_shared>> -> memref<40448xf32, #tpu.memory_space<vmem_shared>>
        tpu.wait_indirect_dma semaphore(%run_scoped3A_77 : memref<!tpu.dma_semaphore, #tpu.memory_space<semaphore_mem>>) src(%dma_wait3A_84 : memref<128xf32, #tpu.memory_space<vmem>>) dst(%dma_wait3A_89 : memref<40448xf32, #tpu.memory_space<vmem_shared>>)
        tpu.yield
      }) : () -> ()
      %run_scoped3A_54 = arith.constant 5 : i32
      "tpu.region"() ({
        %run_scoped3A_77 = tpu.sem_alloc : memref<!tpu.dma_semaphore, #tpu.memory_space<semaphore_mem>>
        %dma_start3A = arith.constant 640 : i32
        %dma_start3A_78 = tpu.memref_slice %arg18[%dma_start3A] : memref<1024xf32, #tpu.memory_space<vmem>> -> memref<128xf32, #tpu.memory_space<vmem>>
        %dma_start3A_79 = arith.constant 0 : i32
        %dma_start3A_80 = tpu.memref_slice %arg22[%run_scoped3A_54, %dma_start3A_79] : memref<8x128xi32, #tpu.memory_space<vmem>> -> memref<1x128xi32, #tpu.memory_space<vmem>>
        %dma_start3A_81 = tpu.memref_squeeze %dma_start3A_80 : memref<1x128xi32, #tpu.memory_space<vmem>> -> memref<128xi32, #tpu.memory_space<vmem>>
        %dma_start3A_82 = arith.constant 0 : i32
        %dma_start3A_83 = tpu.memref_slice %arg26[%dma_start3A_82] : memref<40448xf32, #tpu.memory_space<vmem_shared>> -> memref<40448xf32, #tpu.memory_space<vmem_shared>>
        tpu.enqueue_indirect_dma source(%dma_start3A_78 : memref<128xf32, #tpu.memory_space<vmem>>) target(%dma_start3A_83 : memref<40448xf32, #tpu.memory_space<vmem_shared>>) offsets(%dma_start3A_81 : memref<128xi32, #tpu.memory_space<vmem>>) semaphore(%run_scoped3A_77 : memref<!tpu.dma_semaphore, #tpu.memory_space<semaphore_mem>>) {add = true}
        %dma_wait3A = arith.constant 640 : i32
        %dma_wait3A_84 = tpu.memref_slice %arg18[%dma_wait3A] : memref<1024xf32, #tpu.memory_space<vmem>> -> memref<128xf32, #tpu.memory_space<vmem>>
        %dma_wait3A_85 = arith.constant 0 : i32
        %dma_wait3A_86 = tpu.memref_slice %arg22[%run_scoped3A_54, %dma_wait3A_85] : memref<8x128xi32, #tpu.memory_space<vmem>> -> memref<1x128xi32, #tpu.memory_space<vmem>>
        %dma_wait3A_87 = tpu.memref_squeeze %dma_wait3A_86 : memref<1x128xi32, #tpu.memory_space<vmem>> -> memref<128xi32, #tpu.memory_space<vmem>>
        %dma_wait3A_88 = arith.constant 0 : i32
        %dma_wait3A_89 = tpu.memref_slice %arg26[%dma_wait3A_88] : memref<40448xf32, #tpu.memory_space<vmem_shared>> -> memref<40448xf32, #tpu.memory_space<vmem_shared>>
        tpu.wait_indirect_dma semaphore(%run_scoped3A_77 : memref<!tpu.dma_semaphore, #tpu.memory_space<semaphore_mem>>) src(%dma_wait3A_84 : memref<128xf32, #tpu.memory_space<vmem>>) dst(%dma_wait3A_89 : memref<40448xf32, #tpu.memory_space<vmem_shared>>)
        tpu.yield
      }) : () -> ()
      %run_scoped3A_55 = arith.constant 6 : i32
      "tpu.region"() ({
        %run_scoped3A_77 = tpu.sem_alloc : memref<!tpu.dma_semaphore, #tpu.memory_space<semaphore_mem>>
        %dma_start3A = arith.constant 768 : i32
        %dma_start3A_78 = tpu.memref_slice %arg18[%dma_start3A] : memref<1024xf32, #tpu.memory_space<vmem>> -> memref<128xf32, #tpu.memory_space<vmem>>
        %dma_start3A_79 = arith.constant 0 : i32
        %dma_start3A_80 = tpu.memref_slice %arg22[%run_scoped3A_55, %dma_start3A_79] : memref<8x128xi32, #tpu.memory_space<vmem>> -> memref<1x128xi32, #tpu.memory_space<vmem>>
        %dma_start3A_81 = tpu.memref_squeeze %dma_start3A_80 : memref<1x128xi32, #tpu.memory_space<vmem>> -> memref<128xi32, #tpu.memory_space<vmem>>
        %dma_start3A_82 = arith.constant 0 : i32
        %dma_start3A_83 = tpu.memref_slice %arg26[%dma_start3A_82] : memref<40448xf32, #tpu.memory_space<vmem_shared>> -> memref<40448xf32, #tpu.memory_space<vmem_shared>>
        tpu.enqueue_indirect_dma source(%dma_start3A_78 : memref<128xf32, #tpu.memory_space<vmem>>) target(%dma_start3A_83 : memref<40448xf32, #tpu.memory_space<vmem_shared>>) offsets(%dma_start3A_81 : memref<128xi32, #tpu.memory_space<vmem>>) semaphore(%run_scoped3A_77 : memref<!tpu.dma_semaphore, #tpu.memory_space<semaphore_mem>>) {add = true}
        %dma_wait3A = arith.constant 768 : i32
        %dma_wait3A_84 = tpu.memref_slice %arg18[%dma_wait3A] : memref<1024xf32, #tpu.memory_space<vmem>> -> memref<128xf32, #tpu.memory_space<vmem>>
        %dma_wait3A_85 = arith.constant 0 : i32
        %dma_wait3A_86 = tpu.memref_slice %arg22[%run_scoped3A_55, %dma_wait3A_85] : memref<8x128xi32, #tpu.memory_space<vmem>> -> memref<1x128xi32, #tpu.memory_space<vmem>>
        %dma_wait3A_87 = tpu.memref_squeeze %dma_wait3A_86 : memref<1x128xi32, #tpu.memory_space<vmem>> -> memref<128xi32, #tpu.memory_space<vmem>>
        %dma_wait3A_88 = arith.constant 0 : i32
        %dma_wait3A_89 = tpu.memref_slice %arg26[%dma_wait3A_88] : memref<40448xf32, #tpu.memory_space<vmem_shared>> -> memref<40448xf32, #tpu.memory_space<vmem_shared>>
        tpu.wait_indirect_dma semaphore(%run_scoped3A_77 : memref<!tpu.dma_semaphore, #tpu.memory_space<semaphore_mem>>) src(%dma_wait3A_84 : memref<128xf32, #tpu.memory_space<vmem>>) dst(%dma_wait3A_89 : memref<40448xf32, #tpu.memory_space<vmem_shared>>)
        tpu.yield
      }) : () -> ()
      %run_scoped3A_56 = arith.constant 7 : i32
      "tpu.region"() ({
        %run_scoped3A_77 = tpu.sem_alloc : memref<!tpu.dma_semaphore, #tpu.memory_space<semaphore_mem>>
        %dma_start3A = arith.constant 896 : i32
        %dma_start3A_78 = tpu.memref_slice %arg18[%dma_start3A] : memref<1024xf32, #tpu.memory_space<vmem>> -> memref<128xf32, #tpu.memory_space<vmem>>
        %dma_start3A_79 = arith.constant 0 : i32
        %dma_start3A_80 = tpu.memref_slice %arg22[%run_scoped3A_56, %dma_start3A_79] : memref<8x128xi32, #tpu.memory_space<vmem>> -> memref<1x128xi32, #tpu.memory_space<vmem>>
        %dma_start3A_81 = tpu.memref_squeeze %dma_start3A_80 : memref<1x128xi32, #tpu.memory_space<vmem>> -> memref<128xi32, #tpu.memory_space<vmem>>
        %dma_start3A_82 = arith.constant 0 : i32
        %dma_start3A_83 = tpu.memref_slice %arg26[%dma_start3A_82] : memref<40448xf32, #tpu.memory_space<vmem_shared>> -> memref<40448xf32, #tpu.memory_space<vmem_shared>>
        tpu.enqueue_indirect_dma source(%dma_start3A_78 : memref<128xf32, #tpu.memory_space<vmem>>) target(%dma_start3A_83 : memref<40448xf32, #tpu.memory_space<vmem_shared>>) offsets(%dma_start3A_81 : memref<128xi32, #tpu.memory_space<vmem>>) semaphore(%run_scoped3A_77 : memref<!tpu.dma_semaphore, #tpu.memory_space<semaphore_mem>>) {add = true}
        %dma_wait3A = arith.constant 896 : i32
        %dma_wait3A_84 = tpu.memref_slice %arg18[%dma_wait3A] : memref<1024xf32, #tpu.memory_space<vmem>> -> memref<128xf32, #tpu.memory_space<vmem>>
        %dma_wait3A_85 = arith.constant 0 : i32
        %dma_wait3A_86 = tpu.memref_slice %arg22[%run_scoped3A_56, %dma_wait3A_85] : memref<8x128xi32, #tpu.memory_space<vmem>> -> memref<1x128xi32, #tpu.memory_space<vmem>>
        %dma_wait3A_87 = tpu.memref_squeeze %dma_wait3A_86 : memref<1x128xi32, #tpu.memory_space<vmem>> -> memref<128xi32, #tpu.memory_space<vmem>>
        %dma_wait3A_88 = arith.constant 0 : i32
        %dma_wait3A_89 = tpu.memref_slice %arg26[%dma_wait3A_88] : memref<40448xf32, #tpu.memory_space<vmem_shared>> -> memref<40448xf32, #tpu.memory_space<vmem_shared>>
        tpu.wait_indirect_dma semaphore(%run_scoped3A_77 : memref<!tpu.dma_semaphore, #tpu.memory_space<semaphore_mem>>) src(%dma_wait3A_84 : memref<128xf32, #tpu.memory_space<vmem>>) dst(%dma_wait3A_89 : memref<40448xf32, #tpu.memory_space<vmem_shared>>)
        tpu.yield
      }) : () -> ()
      %add3A_57 = arith.constant 327680 : i32
      %add3A_58 = arith.addi %add3A_57, %add3A_23 : i32
      "tpu.region"() ({
        %run_scoped3A_77 = tpu.sem_alloc : memref<!tpu.dma_semaphore, #tpu.memory_space<semaphore_mem>>
        %dma_start3A = tpu.memref_slice %arg7[%add3A_58] : memref<655360xf32, #tpu.memory_space<hbm>> -> memref<1024xf32, #tpu.memory_space<hbm>>
        %dma_start3A_78 = tpu.memref_slice %arg7[%add3A_58] : memref<655360xf32, #tpu.memory_space<hbm>> -> memref<1024xf32, #tpu.memory_space<hbm>>
        tpu.enqueue_dma source(%arg19 : memref<1024xf32, #tpu.memory_space<vmem>>) target(%dma_start3A_78 : memref<1024xf32, #tpu.memory_space<hbm>>) target_semaphore(%run_scoped3A_77 : memref<!tpu.dma_semaphore, #tpu.memory_space<semaphore_mem>>)
        %dma_wait3A = tpu.memref_slice %arg7[%add3A_58] : memref<655360xf32, #tpu.memory_space<hbm>> -> memref<1024xf32, #tpu.memory_space<hbm>>
        %dma_wait3A_79 = tpu.memref_slice %arg7[%add3A_58] : memref<655360xf32, #tpu.memory_space<hbm>> -> memref<1024xf32, #tpu.memory_space<hbm>>
        tpu.wait_dma2 semaphore(%run_scoped3A_77 : memref<!tpu.dma_semaphore, #tpu.memory_space<semaphore_mem>>) src(%arg19 : memref<1024xf32, #tpu.memory_space<vmem>>) dst(%dma_wait3A_79 : memref<1024xf32, #tpu.memory_space<hbm>>)
        tpu.yield
      }) : () -> ()
      %run_scoped3A_59 = arith.constant 0 : i32
      "tpu.region"() ({
        %run_scoped3A_77 = tpu.sem_alloc : memref<!tpu.dma_semaphore, #tpu.memory_space<semaphore_mem>>
        %dma_start3A = arith.constant 0 : i32
        %dma_start3A_78 = tpu.memref_slice %arg19[%dma_start3A] : memref<1024xf32, #tpu.memory_space<vmem>> -> memref<128xf32, #tpu.memory_space<vmem>>
        %dma_start3A_79 = arith.constant 0 : i32
        %dma_start3A_80 = tpu.memref_slice %arg23[%run_scoped3A_59, %dma_start3A_79] : memref<8x128xi32, #tpu.memory_space<vmem>> -> memref<1x128xi32, #tpu.memory_space<vmem>>
        %dma_start3A_81 = tpu.memref_squeeze %dma_start3A_80 : memref<1x128xi32, #tpu.memory_space<vmem>> -> memref<128xi32, #tpu.memory_space<vmem>>
        %dma_start3A_82 = arith.constant 0 : i32
        %dma_start3A_83 = tpu.memref_slice %arg26[%dma_start3A_82] : memref<40448xf32, #tpu.memory_space<vmem_shared>> -> memref<40448xf32, #tpu.memory_space<vmem_shared>>
        tpu.enqueue_indirect_dma source(%dma_start3A_78 : memref<128xf32, #tpu.memory_space<vmem>>) target(%dma_start3A_83 : memref<40448xf32, #tpu.memory_space<vmem_shared>>) offsets(%dma_start3A_81 : memref<128xi32, #tpu.memory_space<vmem>>) semaphore(%run_scoped3A_77 : memref<!tpu.dma_semaphore, #tpu.memory_space<semaphore_mem>>) {add = true}
        %dma_wait3A = arith.constant 0 : i32
        %dma_wait3A_84 = tpu.memref_slice %arg19[%dma_wait3A] : memref<1024xf32, #tpu.memory_space<vmem>> -> memref<128xf32, #tpu.memory_space<vmem>>
        %dma_wait3A_85 = arith.constant 0 : i32
        %dma_wait3A_86 = tpu.memref_slice %arg23[%run_scoped3A_59, %dma_wait3A_85] : memref<8x128xi32, #tpu.memory_space<vmem>> -> memref<1x128xi32, #tpu.memory_space<vmem>>
        %dma_wait3A_87 = tpu.memref_squeeze %dma_wait3A_86 : memref<1x128xi32, #tpu.memory_space<vmem>> -> memref<128xi32, #tpu.memory_space<vmem>>
        %dma_wait3A_88 = arith.constant 0 : i32
        %dma_wait3A_89 = tpu.memref_slice %arg26[%dma_wait3A_88] : memref<40448xf32, #tpu.memory_space<vmem_shared>> -> memref<40448xf32, #tpu.memory_space<vmem_shared>>
        tpu.wait_indirect_dma semaphore(%run_scoped3A_77 : memref<!tpu.dma_semaphore, #tpu.memory_space<semaphore_mem>>) src(%dma_wait3A_84 : memref<128xf32, #tpu.memory_space<vmem>>) dst(%dma_wait3A_89 : memref<40448xf32, #tpu.memory_space<vmem_shared>>)
        tpu.yield
      }) : () -> ()
      %run_scoped3A_60 = arith.constant 1 : i32
      "tpu.region"() ({
        %run_scoped3A_77 = tpu.sem_alloc : memref<!tpu.dma_semaphore, #tpu.memory_space<semaphore_mem>>
        %dma_start3A = arith.constant 128 : i32
        %dma_start3A_78 = tpu.memref_slice %arg19[%dma_start3A] : memref<1024xf32, #tpu.memory_space<vmem>> -> memref<128xf32, #tpu.memory_space<vmem>>
        %dma_start3A_79 = arith.constant 0 : i32
        %dma_start3A_80 = tpu.memref_slice %arg23[%run_scoped3A_60, %dma_start3A_79] : memref<8x128xi32, #tpu.memory_space<vmem>> -> memref<1x128xi32, #tpu.memory_space<vmem>>
        %dma_start3A_81 = tpu.memref_squeeze %dma_start3A_80 : memref<1x128xi32, #tpu.memory_space<vmem>> -> memref<128xi32, #tpu.memory_space<vmem>>
        %dma_start3A_82 = arith.constant 0 : i32
        %dma_start3A_83 = tpu.memref_slice %arg26[%dma_start3A_82] : memref<40448xf32, #tpu.memory_space<vmem_shared>> -> memref<40448xf32, #tpu.memory_space<vmem_shared>>
        tpu.enqueue_indirect_dma source(%dma_start3A_78 : memref<128xf32, #tpu.memory_space<vmem>>) target(%dma_start3A_83 : memref<40448xf32, #tpu.memory_space<vmem_shared>>) offsets(%dma_start3A_81 : memref<128xi32, #tpu.memory_space<vmem>>) semaphore(%run_scoped3A_77 : memref<!tpu.dma_semaphore, #tpu.memory_space<semaphore_mem>>) {add = true}
        %dma_wait3A = arith.constant 128 : i32
        %dma_wait3A_84 = tpu.memref_slice %arg19[%dma_wait3A] : memref<1024xf32, #tpu.memory_space<vmem>> -> memref<128xf32, #tpu.memory_space<vmem>>
        %dma_wait3A_85 = arith.constant 0 : i32
        %dma_wait3A_86 = tpu.memref_slice %arg23[%run_scoped3A_60, %dma_wait3A_85] : memref<8x128xi32, #tpu.memory_space<vmem>> -> memref<1x128xi32, #tpu.memory_space<vmem>>
        %dma_wait3A_87 = tpu.memref_squeeze %dma_wait3A_86 : memref<1x128xi32, #tpu.memory_space<vmem>> -> memref<128xi32, #tpu.memory_space<vmem>>
        %dma_wait3A_88 = arith.constant 0 : i32
        %dma_wait3A_89 = tpu.memref_slice %arg26[%dma_wait3A_88] : memref<40448xf32, #tpu.memory_space<vmem_shared>> -> memref<40448xf32, #tpu.memory_space<vmem_shared>>
        tpu.wait_indirect_dma semaphore(%run_scoped3A_77 : memref<!tpu.dma_semaphore, #tpu.memory_space<semaphore_mem>>) src(%dma_wait3A_84 : memref<128xf32, #tpu.memory_space<vmem>>) dst(%dma_wait3A_89 : memref<40448xf32, #tpu.memory_space<vmem_shared>>)
        tpu.yield
      }) : () -> ()
      %run_scoped3A_61 = arith.constant 2 : i32
      "tpu.region"() ({
        %run_scoped3A_77 = tpu.sem_alloc : memref<!tpu.dma_semaphore, #tpu.memory_space<semaphore_mem>>
        %dma_start3A = arith.constant 256 : i32
        %dma_start3A_78 = tpu.memref_slice %arg19[%dma_start3A] : memref<1024xf32, #tpu.memory_space<vmem>> -> memref<128xf32, #tpu.memory_space<vmem>>
        %dma_start3A_79 = arith.constant 0 : i32
        %dma_start3A_80 = tpu.memref_slice %arg23[%run_scoped3A_61, %dma_start3A_79] : memref<8x128xi32, #tpu.memory_space<vmem>> -> memref<1x128xi32, #tpu.memory_space<vmem>>
        %dma_start3A_81 = tpu.memref_squeeze %dma_start3A_80 : memref<1x128xi32, #tpu.memory_space<vmem>> -> memref<128xi32, #tpu.memory_space<vmem>>
        %dma_start3A_82 = arith.constant 0 : i32
        %dma_start3A_83 = tpu.memref_slice %arg26[%dma_start3A_82] : memref<40448xf32, #tpu.memory_space<vmem_shared>> -> memref<40448xf32, #tpu.memory_space<vmem_shared>>
        tpu.enqueue_indirect_dma source(%dma_start3A_78 : memref<128xf32, #tpu.memory_space<vmem>>) target(%dma_start3A_83 : memref<40448xf32, #tpu.memory_space<vmem_shared>>) offsets(%dma_start3A_81 : memref<128xi32, #tpu.memory_space<vmem>>) semaphore(%run_scoped3A_77 : memref<!tpu.dma_semaphore, #tpu.memory_space<semaphore_mem>>) {add = true}
        %dma_wait3A = arith.constant 256 : i32
        %dma_wait3A_84 = tpu.memref_slice %arg19[%dma_wait3A] : memref<1024xf32, #tpu.memory_space<vmem>> -> memref<128xf32, #tpu.memory_space<vmem>>
        %dma_wait3A_85 = arith.constant 0 : i32
        %dma_wait3A_86 = tpu.memref_slice %arg23[%run_scoped3A_61, %dma_wait3A_85] : memref<8x128xi32, #tpu.memory_space<vmem>> -> memref<1x128xi32, #tpu.memory_space<vmem>>
        %dma_wait3A_87 = tpu.memref_squeeze %dma_wait3A_86 : memref<1x128xi32, #tpu.memory_space<vmem>> -> memref<128xi32, #tpu.memory_space<vmem>>
        %dma_wait3A_88 = arith.constant 0 : i32
        %dma_wait3A_89 = tpu.memref_slice %arg26[%dma_wait3A_88] : memref<40448xf32, #tpu.memory_space<vmem_shared>> -> memref<40448xf32, #tpu.memory_space<vmem_shared>>
        tpu.wait_indirect_dma semaphore(%run_scoped3A_77 : memref<!tpu.dma_semaphore, #tpu.memory_space<semaphore_mem>>) src(%dma_wait3A_84 : memref<128xf32, #tpu.memory_space<vmem>>) dst(%dma_wait3A_89 : memref<40448xf32, #tpu.memory_space<vmem_shared>>)
        tpu.yield
      }) : () -> ()
      %run_scoped3A_62 = arith.constant 3 : i32
      "tpu.region"() ({
        %run_scoped3A_77 = tpu.sem_alloc : memref<!tpu.dma_semaphore, #tpu.memory_space<semaphore_mem>>
        %dma_start3A = arith.constant 384 : i32
        %dma_start3A_78 = tpu.memref_slice %arg19[%dma_start3A] : memref<1024xf32, #tpu.memory_space<vmem>> -> memref<128xf32, #tpu.memory_space<vmem>>
        %dma_start3A_79 = arith.constant 0 : i32
        %dma_start3A_80 = tpu.memref_slice %arg23[%run_scoped3A_62, %dma_start3A_79] : memref<8x128xi32, #tpu.memory_space<vmem>> -> memref<1x128xi32, #tpu.memory_space<vmem>>
        %dma_start3A_81 = tpu.memref_squeeze %dma_start3A_80 : memref<1x128xi32, #tpu.memory_space<vmem>> -> memref<128xi32, #tpu.memory_space<vmem>>
        %dma_start3A_82 = arith.constant 0 : i32
        %dma_start3A_83 = tpu.memref_slice %arg26[%dma_start3A_82] : memref<40448xf32, #tpu.memory_space<vmem_shared>> -> memref<40448xf32, #tpu.memory_space<vmem_shared>>
        tpu.enqueue_indirect_dma source(%dma_start3A_78 : memref<128xf32, #tpu.memory_space<vmem>>) target(%dma_start3A_83 : memref<40448xf32, #tpu.memory_space<vmem_shared>>) offsets(%dma_start3A_81 : memref<128xi32, #tpu.memory_space<vmem>>) semaphore(%run_scoped3A_77 : memref<!tpu.dma_semaphore, #tpu.memory_space<semaphore_mem>>) {add = true}
        %dma_wait3A = arith.constant 384 : i32
        %dma_wait3A_84 = tpu.memref_slice %arg19[%dma_wait3A] : memref<1024xf32, #tpu.memory_space<vmem>> -> memref<128xf32, #tpu.memory_space<vmem>>
        %dma_wait3A_85 = arith.constant 0 : i32
        %dma_wait3A_86 = tpu.memref_slice %arg23[%run_scoped3A_62, %dma_wait3A_85] : memref<8x128xi32, #tpu.memory_space<vmem>> -> memref<1x128xi32, #tpu.memory_space<vmem>>
        %dma_wait3A_87 = tpu.memref_squeeze %dma_wait3A_86 : memref<1x128xi32, #tpu.memory_space<vmem>> -> memref<128xi32, #tpu.memory_space<vmem>>
        %dma_wait3A_88 = arith.constant 0 : i32
        %dma_wait3A_89 = tpu.memref_slice %arg26[%dma_wait3A_88] : memref<40448xf32, #tpu.memory_space<vmem_shared>> -> memref<40448xf32, #tpu.memory_space<vmem_shared>>
        tpu.wait_indirect_dma semaphore(%run_scoped3A_77 : memref<!tpu.dma_semaphore, #tpu.memory_space<semaphore_mem>>) src(%dma_wait3A_84 : memref<128xf32, #tpu.memory_space<vmem>>) dst(%dma_wait3A_89 : memref<40448xf32, #tpu.memory_space<vmem_shared>>)
        tpu.yield
      }) : () -> ()
      %run_scoped3A_63 = arith.constant 4 : i32
      "tpu.region"() ({
        %run_scoped3A_77 = tpu.sem_alloc : memref<!tpu.dma_semaphore, #tpu.memory_space<semaphore_mem>>
        %dma_start3A = arith.constant 512 : i32
        %dma_start3A_78 = tpu.memref_slice %arg19[%dma_start3A] : memref<1024xf32, #tpu.memory_space<vmem>> -> memref<128xf32, #tpu.memory_space<vmem>>
        %dma_start3A_79 = arith.constant 0 : i32
        %dma_start3A_80 = tpu.memref_slice %arg23[%run_scoped3A_63, %dma_start3A_79] : memref<8x128xi32, #tpu.memory_space<vmem>> -> memref<1x128xi32, #tpu.memory_space<vmem>>
        %dma_start3A_81 = tpu.memref_squeeze %dma_start3A_80 : memref<1x128xi32, #tpu.memory_space<vmem>> -> memref<128xi32, #tpu.memory_space<vmem>>
        %dma_start3A_82 = arith.constant 0 : i32
        %dma_start3A_83 = tpu.memref_slice %arg26[%dma_start3A_82] : memref<40448xf32, #tpu.memory_space<vmem_shared>> -> memref<40448xf32, #tpu.memory_space<vmem_shared>>
        tpu.enqueue_indirect_dma source(%dma_start3A_78 : memref<128xf32, #tpu.memory_space<vmem>>) target(%dma_start3A_83 : memref<40448xf32, #tpu.memory_space<vmem_shared>>) offsets(%dma_start3A_81 : memref<128xi32, #tpu.memory_space<vmem>>) semaphore(%run_scoped3A_77 : memref<!tpu.dma_semaphore, #tpu.memory_space<semaphore_mem>>) {add = true}
        %dma_wait3A = arith.constant 512 : i32
        %dma_wait3A_84 = tpu.memref_slice %arg19[%dma_wait3A] : memref<1024xf32, #tpu.memory_space<vmem>> -> memref<128xf32, #tpu.memory_space<vmem>>
        %dma_wait3A_85 = arith.constant 0 : i32
        %dma_wait3A_86 = tpu.memref_slice %arg23[%run_scoped3A_63, %dma_wait3A_85] : memref<8x128xi32, #tpu.memory_space<vmem>> -> memref<1x128xi32, #tpu.memory_space<vmem>>
        %dma_wait3A_87 = tpu.memref_squeeze %dma_wait3A_86 : memref<1x128xi32, #tpu.memory_space<vmem>> -> memref<128xi32, #tpu.memory_space<vmem>>
        %dma_wait3A_88 = arith.constant 0 : i32
        %dma_wait3A_89 = tpu.memref_slice %arg26[%dma_wait3A_88] : memref<40448xf32, #tpu.memory_space<vmem_shared>> -> memref<40448xf32, #tpu.memory_space<vmem_shared>>
        tpu.wait_indirect_dma semaphore(%run_scoped3A_77 : memref<!tpu.dma_semaphore, #tpu.memory_space<semaphore_mem>>) src(%dma_wait3A_84 : memref<128xf32, #tpu.memory_space<vmem>>) dst(%dma_wait3A_89 : memref<40448xf32, #tpu.memory_space<vmem_shared>>)
        tpu.yield
      }) : () -> ()
      %run_scoped3A_64 = arith.constant 5 : i32
      "tpu.region"() ({
        %run_scoped3A_77 = tpu.sem_alloc : memref<!tpu.dma_semaphore, #tpu.memory_space<semaphore_mem>>
        %dma_start3A = arith.constant 640 : i32
        %dma_start3A_78 = tpu.memref_slice %arg19[%dma_start3A] : memref<1024xf32, #tpu.memory_space<vmem>> -> memref<128xf32, #tpu.memory_space<vmem>>
        %dma_start3A_79 = arith.constant 0 : i32
        %dma_start3A_80 = tpu.memref_slice %arg23[%run_scoped3A_64, %dma_start3A_79] : memref<8x128xi32, #tpu.memory_space<vmem>> -> memref<1x128xi32, #tpu.memory_space<vmem>>
        %dma_start3A_81 = tpu.memref_squeeze %dma_start3A_80 : memref<1x128xi32, #tpu.memory_space<vmem>> -> memref<128xi32, #tpu.memory_space<vmem>>
        %dma_start3A_82 = arith.constant 0 : i32
        %dma_start3A_83 = tpu.memref_slice %arg26[%dma_start3A_82] : memref<40448xf32, #tpu.memory_space<vmem_shared>> -> memref<40448xf32, #tpu.memory_space<vmem_shared>>
        tpu.enqueue_indirect_dma source(%dma_start3A_78 : memref<128xf32, #tpu.memory_space<vmem>>) target(%dma_start3A_83 : memref<40448xf32, #tpu.memory_space<vmem_shared>>) offsets(%dma_start3A_81 : memref<128xi32, #tpu.memory_space<vmem>>) semaphore(%run_scoped3A_77 : memref<!tpu.dma_semaphore, #tpu.memory_space<semaphore_mem>>) {add = true}
        %dma_wait3A = arith.constant 640 : i32
        %dma_wait3A_84 = tpu.memref_slice %arg19[%dma_wait3A] : memref<1024xf32, #tpu.memory_space<vmem>> -> memref<128xf32, #tpu.memory_space<vmem>>
        %dma_wait3A_85 = arith.constant 0 : i32
        %dma_wait3A_86 = tpu.memref_slice %arg23[%run_scoped3A_64, %dma_wait3A_85] : memref<8x128xi32, #tpu.memory_space<vmem>> -> memref<1x128xi32, #tpu.memory_space<vmem>>
        %dma_wait3A_87 = tpu.memref_squeeze %dma_wait3A_86 : memref<1x128xi32, #tpu.memory_space<vmem>> -> memref<128xi32, #tpu.memory_space<vmem>>
        %dma_wait3A_88 = arith.constant 0 : i32
        %dma_wait3A_89 = tpu.memref_slice %arg26[%dma_wait3A_88] : memref<40448xf32, #tpu.memory_space<vmem_shared>> -> memref<40448xf32, #tpu.memory_space<vmem_shared>>
        tpu.wait_indirect_dma semaphore(%run_scoped3A_77 : memref<!tpu.dma_semaphore, #tpu.memory_space<semaphore_mem>>) src(%dma_wait3A_84 : memref<128xf32, #tpu.memory_space<vmem>>) dst(%dma_wait3A_89 : memref<40448xf32, #tpu.memory_space<vmem_shared>>)
        tpu.yield
      }) : () -> ()
      %run_scoped3A_65 = arith.constant 6 : i32
      "tpu.region"() ({
        %run_scoped3A_77 = tpu.sem_alloc : memref<!tpu.dma_semaphore, #tpu.memory_space<semaphore_mem>>
        %dma_start3A = arith.constant 768 : i32
        %dma_start3A_78 = tpu.memref_slice %arg19[%dma_start3A] : memref<1024xf32, #tpu.memory_space<vmem>> -> memref<128xf32, #tpu.memory_space<vmem>>
        %dma_start3A_79 = arith.constant 0 : i32
        %dma_start3A_80 = tpu.memref_slice %arg23[%run_scoped3A_65, %dma_start3A_79] : memref<8x128xi32, #tpu.memory_space<vmem>> -> memref<1x128xi32, #tpu.memory_space<vmem>>
        %dma_start3A_81 = tpu.memref_squeeze %dma_start3A_80 : memref<1x128xi32, #tpu.memory_space<vmem>> -> memref<128xi32, #tpu.memory_space<vmem>>
        %dma_start3A_82 = arith.constant 0 : i32
        %dma_start3A_83 = tpu.memref_slice %arg26[%dma_start3A_82] : memref<40448xf32, #tpu.memory_space<vmem_shared>> -> memref<40448xf32, #tpu.memory_space<vmem_shared>>
        tpu.enqueue_indirect_dma source(%dma_start3A_78 : memref<128xf32, #tpu.memory_space<vmem>>) target(%dma_start3A_83 : memref<40448xf32, #tpu.memory_space<vmem_shared>>) offsets(%dma_start3A_81 : memref<128xi32, #tpu.memory_space<vmem>>) semaphore(%run_scoped3A_77 : memref<!tpu.dma_semaphore, #tpu.memory_space<semaphore_mem>>) {add = true}
        %dma_wait3A = arith.constant 768 : i32
        %dma_wait3A_84 = tpu.memref_slice %arg19[%dma_wait3A] : memref<1024xf32, #tpu.memory_space<vmem>> -> memref<128xf32, #tpu.memory_space<vmem>>
        %dma_wait3A_85 = arith.constant 0 : i32
        %dma_wait3A_86 = tpu.memref_slice %arg23[%run_scoped3A_65, %dma_wait3A_85] : memref<8x128xi32, #tpu.memory_space<vmem>> -> memref<1x128xi32, #tpu.memory_space<vmem>>
        %dma_wait3A_87 = tpu.memref_squeeze %dma_wait3A_86 : memref<1x128xi32, #tpu.memory_space<vmem>> -> memref<128xi32, #tpu.memory_space<vmem>>
        %dma_wait3A_88 = arith.constant 0 : i32
        %dma_wait3A_89 = tpu.memref_slice %arg26[%dma_wait3A_88] : memref<40448xf32, #tpu.memory_space<vmem_shared>> -> memref<40448xf32, #tpu.memory_space<vmem_shared>>
        tpu.wait_indirect_dma semaphore(%run_scoped3A_77 : memref<!tpu.dma_semaphore, #tpu.memory_space<semaphore_mem>>) src(%dma_wait3A_84 : memref<128xf32, #tpu.memory_space<vmem>>) dst(%dma_wait3A_89 : memref<40448xf32, #tpu.memory_space<vmem_shared>>)
        tpu.yield
      }) : () -> ()
      %run_scoped3A_66 = arith.constant 7 : i32
      "tpu.region"() ({
        %run_scoped3A_77 = tpu.sem_alloc : memref<!tpu.dma_semaphore, #tpu.memory_space<semaphore_mem>>
        %dma_start3A = arith.constant 896 : i32
        %dma_start3A_78 = tpu.memref_slice %arg19[%dma_start3A] : memref<1024xf32, #tpu.memory_space<vmem>> -> memref<128xf32, #tpu.memory_space<vmem>>
        %dma_start3A_79 = arith.constant 0 : i32
        %dma_start3A_80 = tpu.memref_slice %arg23[%run_scoped3A_66, %dma_start3A_79] : memref<8x128xi32, #tpu.memory_space<vmem>> -> memref<1x128xi32, #tpu.memory_space<vmem>>
        %dma_start3A_81 = tpu.memref_squeeze %dma_start3A_80 : memref<1x128xi32, #tpu.memory_space<vmem>> -> memref<128xi32, #tpu.memory_space<vmem>>
        %dma_start3A_82 = arith.constant 0 : i32
        %dma_start3A_83 = tpu.memref_slice %arg26[%dma_start3A_82] : memref<40448xf32, #tpu.memory_space<vmem_shared>> -> memref<40448xf32, #tpu.memory_space<vmem_shared>>
        tpu.enqueue_indirect_dma source(%dma_start3A_78 : memref<128xf32, #tpu.memory_space<vmem>>) target(%dma_start3A_83 : memref<40448xf32, #tpu.memory_space<vmem_shared>>) offsets(%dma_start3A_81 : memref<128xi32, #tpu.memory_space<vmem>>) semaphore(%run_scoped3A_77 : memref<!tpu.dma_semaphore, #tpu.memory_space<semaphore_mem>>) {add = true}
        %dma_wait3A = arith.constant 896 : i32
        %dma_wait3A_84 = tpu.memref_slice %arg19[%dma_wait3A] : memref<1024xf32, #tpu.memory_space<vmem>> -> memref<128xf32, #tpu.memory_space<vmem>>
        %dma_wait3A_85 = arith.constant 0 : i32
        %dma_wait3A_86 = tpu.memref_slice %arg23[%run_scoped3A_66, %dma_wait3A_85] : memref<8x128xi32, #tpu.memory_space<vmem>> -> memref<1x128xi32, #tpu.memory_space<vmem>>
        %dma_wait3A_87 = tpu.memref_squeeze %dma_wait3A_86 : memref<1x128xi32, #tpu.memory_space<vmem>> -> memref<128xi32, #tpu.memory_space<vmem>>
        %dma_wait3A_88 = arith.constant 0 : i32
        %dma_wait3A_89 = tpu.memref_slice %arg26[%dma_wait3A_88] : memref<40448xf32, #tpu.memory_space<vmem_shared>> -> memref<40448xf32, #tpu.memory_space<vmem_shared>>
        tpu.wait_indirect_dma semaphore(%run_scoped3A_77 : memref<!tpu.dma_semaphore, #tpu.memory_space<semaphore_mem>>) src(%dma_wait3A_84 : memref<128xf32, #tpu.memory_space<vmem>>) dst(%dma_wait3A_89 : memref<40448xf32, #tpu.memory_space<vmem_shared>>)
        tpu.yield
      }) : () -> ()
      %add3A_67 = arith.constant 491520 : i32
      %add3A_68 = arith.addi %add3A_67, %add3A_23 : i32
      "tpu.region"() ({
        %run_scoped3A_77 = tpu.sem_alloc : memref<!tpu.dma_semaphore, #tpu.memory_space<semaphore_mem>>
        %dma_start3A = tpu.memref_slice %arg7[%add3A_68] : memref<655360xf32, #tpu.memory_space<hbm>> -> memref<1024xf32, #tpu.memory_space<hbm>>
        %dma_start3A_78 = tpu.memref_slice %arg7[%add3A_68] : memref<655360xf32, #tpu.memory_space<hbm>> -> memref<1024xf32, #tpu.memory_space<hbm>>
        tpu.enqueue_dma source(%arg20 : memref<1024xf32, #tpu.memory_space<vmem>>) target(%dma_start3A_78 : memref<1024xf32, #tpu.memory_space<hbm>>) target_semaphore(%run_scoped3A_77 : memref<!tpu.dma_semaphore, #tpu.memory_space<semaphore_mem>>)
        %dma_wait3A = tpu.memref_slice %arg7[%add3A_68] : memref<655360xf32, #tpu.memory_space<hbm>> -> memref<1024xf32, #tpu.memory_space<hbm>>
        %dma_wait3A_79 = tpu.memref_slice %arg7[%add3A_68] : memref<655360xf32, #tpu.memory_space<hbm>> -> memref<1024xf32, #tpu.memory_space<hbm>>
        tpu.wait_dma2 semaphore(%run_scoped3A_77 : memref<!tpu.dma_semaphore, #tpu.memory_space<semaphore_mem>>) src(%arg20 : memref<1024xf32, #tpu.memory_space<vmem>>) dst(%dma_wait3A_79 : memref<1024xf32, #tpu.memory_space<hbm>>)
        tpu.yield
      }) : () -> ()
      %run_scoped3A_69 = arith.constant 0 : i32
      "tpu.region"() ({
        %run_scoped3A_77 = tpu.sem_alloc : memref<!tpu.dma_semaphore, #tpu.memory_space<semaphore_mem>>
        %dma_start3A = arith.constant 0 : i32
        %dma_start3A_78 = tpu.memref_slice %arg20[%dma_start3A] : memref<1024xf32, #tpu.memory_space<vmem>> -> memref<128xf32, #tpu.memory_space<vmem>>
        %dma_start3A_79 = arith.constant 0 : i32
        %dma_start3A_80 = tpu.memref_slice %arg24[%run_scoped3A_69, %dma_start3A_79] : memref<8x128xi32, #tpu.memory_space<vmem>> -> memref<1x128xi32, #tpu.memory_space<vmem>>
        %dma_start3A_81 = tpu.memref_squeeze %dma_start3A_80 : memref<1x128xi32, #tpu.memory_space<vmem>> -> memref<128xi32, #tpu.memory_space<vmem>>
        %dma_start3A_82 = arith.constant 0 : i32
        %dma_start3A_83 = tpu.memref_slice %arg26[%dma_start3A_82] : memref<40448xf32, #tpu.memory_space<vmem_shared>> -> memref<40448xf32, #tpu.memory_space<vmem_shared>>
        tpu.enqueue_indirect_dma source(%dma_start3A_78 : memref<128xf32, #tpu.memory_space<vmem>>) target(%dma_start3A_83 : memref<40448xf32, #tpu.memory_space<vmem_shared>>) offsets(%dma_start3A_81 : memref<128xi32, #tpu.memory_space<vmem>>) semaphore(%run_scoped3A_77 : memref<!tpu.dma_semaphore, #tpu.memory_space<semaphore_mem>>) {add = true}
        %dma_wait3A = arith.constant 0 : i32
        %dma_wait3A_84 = tpu.memref_slice %arg20[%dma_wait3A] : memref<1024xf32, #tpu.memory_space<vmem>> -> memref<128xf32, #tpu.memory_space<vmem>>
        %dma_wait3A_85 = arith.constant 0 : i32
        %dma_wait3A_86 = tpu.memref_slice %arg24[%run_scoped3A_69, %dma_wait3A_85] : memref<8x128xi32, #tpu.memory_space<vmem>> -> memref<1x128xi32, #tpu.memory_space<vmem>>
        %dma_wait3A_87 = tpu.memref_squeeze %dma_wait3A_86 : memref<1x128xi32, #tpu.memory_space<vmem>> -> memref<128xi32, #tpu.memory_space<vmem>>
        %dma_wait3A_88 = arith.constant 0 : i32
        %dma_wait3A_89 = tpu.memref_slice %arg26[%dma_wait3A_88] : memref<40448xf32, #tpu.memory_space<vmem_shared>> -> memref<40448xf32, #tpu.memory_space<vmem_shared>>
        tpu.wait_indirect_dma semaphore(%run_scoped3A_77 : memref<!tpu.dma_semaphore, #tpu.memory_space<semaphore_mem>>) src(%dma_wait3A_84 : memref<128xf32, #tpu.memory_space<vmem>>) dst(%dma_wait3A_89 : memref<40448xf32, #tpu.memory_space<vmem_shared>>)
        tpu.yield
      }) : () -> ()
      %run_scoped3A_70 = arith.constant 1 : i32
      "tpu.region"() ({
        %run_scoped3A_77 = tpu.sem_alloc : memref<!tpu.dma_semaphore, #tpu.memory_space<semaphore_mem>>
        %dma_start3A = arith.constant 128 : i32
        %dma_start3A_78 = tpu.memref_slice %arg20[%dma_start3A] : memref<1024xf32, #tpu.memory_space<vmem>> -> memref<128xf32, #tpu.memory_space<vmem>>
        %dma_start3A_79 = arith.constant 0 : i32
        %dma_start3A_80 = tpu.memref_slice %arg24[%run_scoped3A_70, %dma_start3A_79] : memref<8x128xi32, #tpu.memory_space<vmem>> -> memref<1x128xi32, #tpu.memory_space<vmem>>
        %dma_start3A_81 = tpu.memref_squeeze %dma_start3A_80 : memref<1x128xi32, #tpu.memory_space<vmem>> -> memref<128xi32, #tpu.memory_space<vmem>>
        %dma_start3A_82 = arith.constant 0 : i32
        %dma_start3A_83 = tpu.memref_slice %arg26[%dma_start3A_82] : memref<40448xf32, #tpu.memory_space<vmem_shared>> -> memref<40448xf32, #tpu.memory_space<vmem_shared>>
        tpu.enqueue_indirect_dma source(%dma_start3A_78 : memref<128xf32, #tpu.memory_space<vmem>>) target(%dma_start3A_83 : memref<40448xf32, #tpu.memory_space<vmem_shared>>) offsets(%dma_start3A_81 : memref<128xi32, #tpu.memory_space<vmem>>) semaphore(%run_scoped3A_77 : memref<!tpu.dma_semaphore, #tpu.memory_space<semaphore_mem>>) {add = true}
        %dma_wait3A = arith.constant 128 : i32
        %dma_wait3A_84 = tpu.memref_slice %arg20[%dma_wait3A] : memref<1024xf32, #tpu.memory_space<vmem>> -> memref<128xf32, #tpu.memory_space<vmem>>
        %dma_wait3A_85 = arith.constant 0 : i32
        %dma_wait3A_86 = tpu.memref_slice %arg24[%run_scoped3A_70, %dma_wait3A_85] : memref<8x128xi32, #tpu.memory_space<vmem>> -> memref<1x128xi32, #tpu.memory_space<vmem>>
        %dma_wait3A_87 = tpu.memref_squeeze %dma_wait3A_86 : memref<1x128xi32, #tpu.memory_space<vmem>> -> memref<128xi32, #tpu.memory_space<vmem>>
        %dma_wait3A_88 = arith.constant 0 : i32
        %dma_wait3A_89 = tpu.memref_slice %arg26[%dma_wait3A_88] : memref<40448xf32, #tpu.memory_space<vmem_shared>> -> memref<40448xf32, #tpu.memory_space<vmem_shared>>
        tpu.wait_indirect_dma semaphore(%run_scoped3A_77 : memref<!tpu.dma_semaphore, #tpu.memory_space<semaphore_mem>>) src(%dma_wait3A_84 : memref<128xf32, #tpu.memory_space<vmem>>) dst(%dma_wait3A_89 : memref<40448xf32, #tpu.memory_space<vmem_shared>>)
        tpu.yield
      }) : () -> ()
      %run_scoped3A_71 = arith.constant 2 : i32
      "tpu.region"() ({
        %run_scoped3A_77 = tpu.sem_alloc : memref<!tpu.dma_semaphore, #tpu.memory_space<semaphore_mem>>
        %dma_start3A = arith.constant 256 : i32
        %dma_start3A_78 = tpu.memref_slice %arg20[%dma_start3A] : memref<1024xf32, #tpu.memory_space<vmem>> -> memref<128xf32, #tpu.memory_space<vmem>>
        %dma_start3A_79 = arith.constant 0 : i32
        %dma_start3A_80 = tpu.memref_slice %arg24[%run_scoped3A_71, %dma_start3A_79] : memref<8x128xi32, #tpu.memory_space<vmem>> -> memref<1x128xi32, #tpu.memory_space<vmem>>
        %dma_start3A_81 = tpu.memref_squeeze %dma_start3A_80 : memref<1x128xi32, #tpu.memory_space<vmem>> -> memref<128xi32, #tpu.memory_space<vmem>>
        %dma_start3A_82 = arith.constant 0 : i32
        %dma_start3A_83 = tpu.memref_slice %arg26[%dma_start3A_82] : memref<40448xf32, #tpu.memory_space<vmem_shared>> -> memref<40448xf32, #tpu.memory_space<vmem_shared>>
        tpu.enqueue_indirect_dma source(%dma_start3A_78 : memref<128xf32, #tpu.memory_space<vmem>>) target(%dma_start3A_83 : memref<40448xf32, #tpu.memory_space<vmem_shared>>) offsets(%dma_start3A_81 : memref<128xi32, #tpu.memory_space<vmem>>) semaphore(%run_scoped3A_77 : memref<!tpu.dma_semaphore, #tpu.memory_space<semaphore_mem>>) {add = true}
        %dma_wait3A = arith.constant 256 : i32
        %dma_wait3A_84 = tpu.memref_slice %arg20[%dma_wait3A] : memref<1024xf32, #tpu.memory_space<vmem>> -> memref<128xf32, #tpu.memory_space<vmem>>
        %dma_wait3A_85 = arith.constant 0 : i32
        %dma_wait3A_86 = tpu.memref_slice %arg24[%run_scoped3A_71, %dma_wait3A_85] : memref<8x128xi32, #tpu.memory_space<vmem>> -> memref<1x128xi32, #tpu.memory_space<vmem>>
        %dma_wait3A_87 = tpu.memref_squeeze %dma_wait3A_86 : memref<1x128xi32, #tpu.memory_space<vmem>> -> memref<128xi32, #tpu.memory_space<vmem>>
        %dma_wait3A_88 = arith.constant 0 : i32
        %dma_wait3A_89 = tpu.memref_slice %arg26[%dma_wait3A_88] : memref<40448xf32, #tpu.memory_space<vmem_shared>> -> memref<40448xf32, #tpu.memory_space<vmem_shared>>
        tpu.wait_indirect_dma semaphore(%run_scoped3A_77 : memref<!tpu.dma_semaphore, #tpu.memory_space<semaphore_mem>>) src(%dma_wait3A_84 : memref<128xf32, #tpu.memory_space<vmem>>) dst(%dma_wait3A_89 : memref<40448xf32, #tpu.memory_space<vmem_shared>>)
        tpu.yield
      }) : () -> ()
      %run_scoped3A_72 = arith.constant 3 : i32
      "tpu.region"() ({
        %run_scoped3A_77 = tpu.sem_alloc : memref<!tpu.dma_semaphore, #tpu.memory_space<semaphore_mem>>
        %dma_start3A = arith.constant 384 : i32
        %dma_start3A_78 = tpu.memref_slice %arg20[%dma_start3A] : memref<1024xf32, #tpu.memory_space<vmem>> -> memref<128xf32, #tpu.memory_space<vmem>>
        %dma_start3A_79 = arith.constant 0 : i32
        %dma_start3A_80 = tpu.memref_slice %arg24[%run_scoped3A_72, %dma_start3A_79] : memref<8x128xi32, #tpu.memory_space<vmem>> -> memref<1x128xi32, #tpu.memory_space<vmem>>
        %dma_start3A_81 = tpu.memref_squeeze %dma_start3A_80 : memref<1x128xi32, #tpu.memory_space<vmem>> -> memref<128xi32, #tpu.memory_space<vmem>>
        %dma_start3A_82 = arith.constant 0 : i32
        %dma_start3A_83 = tpu.memref_slice %arg26[%dma_start3A_82] : memref<40448xf32, #tpu.memory_space<vmem_shared>> -> memref<40448xf32, #tpu.memory_space<vmem_shared>>
        tpu.enqueue_indirect_dma source(%dma_start3A_78 : memref<128xf32, #tpu.memory_space<vmem>>) target(%dma_start3A_83 : memref<40448xf32, #tpu.memory_space<vmem_shared>>) offsets(%dma_start3A_81 : memref<128xi32, #tpu.memory_space<vmem>>) semaphore(%run_scoped3A_77 : memref<!tpu.dma_semaphore, #tpu.memory_space<semaphore_mem>>) {add = true}
        %dma_wait3A = arith.constant 384 : i32
        %dma_wait3A_84 = tpu.memref_slice %arg20[%dma_wait3A] : memref<1024xf32, #tpu.memory_space<vmem>> -> memref<128xf32, #tpu.memory_space<vmem>>
        %dma_wait3A_85 = arith.constant 0 : i32
        %dma_wait3A_86 = tpu.memref_slice %arg24[%run_scoped3A_72, %dma_wait3A_85] : memref<8x128xi32, #tpu.memory_space<vmem>> -> memref<1x128xi32, #tpu.memory_space<vmem>>
        %dma_wait3A_87 = tpu.memref_squeeze %dma_wait3A_86 : memref<1x128xi32, #tpu.memory_space<vmem>> -> memref<128xi32, #tpu.memory_space<vmem>>
        %dma_wait3A_88 = arith.constant 0 : i32
        %dma_wait3A_89 = tpu.memref_slice %arg26[%dma_wait3A_88] : memref<40448xf32, #tpu.memory_space<vmem_shared>> -> memref<40448xf32, #tpu.memory_space<vmem_shared>>
        tpu.wait_indirect_dma semaphore(%run_scoped3A_77 : memref<!tpu.dma_semaphore, #tpu.memory_space<semaphore_mem>>) src(%dma_wait3A_84 : memref<128xf32, #tpu.memory_space<vmem>>) dst(%dma_wait3A_89 : memref<40448xf32, #tpu.memory_space<vmem_shared>>)
        tpu.yield
      }) : () -> ()
      %run_scoped3A_73 = arith.constant 4 : i32
      "tpu.region"() ({
        %run_scoped3A_77 = tpu.sem_alloc : memref<!tpu.dma_semaphore, #tpu.memory_space<semaphore_mem>>
        %dma_start3A = arith.constant 512 : i32
        %dma_start3A_78 = tpu.memref_slice %arg20[%dma_start3A] : memref<1024xf32, #tpu.memory_space<vmem>> -> memref<128xf32, #tpu.memory_space<vmem>>
        %dma_start3A_79 = arith.constant 0 : i32
        %dma_start3A_80 = tpu.memref_slice %arg24[%run_scoped3A_73, %dma_start3A_79] : memref<8x128xi32, #tpu.memory_space<vmem>> -> memref<1x128xi32, #tpu.memory_space<vmem>>
        %dma_start3A_81 = tpu.memref_squeeze %dma_start3A_80 : memref<1x128xi32, #tpu.memory_space<vmem>> -> memref<128xi32, #tpu.memory_space<vmem>>
        %dma_start3A_82 = arith.constant 0 : i32
        %dma_start3A_83 = tpu.memref_slice %arg26[%dma_start3A_82] : memref<40448xf32, #tpu.memory_space<vmem_shared>> -> memref<40448xf32, #tpu.memory_space<vmem_shared>>
        tpu.enqueue_indirect_dma source(%dma_start3A_78 : memref<128xf32, #tpu.memory_space<vmem>>) target(%dma_start3A_83 : memref<40448xf32, #tpu.memory_space<vmem_shared>>) offsets(%dma_start3A_81 : memref<128xi32, #tpu.memory_space<vmem>>) semaphore(%run_scoped3A_77 : memref<!tpu.dma_semaphore, #tpu.memory_space<semaphore_mem>>) {add = true}
        %dma_wait3A = arith.constant 512 : i32
        %dma_wait3A_84 = tpu.memref_slice %arg20[%dma_wait3A] : memref<1024xf32, #tpu.memory_space<vmem>> -> memref<128xf32, #tpu.memory_space<vmem>>
        %dma_wait3A_85 = arith.constant 0 : i32
        %dma_wait3A_86 = tpu.memref_slice %arg24[%run_scoped3A_73, %dma_wait3A_85] : memref<8x128xi32, #tpu.memory_space<vmem>> -> memref<1x128xi32, #tpu.memory_space<vmem>>
        %dma_wait3A_87 = tpu.memref_squeeze %dma_wait3A_86 : memref<1x128xi32, #tpu.memory_space<vmem>> -> memref<128xi32, #tpu.memory_space<vmem>>
        %dma_wait3A_88 = arith.constant 0 : i32
        %dma_wait3A_89 = tpu.memref_slice %arg26[%dma_wait3A_88] : memref<40448xf32, #tpu.memory_space<vmem_shared>> -> memref<40448xf32, #tpu.memory_space<vmem_shared>>
        tpu.wait_indirect_dma semaphore(%run_scoped3A_77 : memref<!tpu.dma_semaphore, #tpu.memory_space<semaphore_mem>>) src(%dma_wait3A_84 : memref<128xf32, #tpu.memory_space<vmem>>) dst(%dma_wait3A_89 : memref<40448xf32, #tpu.memory_space<vmem_shared>>)
        tpu.yield
      }) : () -> ()
      %run_scoped3A_74 = arith.constant 5 : i32
      "tpu.region"() ({
        %run_scoped3A_77 = tpu.sem_alloc : memref<!tpu.dma_semaphore, #tpu.memory_space<semaphore_mem>>
        %dma_start3A = arith.constant 640 : i32
        %dma_start3A_78 = tpu.memref_slice %arg20[%dma_start3A] : memref<1024xf32, #tpu.memory_space<vmem>> -> memref<128xf32, #tpu.memory_space<vmem>>
        %dma_start3A_79 = arith.constant 0 : i32
        %dma_start3A_80 = tpu.memref_slice %arg24[%run_scoped3A_74, %dma_start3A_79] : memref<8x128xi32, #tpu.memory_space<vmem>> -> memref<1x128xi32, #tpu.memory_space<vmem>>
        %dma_start3A_81 = tpu.memref_squeeze %dma_start3A_80 : memref<1x128xi32, #tpu.memory_space<vmem>> -> memref<128xi32, #tpu.memory_space<vmem>>
        %dma_start3A_82 = arith.constant 0 : i32
        %dma_start3A_83 = tpu.memref_slice %arg26[%dma_start3A_82] : memref<40448xf32, #tpu.memory_space<vmem_shared>> -> memref<40448xf32, #tpu.memory_space<vmem_shared>>
        tpu.enqueue_indirect_dma source(%dma_start3A_78 : memref<128xf32, #tpu.memory_space<vmem>>) target(%dma_start3A_83 : memref<40448xf32, #tpu.memory_space<vmem_shared>>) offsets(%dma_start3A_81 : memref<128xi32, #tpu.memory_space<vmem>>) semaphore(%run_scoped3A_77 : memref<!tpu.dma_semaphore, #tpu.memory_space<semaphore_mem>>) {add = true}
        %dma_wait3A = arith.constant 640 : i32
        %dma_wait3A_84 = tpu.memref_slice %arg20[%dma_wait3A] : memref<1024xf32, #tpu.memory_space<vmem>> -> memref<128xf32, #tpu.memory_space<vmem>>
        %dma_wait3A_85 = arith.constant 0 : i32
        %dma_wait3A_86 = tpu.memref_slice %arg24[%run_scoped3A_74, %dma_wait3A_85] : memref<8x128xi32, #tpu.memory_space<vmem>> -> memref<1x128xi32, #tpu.memory_space<vmem>>
        %dma_wait3A_87 = tpu.memref_squeeze %dma_wait3A_86 : memref<1x128xi32, #tpu.memory_space<vmem>> -> memref<128xi32, #tpu.memory_space<vmem>>
        %dma_wait3A_88 = arith.constant 0 : i32
        %dma_wait3A_89 = tpu.memref_slice %arg26[%dma_wait3A_88] : memref<40448xf32, #tpu.memory_space<vmem_shared>> -> memref<40448xf32, #tpu.memory_space<vmem_shared>>
        tpu.wait_indirect_dma semaphore(%run_scoped3A_77 : memref<!tpu.dma_semaphore, #tpu.memory_space<semaphore_mem>>) src(%dma_wait3A_84 : memref<128xf32, #tpu.memory_space<vmem>>) dst(%dma_wait3A_89 : memref<40448xf32, #tpu.memory_space<vmem_shared>>)
        tpu.yield
      }) : () -> ()
      %run_scoped3A_75 = arith.constant 6 : i32
      "tpu.region"() ({
        %run_scoped3A_77 = tpu.sem_alloc : memref<!tpu.dma_semaphore, #tpu.memory_space<semaphore_mem>>
        %dma_start3A = arith.constant 768 : i32
        %dma_start3A_78 = tpu.memref_slice %arg20[%dma_start3A] : memref<1024xf32, #tpu.memory_space<vmem>> -> memref<128xf32, #tpu.memory_space<vmem>>
        %dma_start3A_79 = arith.constant 0 : i32
        %dma_start3A_80 = tpu.memref_slice %arg24[%run_scoped3A_75, %dma_start3A_79] : memref<8x128xi32, #tpu.memory_space<vmem>> -> memref<1x128xi32, #tpu.memory_space<vmem>>
        %dma_start3A_81 = tpu.memref_squeeze %dma_start3A_80 : memref<1x128xi32, #tpu.memory_space<vmem>> -> memref<128xi32, #tpu.memory_space<vmem>>
        %dma_start3A_82 = arith.constant 0 : i32
        %dma_start3A_83 = tpu.memref_slice %arg26[%dma_start3A_82] : memref<40448xf32, #tpu.memory_space<vmem_shared>> -> memref<40448xf32, #tpu.memory_space<vmem_shared>>
        tpu.enqueue_indirect_dma source(%dma_start3A_78 : memref<128xf32, #tpu.memory_space<vmem>>) target(%dma_start3A_83 : memref<40448xf32, #tpu.memory_space<vmem_shared>>) offsets(%dma_start3A_81 : memref<128xi32, #tpu.memory_space<vmem>>) semaphore(%run_scoped3A_77 : memref<!tpu.dma_semaphore, #tpu.memory_space<semaphore_mem>>) {add = true}
        %dma_wait3A = arith.constant 768 : i32
        %dma_wait3A_84 = tpu.memref_slice %arg20[%dma_wait3A] : memref<1024xf32, #tpu.memory_space<vmem>> -> memref<128xf32, #tpu.memory_space<vmem>>
        %dma_wait3A_85 = arith.constant 0 : i32
        %dma_wait3A_86 = tpu.memref_slice %arg24[%run_scoped3A_75, %dma_wait3A_85] : memref<8x128xi32, #tpu.memory_space<vmem>> -> memref<1x128xi32, #tpu.memory_space<vmem>>
        %dma_wait3A_87 = tpu.memref_squeeze %dma_wait3A_86 : memref<1x128xi32, #tpu.memory_space<vmem>> -> memref<128xi32, #tpu.memory_space<vmem>>
        %dma_wait3A_88 = arith.constant 0 : i32
        %dma_wait3A_89 = tpu.memref_slice %arg26[%dma_wait3A_88] : memref<40448xf32, #tpu.memory_space<vmem_shared>> -> memref<40448xf32, #tpu.memory_space<vmem_shared>>
        tpu.wait_indirect_dma semaphore(%run_scoped3A_77 : memref<!tpu.dma_semaphore, #tpu.memory_space<semaphore_mem>>) src(%dma_wait3A_84 : memref<128xf32, #tpu.memory_space<vmem>>) dst(%dma_wait3A_89 : memref<40448xf32, #tpu.memory_space<vmem_shared>>)
        tpu.yield
      }) : () -> ()
      %run_scoped3A_76 = arith.constant 7 : i32
      "tpu.region"() ({
        %run_scoped3A_77 = tpu.sem_alloc : memref<!tpu.dma_semaphore, #tpu.memory_space<semaphore_mem>>
        %dma_start3A = arith.constant 896 : i32
        %dma_start3A_78 = tpu.memref_slice %arg20[%dma_start3A] : memref<1024xf32, #tpu.memory_space<vmem>> -> memref<128xf32, #tpu.memory_space<vmem>>
        %dma_start3A_79 = arith.constant 0 : i32
        %dma_start3A_80 = tpu.memref_slice %arg24[%run_scoped3A_76, %dma_start3A_79] : memref<8x128xi32, #tpu.memory_space<vmem>> -> memref<1x128xi32, #tpu.memory_space<vmem>>
        %dma_start3A_81 = tpu.memref_squeeze %dma_start3A_80 : memref<1x128xi32, #tpu.memory_space<vmem>> -> memref<128xi32, #tpu.memory_space<vmem>>
        %dma_start3A_82 = arith.constant 0 : i32
        %dma_start3A_83 = tpu.memref_slice %arg26[%dma_start3A_82] : memref<40448xf32, #tpu.memory_space<vmem_shared>> -> memref<40448xf32, #tpu.memory_space<vmem_shared>>
        tpu.enqueue_indirect_dma source(%dma_start3A_78 : memref<128xf32, #tpu.memory_space<vmem>>) target(%dma_start3A_83 : memref<40448xf32, #tpu.memory_space<vmem_shared>>) offsets(%dma_start3A_81 : memref<128xi32, #tpu.memory_space<vmem>>) semaphore(%run_scoped3A_77 : memref<!tpu.dma_semaphore, #tpu.memory_space<semaphore_mem>>) {add = true}
        %dma_wait3A = arith.constant 896 : i32
        %dma_wait3A_84 = tpu.memref_slice %arg20[%dma_wait3A] : memref<1024xf32, #tpu.memory_space<vmem>> -> memref<128xf32, #tpu.memory_space<vmem>>
        %dma_wait3A_85 = arith.constant 0 : i32
        %dma_wait3A_86 = tpu.memref_slice %arg24[%run_scoped3A_76, %dma_wait3A_85] : memref<8x128xi32, #tpu.memory_space<vmem>> -> memref<1x128xi32, #tpu.memory_space<vmem>>
        %dma_wait3A_87 = tpu.memref_squeeze %dma_wait3A_86 : memref<1x128xi32, #tpu.memory_space<vmem>> -> memref<128xi32, #tpu.memory_space<vmem>>
        %dma_wait3A_88 = arith.constant 0 : i32
        %dma_wait3A_89 = tpu.memref_slice %arg26[%dma_wait3A_88] : memref<40448xf32, #tpu.memory_space<vmem_shared>> -> memref<40448xf32, #tpu.memory_space<vmem_shared>>
        tpu.wait_indirect_dma semaphore(%run_scoped3A_77 : memref<!tpu.dma_semaphore, #tpu.memory_space<semaphore_mem>>) src(%dma_wait3A_84 : memref<128xf32, #tpu.memory_space<vmem>>) dst(%dma_wait3A_89 : memref<40448xf32, #tpu.memory_space<vmem_shared>>)
        tpu.yield
      }) : () -> ()
    }
    %scan3A_15 = arith.constant 5 : i32
    %barrier3A_16 = arith.constant 0 : index
    tpu.barrier barrier_id(%barrier3A_16)
    "tpu.region"() ({
      %run_scoped3A = tpu.sem_alloc : memref<!tpu.dma_semaphore, #tpu.memory_space<semaphore_mem>>
      %dma_start3A = tpu.memref_slice %arg26[%mul3A_7] : memref<40448xf32, #tpu.memory_space<vmem_shared>> -> memref<2528xf32, #tpu.memory_space<vmem_shared>>
      %dma_start3A_20 = tpu.memref_slice %arg26[%mul3A_7] : memref<40448xf32, #tpu.memory_space<vmem_shared>> -> memref<2528xf32, #tpu.memory_space<vmem_shared>>
      tpu.enqueue_dma source(%dma_start3A_20 : memref<2528xf32, #tpu.memory_space<vmem_shared>>) target(%arg25 : memref<2528xf32, #tpu.memory_space<vmem>>) target_semaphore(%run_scoped3A : memref<!tpu.dma_semaphore, #tpu.memory_space<semaphore_mem>>)
      %dma_wait3A = tpu.memref_slice %arg26[%mul3A_7] : memref<40448xf32, #tpu.memory_space<vmem_shared>> -> memref<2528xf32, #tpu.memory_space<vmem_shared>>
      %dma_wait3A_21 = tpu.memref_slice %arg26[%mul3A_7] : memref<40448xf32, #tpu.memory_space<vmem_shared>> -> memref<2528xf32, #tpu.memory_space<vmem_shared>>
      tpu.wait_dma2 semaphore(%run_scoped3A : memref<!tpu.dma_semaphore, #tpu.memory_space<semaphore_mem>>) src(%dma_wait3A_21 : memref<2528xf32, #tpu.memory_space<vmem_shared>>) dst(%arg25 : memref<2528xf32, #tpu.memory_space<vmem>>)
      tpu.yield
    }) : () -> ()
    %mul3A_17 = arith.constant 40448 : i32
    %mul3A_18 = arith.muli %arg0, %mul3A_17 : i32
    %add3A_19 = arith.addi %mul3A_18, %mul3A_7 : i32
    "tpu.region"() ({
      %run_scoped3A = tpu.sem_alloc : memref<!tpu.dma_semaphore, #tpu.memory_space<semaphore_mem>>
      %dma_start3A = tpu.memref_slice %arg8[%add3A_19] : memref<80896xf32, #tpu.memory_space<hbm>> -> memref<2528xf32, #tpu.memory_space<hbm>>
      %dma_start3A_20 = tpu.memref_slice %arg8[%add3A_19] : memref<80896xf32, #tpu.memory_space<hbm>> -> memref<2528xf32, #tpu.memory_space<hbm>>
      tpu.enqueue_dma source(%arg25 : memref<2528xf32, #tpu.memory_space<vmem>>) target(%dma_start3A_20 : memref<2528xf32, #tpu.memory_space<hbm>>) target_semaphore(%run_scoped3A : memref<!tpu.dma_semaphore, #tpu.memory_space<semaphore_mem>>)
      %dma_wait3A = tpu.memref_slice %arg8[%add3A_19] : memref<80896xf32, #tpu.memory_space<hbm>> -> memref<2528xf32, #tpu.memory_space<hbm>>
      %dma_wait3A_21 = tpu.memref_slice %arg8[%add3A_19] : memref<80896xf32, #tpu.memory_space<hbm>> -> memref<2528xf32, #tpu.memory_space<hbm>>
      tpu.wait_dma2 semaphore(%run_scoped3A : memref<!tpu.dma_semaphore, #tpu.memory_space<semaphore_mem>>) src(%arg25 : memref<2528xf32, #tpu.memory_space<vmem>>) dst(%dma_wait3A_21 : memref<2528xf32, #tpu.memory_space<hbm>>)
      tpu.yield
    }) : () -> ()
    return
  }
}

#map = affine_map<(d0, d1) -> (0)>
#map1 = affine_map<(d0, d1) -> (0, 0)>
#map2 = affine_map<(d0, d1) -> (0, 0, 0)>
module attributes {stable_mosaic.version = 14 : i64} {
  func.func @_sc_agg_body(%arg0: i32, %arg1: i32, %arg2: memref<163840xi32, #tpu.memory_space<hbm>>, %arg3: memref<163840xi32, #tpu.memory_space<hbm>>, %arg4: memref<655360xf32, #tpu.memory_space<hbm>>, %arg5: memref<40448xf32, #tpu.memory_space<hbm>>, %arg6: memref<20000x128xf32, #tpu.memory_space<hbm>>, %arg7: memref<2x10112x128xf32, #tpu.memory_space<hbm>>, %arg8: memref<2x10112x128xf32, #tpu.memory_space<hbm>>, %arg9: memref<20224xf32, #tpu.memory_space<vmem>>, %arg10: memref<128xi32, #tpu.memory_space<vmem>>, %arg11: memref<128xi32, #tpu.memory_space<vmem>>, %arg12: memref<128xi32, #tpu.memory_space<vmem>>, %arg13: memref<128xf32, #tpu.memory_space<vmem>>, %arg14: memref<128xf32, #tpu.memory_space<vmem>>, %arg15: memref<144xf32, #tpu.memory_space<vmem>>, %arg16: memref<144xf32, #tpu.memory_space<vmem>>, %arg17: memref<128x128xf32, #tpu.memory_space<vmem>>, %arg18: memref<10112x128xf32, #tpu.memory_space<vmem_shared>>) attributes {dimension_semantics = [#tpu.dimension_semantics<core_parallel>, #tpu.dimension_semantics<subcore_parallel>], iteration_bounds = array<i64: 2, 16>, scalar_prefetch = 0 : i64, scratch_operands = 10 : i64, tpu.core_type = #tpu.core_type<sc_vector_subcore>, window_params = [{transform_indices = #map}, {transform_indices = #map}, {transform_indices = #map}, {transform_indices = #map}, {transform_indices = #map1}, {transform_indices = #map2}, {transform_indices = #map2}]} {
    %mul3A = arith.constant 20224 : i32
    %mul3A_0 = arith.muli %arg0, %mul3A : i32
    "tpu.region"() ({
      %run_scoped3A = tpu.sem_alloc : memref<!tpu.dma_semaphore, #tpu.memory_space<semaphore_mem>>
      %dma_start3A = tpu.memref_slice %arg5[%mul3A_0] : memref<40448xf32, #tpu.memory_space<hbm>> -> memref<20224xf32, #tpu.memory_space<hbm>>
      %dma_start3A_15 = tpu.memref_slice %arg5[%mul3A_0] : memref<40448xf32, #tpu.memory_space<hbm>> -> memref<20224xf32, #tpu.memory_space<hbm>>
      tpu.enqueue_dma source(%dma_start3A_15 : memref<20224xf32, #tpu.memory_space<hbm>>) target(%arg9 : memref<20224xf32, #tpu.memory_space<vmem>>) target_semaphore(%run_scoped3A : memref<!tpu.dma_semaphore, #tpu.memory_space<semaphore_mem>>)
      %dma_wait3A = tpu.memref_slice %arg5[%mul3A_0] : memref<40448xf32, #tpu.memory_space<hbm>> -> memref<20224xf32, #tpu.memory_space<hbm>>
      %dma_wait3A_16 = tpu.memref_slice %arg5[%mul3A_0] : memref<40448xf32, #tpu.memory_space<hbm>> -> memref<20224xf32, #tpu.memory_space<hbm>>
      tpu.wait_dma2 semaphore(%run_scoped3A : memref<!tpu.dma_semaphore, #tpu.memory_space<semaphore_mem>>) src(%dma_wait3A_16 : memref<20224xf32, #tpu.memory_space<hbm>>) dst(%arg9 : memref<20224xf32, #tpu.memory_space<vmem>>)
      tpu.yield
    }) : () -> ()
    %mul3A_1 = arith.constant 632 : i32
    %mul3A_2 = arith.muli %arg1, %mul3A_1 : i32
    "tpu.region"() ({
      %run_scoped3A = tpu.sem_alloc : memref<!tpu.dma_semaphore, #tpu.memory_space<semaphore_mem>>
      %dma_start3A = arith.constant 0 : i32
      %dma_start3A_15 = tpu.memref_slice %arg18[%mul3A_2, %dma_start3A] : memref<10112x128xf32, #tpu.memory_space<vmem_shared>> -> memref<632x128xf32, #tpu.memory_space<vmem_shared>>
      %dma_start3A_16 = arith.constant 0 : i32
      %dma_start3A_17 = tpu.memref_slice %arg7[%arg0, %mul3A_2, %dma_start3A_16] : memref<2x10112x128xf32, #tpu.memory_space<hbm>> -> memref<1x632x128xf32, #tpu.memory_space<hbm>>
      %dma_start3A_18 = tpu.memref_squeeze %dma_start3A_17 : memref<1x632x128xf32, #tpu.memory_space<hbm>> -> memref<632x128xf32, #tpu.memory_space<hbm>>
      tpu.enqueue_dma source(%dma_start3A_18 : memref<632x128xf32, #tpu.memory_space<hbm>>) target(%dma_start3A_15 : memref<632x128xf32, #tpu.memory_space<vmem_shared>>) target_semaphore(%run_scoped3A : memref<!tpu.dma_semaphore, #tpu.memory_space<semaphore_mem>>)
      %dma_wait3A = arith.constant 0 : i32
      %dma_wait3A_19 = tpu.memref_slice %arg18[%mul3A_2, %dma_wait3A] : memref<10112x128xf32, #tpu.memory_space<vmem_shared>> -> memref<632x128xf32, #tpu.memory_space<vmem_shared>>
      %dma_wait3A_20 = arith.constant 0 : i32
      %dma_wait3A_21 = tpu.memref_slice %arg7[%arg0, %mul3A_2, %dma_wait3A_20] : memref<2x10112x128xf32, #tpu.memory_space<hbm>> -> memref<1x632x128xf32, #tpu.memory_space<hbm>>
      %dma_wait3A_22 = tpu.memref_squeeze %dma_wait3A_21 : memref<1x632x128xf32, #tpu.memory_space<hbm>> -> memref<632x128xf32, #tpu.memory_space<hbm>>
      tpu.wait_dma2 semaphore(%run_scoped3A : memref<!tpu.dma_semaphore, #tpu.memory_space<semaphore_mem>>) src(%dma_wait3A_22 : memref<632x128xf32, #tpu.memory_space<hbm>>) dst(%dma_wait3A_19 : memref<632x128xf32, #tpu.memory_space<vmem_shared>>)
      tpu.yield
    }) : () -> ()
    %barrier3A = arith.constant 0 : index
    tpu.barrier barrier_id(%barrier3A)
    %mul3A_3 = arith.constant 10240 : i32
    %mul3A_4 = arith.muli %arg1, %mul3A_3 : i32
    %mul3A_5 = arith.constant 10000 : i32
    %mul3A_6 = arith.muli %arg0, %mul3A_5 : i32
    %mul3A_7 = arith.constant 2 : i32
    %mul3A_8 = arith.muli %mul3A_7, %arg0 : i32
    %scan3A = arith.constant 0 : i32
    %scan3A_9 = arith.constant 0 : i32
    %scan3A_10 = arith.constant 80 : i32
    %scan3A_11 = arith.addi %scan3A_9, %scan3A_10 : i32
    %scan3A_12 = arith.constant 1 : i32
    scf.for %scan3A_15 = %scan3A_9 to %scan3A_11 step %scan3A_12  : i32 {
      %mul3A_16 = arith.constant 128 : i32
      %mul3A_17 = arith.muli %scan3A_15, %mul3A_16 : i32
      %add3A = arith.addi %mul3A_4, %mul3A_17 : i32
      "tpu.region"() ({
        %run_scoped3A = tpu.sem_alloc : memref<!tpu.dma_semaphore, #tpu.memory_space<semaphore_mem>>
        %dma_start3A = tpu.memref_slice %arg2[%add3A] : memref<163840xi32, #tpu.memory_space<hbm>> -> memref<128xi32, #tpu.memory_space<hbm>>
        %dma_start3A_38 = tpu.memref_slice %arg2[%add3A] : memref<163840xi32, #tpu.memory_space<hbm>> -> memref<128xi32, #tpu.memory_space<hbm>>
        tpu.enqueue_dma source(%dma_start3A_38 : memref<128xi32, #tpu.memory_space<hbm>>) target(%arg10 : memref<128xi32, #tpu.memory_space<vmem>>) target_semaphore(%run_scoped3A : memref<!tpu.dma_semaphore, #tpu.memory_space<semaphore_mem>>)
        %dma_wait3A = tpu.memref_slice %arg2[%add3A] : memref<163840xi32, #tpu.memory_space<hbm>> -> memref<128xi32, #tpu.memory_space<hbm>>
        %dma_wait3A_39 = tpu.memref_slice %arg2[%add3A] : memref<163840xi32, #tpu.memory_space<hbm>> -> memref<128xi32, #tpu.memory_space<hbm>>
        tpu.wait_dma2 semaphore(%run_scoped3A : memref<!tpu.dma_semaphore, #tpu.memory_space<semaphore_mem>>) src(%dma_wait3A_39 : memref<128xi32, #tpu.memory_space<hbm>>) dst(%arg10 : memref<128xi32, #tpu.memory_space<vmem>>)
        tpu.yield
      }) : () -> ()
      "tpu.region"() ({
        %run_scoped3A = tpu.sem_alloc : memref<!tpu.dma_semaphore, #tpu.memory_space<semaphore_mem>>
        %dma_start3A = tpu.memref_slice %arg3[%add3A] : memref<163840xi32, #tpu.memory_space<hbm>> -> memref<128xi32, #tpu.memory_space<hbm>>
        %dma_start3A_38 = tpu.memref_slice %arg3[%add3A] : memref<163840xi32, #tpu.memory_space<hbm>> -> memref<128xi32, #tpu.memory_space<hbm>>
        tpu.enqueue_dma source(%dma_start3A_38 : memref<128xi32, #tpu.memory_space<hbm>>) target(%arg12 : memref<128xi32, #tpu.memory_space<vmem>>) target_semaphore(%run_scoped3A : memref<!tpu.dma_semaphore, #tpu.memory_space<semaphore_mem>>)
        %dma_wait3A = tpu.memref_slice %arg3[%add3A] : memref<163840xi32, #tpu.memory_space<hbm>> -> memref<128xi32, #tpu.memory_space<hbm>>
        %dma_wait3A_39 = tpu.memref_slice %arg3[%add3A] : memref<163840xi32, #tpu.memory_space<hbm>> -> memref<128xi32, #tpu.memory_space<hbm>>
        tpu.wait_dma2 semaphore(%run_scoped3A : memref<!tpu.dma_semaphore, #tpu.memory_space<semaphore_mem>>) src(%dma_wait3A_39 : memref<128xi32, #tpu.memory_space<hbm>>) dst(%arg12 : memref<128xi32, #tpu.memory_space<vmem>>)
        tpu.yield
      }) : () -> ()
      %mul3A_18 = arith.constant 163840 : i32
      %mul3A_19 = arith.muli %mul3A_8, %mul3A_18 : i32
      %add3A_20 = arith.addi %mul3A_19, %add3A : i32
      "tpu.region"() ({
        %run_scoped3A = tpu.sem_alloc : memref<!tpu.dma_semaphore, #tpu.memory_space<semaphore_mem>>
        %dma_start3A = tpu.memref_slice %arg4[%add3A_20] : memref<655360xf32, #tpu.memory_space<hbm>> -> memref<128xf32, #tpu.memory_space<hbm>>
        %dma_start3A_38 = tpu.memref_slice %arg4[%add3A_20] : memref<655360xf32, #tpu.memory_space<hbm>> -> memref<128xf32, #tpu.memory_space<hbm>>
        tpu.enqueue_dma source(%dma_start3A_38 : memref<128xf32, #tpu.memory_space<hbm>>) target(%arg13 : memref<128xf32, #tpu.memory_space<vmem>>) target_semaphore(%run_scoped3A : memref<!tpu.dma_semaphore, #tpu.memory_space<semaphore_mem>>)
        %dma_wait3A = tpu.memref_slice %arg4[%add3A_20] : memref<655360xf32, #tpu.memory_space<hbm>> -> memref<128xf32, #tpu.memory_space<hbm>>
        %dma_wait3A_39 = tpu.memref_slice %arg4[%add3A_20] : memref<655360xf32, #tpu.memory_space<hbm>> -> memref<128xf32, #tpu.memory_space<hbm>>
        tpu.wait_dma2 semaphore(%run_scoped3A : memref<!tpu.dma_semaphore, #tpu.memory_space<semaphore_mem>>) src(%dma_wait3A_39 : memref<128xf32, #tpu.memory_space<hbm>>) dst(%arg13 : memref<128xf32, #tpu.memory_space<vmem>>)
        tpu.yield
      }) : () -> ()
      %add3A_21 = arith.constant 1 : i32
      %add3A_22 = arith.addi %mul3A_8, %add3A_21 : i32
      %mul3A_23 = arith.constant 163840 : i32
      %mul3A_24 = arith.muli %add3A_22, %mul3A_23 : i32
      %add3A_25 = arith.addi %mul3A_24, %add3A : i32
      "tpu.region"() ({
        %run_scoped3A = tpu.sem_alloc : memref<!tpu.dma_semaphore, #tpu.memory_space<semaphore_mem>>
        %dma_start3A = tpu.memref_slice %arg4[%add3A_25] : memref<655360xf32, #tpu.memory_space<hbm>> -> memref<128xf32, #tpu.memory_space<hbm>>
        %dma_start3A_38 = tpu.memref_slice %arg4[%add3A_25] : memref<655360xf32, #tpu.memory_space<hbm>> -> memref<128xf32, #tpu.memory_space<hbm>>
        tpu.enqueue_dma source(%dma_start3A_38 : memref<128xf32, #tpu.memory_space<hbm>>) target(%arg14 : memref<128xf32, #tpu.memory_space<vmem>>) target_semaphore(%run_scoped3A : memref<!tpu.dma_semaphore, #tpu.memory_space<semaphore_mem>>)
        %dma_wait3A = tpu.memref_slice %arg4[%add3A_25] : memref<655360xf32, #tpu.memory_space<hbm>> -> memref<128xf32, #tpu.memory_space<hbm>>
        %dma_wait3A_39 = tpu.memref_slice %arg4[%add3A_25] : memref<655360xf32, #tpu.memory_space<hbm>> -> memref<128xf32, #tpu.memory_space<hbm>>
        tpu.wait_dma2 semaphore(%run_scoped3A : memref<!tpu.dma_semaphore, #tpu.memory_space<semaphore_mem>>) src(%dma_wait3A_39 : memref<128xf32, #tpu.memory_space<hbm>>) dst(%arg14 : memref<128xf32, #tpu.memory_space<vmem>>)
        tpu.yield
      }) : () -> ()
      %scan3A_26 = arith.constant 0 : i32
      %scan3A_27 = arith.constant 0 : i32
      %scan3A_28 = arith.constant 8 : i32
      %scan3A_29 = arith.addi %scan3A_27, %scan3A_28 : i32
      %scan3A_30 = arith.constant 1 : i32
      scf.for %scan3A_38 = %scan3A_27 to %scan3A_29 step %scan3A_30  : i32 {
        %mul3A_39 = arith.constant 16 : i32
        %mul3A_40 = arith.muli %scan3A_38, %mul3A_39 : i32
        %get3A = arith.index_cast %mul3A_40 : i32 to index
        %get3A_41 = tpu.vector_load %arg10[%get3A] {strides = array<i32>} : memref<128xi32, #tpu.memory_space<vmem>>, vector<16xi32>,
        %add3A_42 = vector.broadcast %mul3A_6 : i32 to vector<16xi32>
        %add3A_43 = arith.addi %get3A_41, %add3A_42 : vector<16xi32>
        %swap3A = arith.index_cast %mul3A_40 : i32 to index
        %swap3A_44 = tpu.vector_load %arg11[%swap3A] {strides = array<i32>} : memref<128xi32, #tpu.memory_space<vmem>>, vector<16xi32>,
        tpu.vector_store %arg11[%swap3A], %add3A_43 {strides = array<i32>} : memref<128xi32, #tpu.memory_space<vmem>>, vector<16xi32>,
        %get3A_45 = arith.index_cast %mul3A_40 : i32 to index
        %get3A_46 = tpu.vector_load %arg12[%get3A_45] {strides = array<i32>} : memref<128xi32, #tpu.memory_space<vmem>>, vector<16xi32>,
        %mul3A_47 = arith.constant 2 : i32
        %mul3A_48 = vector.broadcast %mul3A_47 : i32 to vector<16xi32>
        %mul3A_49 = arith.muli %get3A_46, %mul3A_48 : vector<16xi32>
        %gather3A = tpu.vector_load_idx %arg9[%mul3A_49] : memref<20224xf32, #tpu.memory_space<vmem>>[vector<16xi32>], vector<16xf32>,
        %add3A_50 = arith.constant 1 : i32
        %add3A_51 = vector.broadcast %add3A_50 : i32 to vector<16xi32>
        %add3A_52 = arith.addi %mul3A_49, %add3A_51 : vector<16xi32>
        %gather3A_53 = tpu.vector_load_idx %arg9[%add3A_52] : memref<20224xf32, #tpu.memory_space<vmem>>[vector<16xi32>], vector<16xf32>,
        %get3A_54 = arith.index_cast %mul3A_40 : i32 to index
        %get3A_55 = tpu.vector_load %arg13[%get3A_54] {strides = array<i32>} : memref<128xf32, #tpu.memory_space<vmem>>, vector<16xf32>,
        %add3A_56 = arith.constant 1.000000e-16 : f32
        %add3A_57 = vector.broadcast %add3A_56 : f32 to vector<16xf32>
        %add3A_58 = arith.addf %gather3A, %add3A_57 : vector<16xf32>
        %div3A = arith.divf %get3A_55, %add3A_58 : vector<16xf32>
        %swap3A_59 = arith.index_cast %mul3A_40 : i32 to index
        %swap3A_60 = tpu.vector_load %arg15[%swap3A_59] {strides = array<i32>} : memref<144xf32, #tpu.memory_space<vmem>>, vector<16xf32>,
        tpu.vector_store %arg15[%swap3A_59], %div3A {strides = array<i32>} : memref<144xf32, #tpu.memory_space<vmem>>, vector<16xf32>,
        %get3A_61 = arith.index_cast %mul3A_40 : i32 to index
        %get3A_62 = tpu.vector_load %arg14[%get3A_61] {strides = array<i32>} : memref<128xf32, #tpu.memory_space<vmem>>, vector<16xf32>,
        %add3A_63 = arith.constant 1.000000e-16 : f32
        %add3A_64 = vector.broadcast %add3A_63 : f32 to vector<16xf32>
        %add3A_65 = arith.addf %gather3A_53, %add3A_64 : vector<16xf32>
        %div3A_66 = arith.divf %get3A_62, %add3A_65 : vector<16xf32>
        %swap3A_67 = arith.index_cast %mul3A_40 : i32 to index
        %swap3A_68 = tpu.vector_load %arg16[%swap3A_67] {strides = array<i32>} : memref<144xf32, #tpu.memory_space<vmem>>, vector<16xf32>,
        tpu.vector_store %arg16[%swap3A_67], %div3A_66 {strides = array<i32>} : memref<144xf32, #tpu.memory_space<vmem>>, vector<16xf32>,
      }
      %scan3A_31 = arith.constant 8 : i32
      "tpu.region"() ({
        %run_scoped3A = tpu.sem_alloc : memref<!tpu.dma_semaphore, #tpu.memory_space<semaphore_mem>>
        %dma_start3A = arith.constant 0 : i32
        %dma_start3A_38 = arith.constant 0 : i32
        %dma_start3A_39 = tpu.memref_slice %arg6[%dma_start3A, %dma_start3A_38] : memref<20000x128xf32, #tpu.memory_space<hbm>> -> memref<20000x128xf32, #tpu.memory_space<hbm>>
        tpu.enqueue_indirect_dma source(%dma_start3A_39 : memref<20000x128xf32, #tpu.memory_space<hbm>>) target(%arg17 : memref<128x128xf32, #tpu.memory_space<vmem>>) offsets(%arg11 : memref<128xi32, #tpu.memory_space<vmem>>) semaphore(%run_scoped3A : memref<!tpu.dma_semaphore, #tpu.memory_space<semaphore_mem>>)
        %dma_wait3A = arith.constant 0 : i32
        %dma_wait3A_40 = arith.constant 0 : i32
        %dma_wait3A_41 = tpu.memref_slice %arg6[%dma_wait3A, %dma_wait3A_40] : memref<20000x128xf32, #tpu.memory_space<hbm>> -> memref<20000x128xf32, #tpu.memory_space<hbm>>
        tpu.wait_indirect_dma semaphore(%run_scoped3A : memref<!tpu.dma_semaphore, #tpu.memory_space<semaphore_mem>>) src(%dma_wait3A_41 : memref<20000x128xf32, #tpu.memory_space<hbm>>) dst(%arg17 : memref<128x128xf32, #tpu.memory_space<vmem>>)
        tpu.yield
      }) : () -> ()
      %scan3A_32 = arith.constant 0 : i32
      %scan3A_33 = arith.constant 0 : i32
      %scan3A_34 = arith.constant 128 : i32
      %scan3A_35 = arith.addi %scan3A_33, %scan3A_34 : i32
      %scan3A_36 = arith.constant 1 : i32
      scf.for %scan3A_38 = %scan3A_33 to %scan3A_35 step %scan3A_36  : i32 {
        %get3A = arith.index_cast %scan3A_38 : i32 to index
        %get3A_39 = tpu.vector_load %arg15[%get3A] {strides = array<i32>} : memref<144xf32, #tpu.memory_space<vmem>>, vector<16xf32>,
        %slice3A = vector.extract_strided_slice %get3A_39 {offsets = [0], sizes = [1], strides = [1]} : vector<16xf32> to vector<1xf32>
        %squeeze3A = vector.extract %slice3A[0] : f32 from vector<1xf32>
        %get3A_40 = arith.index_cast %scan3A_38 : i32 to index
        %get3A_41 = tpu.vector_load %arg16[%get3A_40] {strides = array<i32>} : memref<144xf32, #tpu.memory_space<vmem>>, vector<16xf32>,
        %slice3A_42 = vector.extract_strided_slice %get3A_41 {offsets = [0], sizes = [1], strides = [1]} : vector<16xf32> to vector<1xf32>
        %squeeze3A_43 = vector.extract %slice3A_42[0] : f32 from vector<1xf32>
        %get3A_44 = arith.index_cast %scan3A_38 : i32 to index
        %get3A_45 = arith.constant 0 : index
        %get3A_46 = tpu.vector_load %arg17[%get3A_44, %get3A_45] {strides = array<i32>} : memref<128x128xf32, #tpu.memory_space<vmem>>, vector<16xf32>,
        %mul3A_47 = vector.broadcast %squeeze3A : f32 to vector<16xf32>
        %mul3A_48 = arith.mulf %get3A_46, %mul3A_47 : vector<16xf32>
        %swap3A = arith.index_cast %scan3A_38 : i32 to index
        %swap3A_49 = arith.constant 0 : index
        %swap3A_50 = tpu.vector_load %arg17[%swap3A, %swap3A_49] {strides = array<i32>} : memref<128x128xf32, #tpu.memory_space<vmem>>, vector<16xf32>,
        tpu.vector_store %arg17[%swap3A, %swap3A_49], %mul3A_48 {strides = array<i32>} : memref<128x128xf32, #tpu.memory_space<vmem>>, vector<16xf32>,
        %get3A_51 = arith.index_cast %scan3A_38 : i32 to index
        %get3A_52 = arith.constant 16 : index
        %get3A_53 = tpu.vector_load %arg17[%get3A_51, %get3A_52] {strides = array<i32>} : memref<128x128xf32, #tpu.memory_space<vmem>>, vector<16xf32>,
        %mul3A_54 = vector.broadcast %squeeze3A : f32 to vector<16xf32>
        %mul3A_55 = arith.mulf %get3A_53, %mul3A_54 : vector<16xf32>
        %swap3A_56 = arith.index_cast %scan3A_38 : i32 to index
        %swap3A_57 = arith.constant 16 : index
        %swap3A_58 = tpu.vector_load %arg17[%swap3A_56, %swap3A_57] {strides = array<i32>} : memref<128x128xf32, #tpu.memory_space<vmem>>, vector<16xf32>,
        tpu.vector_store %arg17[%swap3A_56, %swap3A_57], %mul3A_55 {strides = array<i32>} : memref<128x128xf32, #tpu.memory_space<vmem>>, vector<16xf32>,
        %get3A_59 = arith.index_cast %scan3A_38 : i32 to index
        %get3A_60 = arith.constant 32 : index
        %get3A_61 = tpu.vector_load %arg17[%get3A_59, %get3A_60] {strides = array<i32>} : memref<128x128xf32, #tpu.memory_space<vmem>>, vector<16xf32>,
        %mul3A_62 = vector.broadcast %squeeze3A : f32 to vector<16xf32>
        %mul3A_63 = arith.mulf %get3A_61, %mul3A_62 : vector<16xf32>
        %swap3A_64 = arith.index_cast %scan3A_38 : i32 to index
        %swap3A_65 = arith.constant 32 : index
        %swap3A_66 = tpu.vector_load %arg17[%swap3A_64, %swap3A_65] {strides = array<i32>} : memref<128x128xf32, #tpu.memory_space<vmem>>, vector<16xf32>,
        tpu.vector_store %arg17[%swap3A_64, %swap3A_65], %mul3A_63 {strides = array<i32>} : memref<128x128xf32, #tpu.memory_space<vmem>>, vector<16xf32>,
        %get3A_67 = arith.index_cast %scan3A_38 : i32 to index
        %get3A_68 = arith.constant 48 : index
        %get3A_69 = tpu.vector_load %arg17[%get3A_67, %get3A_68] {strides = array<i32>} : memref<128x128xf32, #tpu.memory_space<vmem>>, vector<16xf32>,
        %mul3A_70 = vector.broadcast %squeeze3A : f32 to vector<16xf32>
        %mul3A_71 = arith.mulf %get3A_69, %mul3A_70 : vector<16xf32>
        %swap3A_72 = arith.index_cast %scan3A_38 : i32 to index
        %swap3A_73 = arith.constant 48 : index
        %swap3A_74 = tpu.vector_load %arg17[%swap3A_72, %swap3A_73] {strides = array<i32>} : memref<128x128xf32, #tpu.memory_space<vmem>>, vector<16xf32>,
        tpu.vector_store %arg17[%swap3A_72, %swap3A_73], %mul3A_71 {strides = array<i32>} : memref<128x128xf32, #tpu.memory_space<vmem>>, vector<16xf32>,
        %get3A_75 = arith.index_cast %scan3A_38 : i32 to index
        %get3A_76 = arith.constant 64 : index
        %get3A_77 = tpu.vector_load %arg17[%get3A_75, %get3A_76] {strides = array<i32>} : memref<128x128xf32, #tpu.memory_space<vmem>>, vector<16xf32>,
        %mul3A_78 = vector.broadcast %squeeze3A_43 : f32 to vector<16xf32>
        %mul3A_79 = arith.mulf %get3A_77, %mul3A_78 : vector<16xf32>
        %swap3A_80 = arith.index_cast %scan3A_38 : i32 to index
        %swap3A_81 = arith.constant 64 : index
        %swap3A_82 = tpu.vector_load %arg17[%swap3A_80, %swap3A_81] {strides = array<i32>} : memref<128x128xf32, #tpu.memory_space<vmem>>, vector<16xf32>,
        tpu.vector_store %arg17[%swap3A_80, %swap3A_81], %mul3A_79 {strides = array<i32>} : memref<128x128xf32, #tpu.memory_space<vmem>>, vector<16xf32>,
        %get3A_83 = arith.index_cast %scan3A_38 : i32 to index
        %get3A_84 = arith.constant 80 : index
        %get3A_85 = tpu.vector_load %arg17[%get3A_83, %get3A_84] {strides = array<i32>} : memref<128x128xf32, #tpu.memory_space<vmem>>, vector<16xf32>,
        %mul3A_86 = vector.broadcast %squeeze3A_43 : f32 to vector<16xf32>
        %mul3A_87 = arith.mulf %get3A_85, %mul3A_86 : vector<16xf32>
        %swap3A_88 = arith.index_cast %scan3A_38 : i32 to index
        %swap3A_89 = arith.constant 80 : index
        %swap3A_90 = tpu.vector_load %arg17[%swap3A_88, %swap3A_89] {strides = array<i32>} : memref<128x128xf32, #tpu.memory_space<vmem>>, vector<16xf32>,
        tpu.vector_store %arg17[%swap3A_88, %swap3A_89], %mul3A_87 {strides = array<i32>} : memref<128x128xf32, #tpu.memory_space<vmem>>, vector<16xf32>,
        %get3A_91 = arith.index_cast %scan3A_38 : i32 to index
        %get3A_92 = arith.constant 96 : index
        %get3A_93 = tpu.vector_load %arg17[%get3A_91, %get3A_92] {strides = array<i32>} : memref<128x128xf32, #tpu.memory_space<vmem>>, vector<16xf32>,
        %mul3A_94 = vector.broadcast %squeeze3A_43 : f32 to vector<16xf32>
        %mul3A_95 = arith.mulf %get3A_93, %mul3A_94 : vector<16xf32>
        %swap3A_96 = arith.index_cast %scan3A_38 : i32 to index
        %swap3A_97 = arith.constant 96 : index
        %swap3A_98 = tpu.vector_load %arg17[%swap3A_96, %swap3A_97] {strides = array<i32>} : memref<128x128xf32, #tpu.memory_space<vmem>>, vector<16xf32>,
        tpu.vector_store %arg17[%swap3A_96, %swap3A_97], %mul3A_95 {strides = array<i32>} : memref<128x128xf32, #tpu.memory_space<vmem>>, vector<16xf32>,
        %get3A_99 = arith.index_cast %scan3A_38 : i32 to index
        %get3A_100 = arith.constant 112 : index
        %get3A_101 = tpu.vector_load %arg17[%get3A_99, %get3A_100] {strides = array<i32>} : memref<128x128xf32, #tpu.memory_space<vmem>>, vector<16xf32>,
        %mul3A_102 = vector.broadcast %squeeze3A_43 : f32 to vector<16xf32>
        %mul3A_103 = arith.mulf %get3A_101, %mul3A_102 : vector<16xf32>
        %swap3A_104 = arith.index_cast %scan3A_38 : i32 to index
        %swap3A_105 = arith.constant 112 : index
        %swap3A_106 = tpu.vector_load %arg17[%swap3A_104, %swap3A_105] {strides = array<i32>} : memref<128x128xf32, #tpu.memory_space<vmem>>, vector<16xf32>,
        tpu.vector_store %arg17[%swap3A_104, %swap3A_105], %mul3A_103 {strides = array<i32>} : memref<128x128xf32, #tpu.memory_space<vmem>>, vector<16xf32>,
      }
      %scan3A_37 = arith.constant 128 : i32
      "tpu.region"() ({
        %run_scoped3A = tpu.sem_alloc : memref<!tpu.dma_semaphore, #tpu.memory_space<semaphore_mem>>
        %dma_start3A = arith.constant 0 : i32
        %dma_start3A_38 = arith.constant 0 : i32
        %dma_start3A_39 = tpu.memref_slice %arg18[%dma_start3A, %dma_start3A_38] : memref<10112x128xf32, #tpu.memory_space<vmem_shared>> -> memref<10112x128xf32, #tpu.memory_space<vmem_shared>>
        tpu.enqueue_indirect_dma source(%arg17 : memref<128x128xf32, #tpu.memory_space<vmem>>) target(%dma_start3A_39 : memref<10112x128xf32, #tpu.memory_space<vmem_shared>>) offsets(%arg12 : memref<128xi32, #tpu.memory_space<vmem>>) semaphore(%run_scoped3A : memref<!tpu.dma_semaphore, #tpu.memory_space<semaphore_mem>>) {add = true}
        %dma_wait3A = arith.constant 0 : i32
        %dma_wait3A_40 = arith.constant 0 : i32
        %dma_wait3A_41 = tpu.memref_slice %arg18[%dma_wait3A, %dma_wait3A_40] : memref<10112x128xf32, #tpu.memory_space<vmem_shared>> -> memref<10112x128xf32, #tpu.memory_space<vmem_shared>>
        tpu.wait_indirect_dma semaphore(%run_scoped3A : memref<!tpu.dma_semaphore, #tpu.memory_space<semaphore_mem>>) src(%arg17 : memref<128x128xf32, #tpu.memory_space<vmem>>) dst(%dma_wait3A_41 : memref<10112x128xf32, #tpu.memory_space<vmem_shared>>)
        tpu.yield
      }) : () -> ()
    }
    %scan3A_13 = arith.constant 80 : i32
    %barrier3A_14 = arith.constant 0 : index
    tpu.barrier barrier_id(%barrier3A_14)
    "tpu.region"() ({
      %run_scoped3A = tpu.sem_alloc : memref<!tpu.dma_semaphore, #tpu.memory_space<semaphore_mem>>
      %dma_start3A = arith.constant 0 : i32
      %dma_start3A_15 = tpu.memref_slice %arg8[%arg0, %mul3A_2, %dma_start3A] : memref<2x10112x128xf32, #tpu.memory_space<hbm>> -> memref<1x632x128xf32, #tpu.memory_space<hbm>>
      %dma_start3A_16 = tpu.memref_squeeze %dma_start3A_15 : memref<1x632x128xf32, #tpu.memory_space<hbm>> -> memref<632x128xf32, #tpu.memory_space<hbm>>
      %dma_start3A_17 = arith.constant 0 : i32
      %dma_start3A_18 = tpu.memref_slice %arg18[%mul3A_2, %dma_start3A_17] : memref<10112x128xf32, #tpu.memory_space<vmem_shared>> -> memref<632x128xf32, #tpu.memory_space<vmem_shared>>
      tpu.enqueue_dma source(%dma_start3A_18 : memref<632x128xf32, #tpu.memory_space<vmem_shared>>) target(%dma_start3A_16 : memref<632x128xf32, #tpu.memory_space<hbm>>) target_semaphore(%run_scoped3A : memref<!tpu.dma_semaphore, #tpu.memory_space<semaphore_mem>>)
      %dma_wait3A = arith.constant 0 : i32
      %dma_wait3A_19 = tpu.memref_slice %arg8[%arg0, %mul3A_2, %dma_wait3A] : memref<2x10112x128xf32, #tpu.memory_space<hbm>> -> memref<1x632x128xf32, #tpu.memory_space<hbm>>
      %dma_wait3A_20 = tpu.memref_squeeze %dma_wait3A_19 : memref<1x632x128xf32, #tpu.memory_space<hbm>> -> memref<632x128xf32, #tpu.memory_space<hbm>>
      %dma_wait3A_21 = arith.constant 0 : i32
      %dma_wait3A_22 = tpu.memref_slice %arg18[%mul3A_2, %dma_wait3A_21] : memref<10112x128xf32, #tpu.memory_space<vmem_shared>> -> memref<632x128xf32, #tpu.memory_space<vmem_shared>>
      tpu.wait_dma2 semaphore(%run_scoped3A : memref<!tpu.dma_semaphore, #tpu.memory_space<semaphore_mem>>) src(%dma_wait3A_22 : memref<632x128xf32, #tpu.memory_space<vmem_shared>>) dst(%dma_wait3A_20 : memref<632x128xf32, #tpu.memory_space<hbm>>)
      tpu.yield
    }) : () -> ()
    return
  }
}

module attributes {stable_mosaic.version = 14 : i64} {
  func.func @_proj_body(%arg0: i32, %arg1: memref<2000x256xf32, #tpu.memory_space<vmem>>, %arg2: memref<256x128xf32, #tpu.memory_space<vmem>>, %arg3: memref<256x128xf32, #tpu.memory_space<vmem>>, %arg4: memref<256x8xf32, #tpu.memory_space<vmem>>, %arg5: memref<2x2000x128xf32, #tpu.memory_space<vmem>>, %arg6: memref<2000x8xf32, #tpu.memory_space<vmem>>) attributes {dimension_semantics = [#tpu.dimension_semantics<arbitrary>], iteration_bounds = array<i64: 5>, scalar_prefetch = 0 : i64, scratch_operands = 0 : i64, tpu.core_type = #tpu.core_type<tc>, window_params = [{transform_indices = @transform_0, window_bounds = array<i64: 2000, 256>}, {pipeline_mode = #tpu.pipeline_mode<synchronous>, transform_indices = @transform_1, window_bounds = array<i64: 256, 128>}, {pipeline_mode = #tpu.pipeline_mode<synchronous>, transform_indices = @transform_2, window_bounds = array<i64: 256, 128>}, {pipeline_mode = #tpu.pipeline_mode<synchronous>, transform_indices = @transform_3, window_bounds = array<i64: 256, 8>}, {transform_indices = @transform_4, window_bounds = array<i64: 2, 2000, 128>}, {transform_indices = @transform_5, window_bounds = array<i64: 2000, 8>}]} {
    %get3A = arith.constant 0 : index
    %get3A_0 = arith.constant 0 : index
    %get3A_1 = vector.load %arg1[%get3A, %get3A_0] : memref<2000x256xf32, #tpu.memory_space<vmem>>, vector<2000x256xf32>
    %get3A_2 = arith.constant 0 : index
    %get3A_3 = arith.constant 0 : index
    %get3A_4 = vector.load %arg2[%get3A_2, %get3A_3] : memref<256x128xf32, #tpu.memory_space<vmem>>, vector<256x128xf32>
    %dot_general3A = arith.constant dense<0.000000e+00> : vector<2000x128xf32>
    %dot_general3A_5 = tpu.matmul %get3A_1, %get3A_4, %dot_general3A {dimension_numbers = #tpu.dot_dimension_numbers<[1], [0], [0], [1], [0, 0, 1, 1], [], []>, transpose_lhs_hint = false} : vector<2000x256xf32>, vector<256x128xf32>, vector<2000x128xf32> -> vector<2000x128xf32>
    %swap3A = arith.constant 0 : index
    %swap3A_6 = arith.constant 0 : index
    %swap3A_7 = arith.constant 0 : index
    %swap3A_8 = vector.load %arg5[%swap3A, %swap3A_6, %swap3A_7] : memref<2x2000x128xf32, #tpu.memory_space<vmem>>, vector<1x2000x128xf32>
    %swap3A_9 = vector.shape_cast %swap3A_8 : vector<1x2000x128xf32> to vector<2000x128xf32>
    %swap3A_10 = vector.shape_cast %dot_general3A_5 : vector<2000x128xf32> to vector<1x2000x128xf32>
    tpu.vector_store %arg5[%swap3A, %swap3A_6, %swap3A_7], %swap3A_10 {strides = array<i32>} : memref<2x2000x128xf32, #tpu.memory_space<vmem>>, vector<1x2000x128xf32>,
    %get3A_11 = arith.constant 0 : index
    %get3A_12 = arith.constant 0 : index
    %get3A_13 = vector.load %arg3[%get3A_11, %get3A_12] : memref<256x128xf32, #tpu.memory_space<vmem>>, vector<256x128xf32>
    %dot_general3A_14 = arith.constant dense<0.000000e+00> : vector<2000x128xf32>
    %dot_general3A_15 = tpu.matmul %get3A_1, %get3A_13, %dot_general3A_14 {dimension_numbers = #tpu.dot_dimension_numbers<[1], [0], [0], [1], [0, 0, 1, 1], [], []>, transpose_lhs_hint = false} : vector<2000x256xf32>, vector<256x128xf32>, vector<2000x128xf32> -> vector<2000x128xf32>
    %swap3A_16 = arith.constant 1 : index
    %swap3A_17 = arith.constant 0 : index
    %swap3A_18 = arith.constant 0 : index
    %swap3A_19 = vector.load %arg5[%swap3A_16, %swap3A_17, %swap3A_18] : memref<2x2000x128xf32, #tpu.memory_space<vmem>>, vector<1x2000x128xf32>
    %swap3A_20 = vector.shape_cast %swap3A_19 : vector<1x2000x128xf32> to vector<2000x128xf32>
    %swap3A_21 = vector.shape_cast %dot_general3A_15 : vector<2000x128xf32> to vector<1x2000x128xf32>
    tpu.vector_store %arg5[%swap3A_16, %swap3A_17, %swap3A_18], %swap3A_21 {strides = array<i32>} : memref<2x2000x128xf32, #tpu.memory_space<vmem>>, vector<1x2000x128xf32>,
    %get3A_22 = arith.constant 0 : index
    %get3A_23 = arith.constant 0 : index
    %get3A_24 = vector.load %arg4[%get3A_22, %get3A_23] : memref<256x8xf32, #tpu.memory_space<vmem>>, vector<256x8xf32>
    %dot_general3A_25 = arith.constant dense<0.000000e+00> : vector<2000x8xf32>
    %dot_general3A_26 = tpu.matmul %get3A_1, %get3A_24, %dot_general3A_25 {dimension_numbers = #tpu.dot_dimension_numbers<[1], [0], [0], [1], [0, 0, 1, 1], [], []>, transpose_lhs_hint = false} : vector<2000x256xf32>, vector<256x8xf32>, vector<2000x8xf32> -> vector<2000x8xf32>
    %swap3A_27 = arith.constant 0 : index
    %swap3A_28 = arith.constant 0 : index
    %swap3A_29 = vector.load %arg6[%swap3A_27, %swap3A_28] : memref<2000x8xf32, #tpu.memory_space<vmem>>, vector<2000x8xf32>
    tpu.vector_store %arg6[%swap3A_27, %swap3A_28], %dot_general3A_26 {strides = array<i32>} : memref<2000x8xf32, #tpu.memory_space<vmem>>, vector<2000x8xf32>,
    return
  }
  func.func @transform_0(%arg0: i32) -> (i32, i32) {
    %c0_i32 = arith.constant 0 : i32
    %c0_i32_0 = arith.constant 0 : i32
    return %arg0, %c0_i32 : i32, i32
  }
  func.func @transform_1(%arg0: i32) -> (i32, i32) {
    %c0_i32 = arith.constant 0 : i32
    %c0_i32_0 = arith.constant 0 : i32
    %c0_i32_1 = arith.constant 0 : i32
    return %c0_i32, %c0_i32_0 : i32, i32
  }
  func.func @transform_2(%arg0: i32) -> (i32, i32) {
    %c0_i32 = arith.constant 0 : i32
    %c0_i32_0 = arith.constant 0 : i32
    %c0_i32_1 = arith.constant 0 : i32
    return %c0_i32, %c0_i32_0 : i32, i32
  }
  func.func @transform_3(%arg0: i32) -> (i32, i32) {
    %c0_i32 = arith.constant 0 : i32
    %c0_i32_0 = arith.constant 0 : i32
    %c0_i32_1 = arith.constant 0 : i32
    return %c0_i32, %c0_i32_0 : i32, i32
  }
  func.func @transform_4(%arg0: i32) -> (i32, i32, i32) {
    %c0_i32 = arith.constant 0 : i32
    %c0_i32_0 = arith.constant 0 : i32
    %c0_i32_1 = arith.constant 0 : i32
    return %c0_i32, %arg0, %c0_i32_0 : i32, i32, i32
  }
  func.func @transform_5(%arg0: i32) -> (i32, i32) {
    %c0_i32 = arith.constant 0 : i32
    %c0_i32_0 = arith.constant 0 : i32
    return %arg0, %c0_i32 : i32, i32
  }
}

module attributes {stable_mosaic.version = 14 : i64} {
  func.func @_edge_body(%arg0: i32, %arg1: memref<8000x16xf32, #tpu.memory_space<vmem>>, %arg2: memref<16x4xf32, #tpu.memory_space<vmem>>, %arg3: memref<8000x4xf32, #tpu.memory_space<vmem>>) attributes {dimension_semantics = [#tpu.dimension_semantics<arbitrary>], iteration_bounds = array<i64: 20>, scalar_prefetch = 0 : i64, scratch_operands = 0 : i64, tpu.core_type = #tpu.core_type<tc>, window_params = [{transform_indices = @transform_0, window_bounds = array<i64: 8000, 16>}, {pipeline_mode = #tpu.pipeline_mode<synchronous>, transform_indices = @transform_1, window_bounds = array<i64: 16, 4>}, {transform_indices = @transform_2, window_bounds = array<i64: 8000, 4>}]} {
    %get3A = arith.constant 0 : index
    %get3A_0 = arith.constant 0 : index
    %get3A_1 = vector.load %arg1[%get3A, %get3A_0] : memref<8000x16xf32, #tpu.memory_space<vmem>>, vector<8000x16xf32>
    %get3A_2 = arith.constant 0 : index
    %get3A_3 = arith.constant 0 : index
    %get3A_4 = vector.load %arg2[%get3A_2, %get3A_3] : memref<16x4xf32, #tpu.memory_space<vmem>>, vector<16x4xf32>
    %dot_general3A = arith.constant dense<0.000000e+00> : vector<8000x4xf32>
    %dot_general3A_5 = tpu.matmul %get3A_1, %get3A_4, %dot_general3A {dimension_numbers = #tpu.dot_dimension_numbers<[1], [0], [0], [1], [0, 0, 1, 1], [], []>, transpose_lhs_hint = false} : vector<8000x16xf32>, vector<16x4xf32>, vector<8000x4xf32> -> vector<8000x4xf32>
    %swap3A = arith.constant 0 : index
    %swap3A_6 = arith.constant 0 : index
    %swap3A_7 = vector.load %arg3[%swap3A, %swap3A_6] : memref<8000x4xf32, #tpu.memory_space<vmem>>, vector<8000x4xf32>
    tpu.vector_store %arg3[%swap3A, %swap3A_6], %dot_general3A_5 {strides = array<i32>} : memref<8000x4xf32, #tpu.memory_space<vmem>>, vector<8000x4xf32>,
    return
  }
  func.func @transform_0(%arg0: i32) -> (i32, i32) {
    %c0_i32 = arith.constant 0 : i32
    %c0_i32_0 = arith.constant 0 : i32
    return %arg0, %c0_i32 : i32, i32
  }
  func.func @transform_1(%arg0: i32) -> (i32, i32) {
    %c0_i32 = arith.constant 0 : i32
    %c0_i32_0 = arith.constant 0 : i32
    %c0_i32_1 = arith.constant 0 : i32
    return %c0_i32, %c0_i32_0 : i32, i32
  }
  func.func @transform_2(%arg0: i32) -> (i32, i32) {
    %c0_i32 = arith.constant 0 : i32
    %c0_i32_0 = arith.constant 0 : i32
    return %arg0, %c0_i32 : i32, i32
  }
}

</mosaic_0001>

<sc_bundles>
// kernel: kernel.6.cloned.1.call-start
scs
__scs_entry_jumppad:
0x0: {  	(pc) =	sbr.rel $0x88, $3  }
0x1: {  	(tag) =	ssettag $0x0;
	lr =	simm.s32 $0x1  }
0x2: {  	[smem:$0x3F97] =	sst lr;
	_ =	strace $0xD0000000  }
0x3: {  	_ = 	snop  }
0x4: {  	_ = 	snop  }
0x5: {  	_ = 	snop  }
0x6: {  	_ = 	snop  }
0x7: {  	_ = 	snop  }
__scs_overlays_trampoline_lowered:
0x8: {  	[smem:$0x3FA6] =	sst s0  }
0x9: {  	[smem:$0x3FA7] =	sst s1  }
0xa: {  	[smem:$0x3FA8] =	sst s2  }
0xb: {  	[smem:$0x3FA9] =	sst s3  }
0xc: {  	[smem:$0x3FAA] =	sst s4  }
0xd: {  	[smem:$0x3FAB] =	sst s5  }
0xe: {  	[smem:$0x3FAC] =	sst s6  }
0xf: {  	[smem:$0x3FAD] =	sst s7  }
0x10: {  	[smem:$0x3FAE] =	sst s8  }
0x11: {  	[smem:$0x3FAF] =	sst s9;
	s0 =	simm.s32 @!p0 $0x0  }
0x12: {  	s1 =	sld [smem:$0x3F95];
	s0 =	simm.s32 @p0 $0x1  }
0x13: {  	[smem:$0x3FB0] =	sst s0;
	s0 =	simm.s32 @!p1 $0x0  }
0x14: {  	s2 =	sld [smem:$0x3F94];
	s0 =	simm.s32 @p1 $0x1  }
0x15: {  	[smem:$0x3FB1] =	sst s0;
	s0 =	simm.s32 @!p2 $0x0  }
0x16: {  	s3 =	sld [smem:$0x3FDB];
	s0 =	simm.s32 @p2 $0x1  }
0x17: {  	s4 =	simm.s32 $0x1BF5;
	[smem:$0x3FB3] =	sst s0  }
0x18: {  	s0 =	sld [smem:$0x3F96];
	_ =	swait.ge [sflag:s4], $0x0  }
0x19: {  	s7 =	sld [smem:$0x3F97]  }
0x1a: {  	s8 =	sadd.s32 $0xFFFFE003, lr  }
0x1b: {  	s9 =	sadd.s32 $0xFFFFFEF7, lr;
	s5 =	simm.s32 $0xFFFFFFFF;
	p2 =	slt.u32 s8, $0xFFFFF086  }
0x1c: {  	p1 =	slt.u32 s9, $0xF7A;
	s5 =	simm.s32 @!p2 $0x0  }
0x1d: {  	s5 =	simm.s32 @p1 $0x1;
	p0 =	seq.s32 s7, s2  }
0x1e: {  	s7 =	smul.u32 @!p0 $0xF7A, s2;
	p2 =	seq.s32 @!p0 s5, $0x0  }
0x1f: {  	s9 =	smul.u32 $0xF7A, s1;
	s8 =	simm.s32 @!p0 $0x1BF5;
	p2 =	por !p2, p0  }
0x20: {  	[sflag:s8] =	ssyncset.s32 @!p0 $0xFFFFF086;
	s6 =	sadd.s32 @!p0 s3, s7;
	s7 =	simm.s32 @!p0 $0x108  }
0x21: {  	s3 =	sadd.s32 s3, s9;
	s6 =	sadd.s32 @!p0 $0x88, s6;
	s7 =	simm.s32 @p2 $0x1082  }
0x22: {  	[simem:s7], [sflag:s8] =	dma.local @!p0 [hbm:s6], $0xF7A  }
0x23: {  	s9 =	sor.u32 $0xD0000000, s2;
	s6 =	simm.s32 $0x108;
	_ =	swait.ge @!p0 [sflag:s8], $0x0  }
0x24: {  	s3 =	sadd.s32 $0x88, s3;
	s6 =	simm.s32 @!p1 $0x1082;
	[sflag:s4] =	ssyncset.s32 $0xFFFFF086  }
0x25: {  	[simem:s6], [sflag:s4] =	dma.local [hbm:s3], $0xF7A  }
0x26: {  	[smem:$0x3F97] =	sst s1;
	(tag) =	ssettag s2;
	_ =	strace s9  }
0x27: {  	s1 =	sld [smem:$0x3FA7]  }
0x28: {  	s2 =	sld [smem:$0x3FA8]  }
0x29: {  	s4 =	sld [smem:$0x3FAA]  }
0x2a: {  	p0 =	seq.s32 s5, $0x0;
	s5 =	sld [smem:$0x3FAB]  }
0x2b: {  	s6 =	sld [smem:$0x3FAC]  }
0x2c: {  	s7 =	sld [smem:$0x3FAD]  }
0x2d: {  	s3 =	simm.s32 $0x108;
	s8 =	sld [smem:$0x3FAE]  }
0x2e: {  	s3 =	simm.s32 @!p0 $0x1082;
	s9 =	sld [smem:$0x3FAF]  }
0x2f: {  	lr =	sadd.s32 s0, s3;
	s0 =	sld [smem:$0x3FA6]  }
0x30: {  	s3 =	sld [smem:$0x3FA9]  }
0x31: {  	[smem:$0x3FB2] =	sst s10  }
0x32: {  	s10 =	sld [smem:$0x3FB0];
	_ =	sdelay $0x3  }
0x33: {  	p0 =	seq.s32 s10, $0x1;
	s10 =	sld [smem:$0x3FB2];
	_ =	sdelay $0x3  }
0x34: {  	[smem:$0x3FB2] =	sst s10  }
0x35: {  	s10 =	sld [smem:$0x3FB1];
	_ =	sdelay $0x3  }
0x36: {  	p1 =	seq.s32 s10, $0x1;
	s10 =	sld [smem:$0x3FB2];
	_ =	sdelay $0x3  }
0x37: {  	[smem:$0x3FB2] =	sst s10  }
0x38: {  	s10 =	sld [smem:$0x3FB3]  }
0x39: {  	_ = 	snop;
	(pc) =	sbr.ind lr, $3  }
0x3a: {  	_ = 	snop  }
0x3b: {  	_ = 	snop  }
0x3c: {  	p2 =	seq.s32 s10, $0x1;
	s10 =	sld [smem:$0x3FB2]  }
0x3d: {  	_ =	shalt  }
0x3e: {  	_ =	shalt  }
0x3f: {  	_ =	shalt  }
0x40: {  	_ =	shalt  }
0x41: {  	_ =	shalt  }
0x42: {  	_ =	shalt  }
0x43: {  	_ =	shalt  }
0x44: {  	_ =	shalt  }
0x45: {  	_ =	shalt  }
0x46: {  	_ =	shalt  }
0x47: {  	_ =	shalt  }
0x48: {  	_ =	shalt  }
0x49: {  	_ =	shalt  }
0x4a: {  	_ =	shalt  }
0x4b: {  	_ =	shalt  }
0x4c: {  	_ =	shalt  }
0x4d: {  	_ =	shalt  }
0x4e: {  	_ =	shalt  }
0x4f: {  	_ =	shalt  }
0x50: {  	_ =	shalt  }
0x51: {  	_ =	shalt  }
0x52: {  	_ =	shalt  }
0x53: {  	_ =	shalt  }
0x54: {  	_ =	shalt  }
0x55: {  	_ =	shalt  }
0x56: {  	_ =	shalt  }
0x57: {  	_ =	shalt  }
0x58: {  	_ =	shalt  }
0x59: {  	_ =	shalt  }
0x5a: {  	_ =	shalt  }
0x5b: {  	_ =	shalt  }
0x5c: {  	_ =	shalt  }
0x5d: {  	_ =	shalt  }
0x5e: {  	_ =	shalt  }
0x5f: {  	_ =	shalt  }
0x60: {  	_ =	shalt  }
0x61: {  	_ =	shalt  }
0x62: {  	_ =	shalt  }
0x63: {  	_ =	shalt  }
0x64: {  	_ =	shalt  }
0x65: {  	_ =	shalt  }
0x66: {  	_ =	shalt  }
0x67: {  	_ =	shalt  }
0x68: {  	_ =	shalt  }
0x69: {  	_ =	shalt  }
0x6a: {  	_ =	shalt  }
0x6b: {  	_ =	shalt  }
0x6c: {  	_ =	shalt  }
0x6d: {  	_ =	shalt  }
0x6e: {  	_ =	shalt  }
0x6f: {  	_ =	shalt  }
0x70: {  	_ =	shalt  }
0x71: {  	_ =	shalt  }
0x72: {  	_ =	shalt  }
0x73: {  	_ =	shalt  }
0x74: {  	_ =	shalt  }
0x75: {  	_ =	shalt  }
0x76: {  	_ =	shalt  }
0x77: {  	_ =	shalt  }
0x78: {  	_ =	shalt  }
0x79: {  	_ =	shalt  }
0x7a: {  	_ =	shalt  }
0x7b: {  	_ =	shalt  }
0x7c: {  	_ =	shalt  }
0x7d: {  	_ =	shalt  }
0x7e: {  	_ =	shalt  }
0x7f: {  	_ =	shalt  }
0x80: {  	_ =	shalt  }
0x81: {  	_ =	shalt  }
0x82: {  	_ =	shalt  }
0x83: {  	_ =	shalt  }
0x84: {  	_ =	shalt  }
0x85: {  	_ =	shalt  }
0x86: {  	_ =	shalt  }
0x87: {  	_ =	shalt  }
.Lfunc_end0:
.L_simem_size_0:
called_computation_lowered:
.L_overlay_start_0:
0x88: {  	s2 =	sld [smem:$0x3FD9]  }
0x89: {  	s3 =	sld [smem:$0x3FFE];
	_ =	sdelay $0x1  }
0x8a: {  	s1 =	srdreg.scid  }
0x8b: {  	s0 =	sand.u32 $0x1, s1  }
0x8c: {  	s16 =	sshll.u32 s0, $0xA;
	s2 =	sadd.s32 s3, s2  }
0x8d: {  	s2 =	sadd.s32 s2, s16  }
0x8e: {  	[smem:$0x3FBE] =	sst s2  }
0x8f: {  	_ = 	snop  }
0x90: {  	(tm) =	ssettm $0x1  }
0x91: {  	s17 =	sld [smem:$0x3FFB];
	_ =	sdelay $0x3  }
0x92: {  	_ =	strace s17  }
0x93: {  	s2 =	sld [smem:$0x3FFC];
	_ =	sdelay $0x3  }
0x94: {  	_ =	strace s2  }
0x95: {  	s2 =	sld [smem:$0x3FFD];
	_ =	sdelay $0x3  }
0x96: {  	_ =	strace s2  }
0x97: {  	_ =	strace $0x8FFFFFFF  }
0x98: {  	s18 =	sld [smem:$0x3FDB];
	_ =	sdelay $0x1  }
0x99: {  	s19 =	simm.s32 $_scs_section_size  }
0x9a: {  	s4 =	simm.s32 $_size__tile_overlayer_lowered;
	s5 =	simm.s32 $_tile_overlayer_lowered  }
0x9b: {  	s22 =	simm.s32 $0x1BFF;
	s21 =	sshll.u32 s5, $0x1;
	s2 =	sadd.s32 s19, s18  }
0x9c: {  	s6 =	simm.s32 $0x0;
	s20 =	sshll.u32 s4, $0x1;
	s4 =	sadd.s32 s21, s2  }
0x9d: {  	[timem:s6], [sflag:s22] =	dma.local [hbm:s4], s20  }
0x9e: {  	_ =	swait.ge [sflag:s22], s20  }
0x9f: {  	s3 =	ssub.s32 $0x0, s20;
	[sflag:s22] =	ssyncset.done $0x0  }
0xa0: {  	[sflag:s22] =	ssyncadd.s32 s3;
	_ =	sdelay $0x1  }
0xa1: {  	s23 =	simm.s32 $0x1B8B  }
0xa2: {  	_ =	swait.ge [sflag:s23], $0x1  }
0xa3: {  	[sflag:s23] =	ssyncset.done $0x0  }
0xa4: {  	s25 =	simm.s32 $0x1B8E;
	s24 =	sld [smem:$0x3FFE];
	[sflag:s23] =	ssyncadd.s32 $0xFFFFFFFF  }
0xa5: {  	s26 =	simm.s32 $execute0_lowered;
	[smem:$0x3FD2] =	sst s25  }
0xa6: {  	s4 =	sshll.u32 s26, $0x1;
	_ =	strace $0x80000046;
	[dreg:$0x1] =	wrdreg $0xFFFFFFFF  }
0xa7: {  	s28 =	simm.s32 $_size_execute0_lowered;
	s2 =	sadd.s32 s2, s4;
	[dreg:$0x0] =	wrdreg $0x0  }
0xa8: {  	s4 =	sshll.u32 s28, $0x1;
	[dreg:$0x2] =	wrdreg s2  }
0xa9: {  	[dreg:$0x3] =	wrdreg s4  }
0xaa: {  	[dreg:$0x4] =	wrdreg $0xC0  }
0xab: {  	_ =	task [dreg:s6], $0x5FFFF  }
0xac: {  	[dreg:$0x1] =	wrdreg $0xFFFFFFFF  }
0xad: {  	[dreg:$0x0] =	wrdreg $0x60  }
0xae: {  	[dreg:$0x2] =	wrdreg s24  }
0xaf: {  	[dreg:$0x3] =	wrdreg $0x17E000  }
0xb0: {  	[dreg:$0x4] =	wrdreg $0x9  }
0xb1: {  	_ =	task.clear_ibuf [dreg:s6], $0x5FFFF;
	_ =	strace $0x90000046  }
0xb2: {  	s29 =	simm.s32 $0x9;
	_ =	strace $0x80000048  }
0xb3: {  	_ =	swait.ge [sflag:s29], $0x1  }
0xb4: {  	[sflag:s29] =	ssyncadd.s32 $0xFFFFFFFF  }
0xb5: {  	_ =	strace $0x90000048  }
0xb6: {  	_ =	sfence  }
0xb7: {  	s30 =	sld [smem:$0x0];
	_ =	sdelay $0x2  }
0xb8: {  	s31 =	sshll.u32 s1, $0xD;
	s1 =	sshrl.u32 s1, $0x2  }
0xb9: {  	s3 =	sand.u32 $0x4000, s31;
	s1 =	sadd.s32 s1, s30  }
0xba: {  	s0 =	sor.u32 s3, s0;
	s1 =	sshll.u32 s1, $0x11  }
0xbb: {  	s0 =	sor.u32 s1, s0  }
0xbc: {  	s0 =	sadd.s32 $0x8F2B, s0  }
0xbd: {  	[sflag:s0] =	ssyncadd.remote.s32 $0x1  }
0xbe: {  	_ =	sfence.sel $0xFFFF  }
0xbf: {  	[dreg:$0x0] =	wrdreg $0xFFFFFFFF;
	(pc) =	sbr.abs _section_cstart, $3  }
0xc0: {  	[dreg:$0x1] =	wrdreg $0xFFFFFFFF  }
0xc1: {  	_ =	task.clear_ibuf [dreg:s6], $0x2FFFF;
	_ =	strace $0x9FFFFFFF  }
0xc2: {  	(tm) =	ssettm $0x7FFFFFFF  }
0xc3: {  	_ =	shalt  }
tec
execute0_lowered:
.L_overlay_start_1:
0x0: {  	(tag) =	ssettag $0x1  }
0x1: {  	s0 =	rddreg [dreg:$0x0]  }
0x2: {  	s2 =	rddreg [dreg:$0x1];
	s3 =	simm.s32 $0x0;
	s1 =	srdreg.scid  }
0x3: {  	s11 =	stileid.u32;
	s14 =	simm.s32 $0x1;
	s15 =	simm.s32 $0x9E00  }
0x4: {  	s23 =	simm.s32 $0x15400;
	s18 =	simm.s32 $0x15800;
	s13 =	simm.s32 $0x15C00  }
0x5: {  	s22 =	simm.s32 $0x16200;
	s28 =	simm.s32 $0x17300;
	s29 =	simm.s32 $0x16300  }
0x6: {  	s30 =	simm.s32 $0x17380;
	s31 =	simm.s32 $0x16380;
	[smem:$0x7FF] =	sst s3  }
0x7: {  	s1 =	sand.u32 $0x1, s1;
	s6 =	smul.u32 $0x9E0, s11;
	s4 =	sadd.s32 $0x19400, s0  }
0x8: {  	s5 =	sadd.s32 $0x1E400, s0;
	s8 =	sadd.s32 $0x2C00, s0;
	s24 =	sadd.s32 $0x4000, s0  }
0x9: {  	s9 =	sadd.s32 $0x25C00, s0;
	_ =	strace $0x80000047;
	[dreg:$0x3] =	wrdreg s8  }
0xa: {  	s11 =	sshll.u32 s11, $0x1;
	s7 =	smul.u32 $0x9E00, s1;
	[dreg:$0x4] =	wrdreg s24  }
0xb: {  	s8 =	sadd.s32 $0x5400, s0;
	s10 =	ssub.s32 $0x2, s1;
	s1 =	sor.u32 s1, s11  }
0xc: {  	s24 =	simm.s32 $0x80;
	s25 =	sshrl.u32 s10, $0x1;
	s7 =	sadd.s32 s6, s7  }
0xd: {  	s11 =	smul.u32 $0x1400, s1;
	s1 =	simm.s32 $0x0;
	s7 =	sshrl.u32 s7, $0x3  }
0xe: {  	s0 =	sadd.s32 s7, s0;
	s7 =	ssub.s32 s10, s25;
	s10 =	sadd.s32 s6, s2  }
0xf: {  	s6 =	simm.s32 $0x16000;
	s0 =	sadd.s32 $0x23400, s0;
	[dreg:$0x5] =	wrdreg s10  }
0x10: {  	s25 =	simm.s32 $0x17280;
	s26 =	smax.u32 s7, $0x1;
	[dreg:$0x6] =	wrdreg s0  }
0x11: {  	v0 =	vimm.f32 $0.0e+00;
	s7 =	simm.s32 $0x17400;
	[dreg:$0x7] =	wrdreg s26;
	s26 =	simm.s32 $0x16280  }
.LBB2_1:
0x12: {  	[dreg:$0x8] =	wrdreg s1  }
0x13: {  	s0 =	rddreg [dreg:$0x3]  }
0x14: {  	[tilespmem:s3], [sflag:$0x1] =	stream.linear.gather [hbm4b:s0+s3], $0x9E00, $0x38;
	[tilespmem:$0x187E0] =	vst v63  }
0x15: {  	_ =	swait.ge [sflag:s14], $0x9E00  }
0x16: {  	[sflag:s14] =	ssyncset.done $0x0  }
0x17: {  	s21 =	rddreg [dreg:$0x4];
	[sflag:s14] =	ssyncadd.s32 $0xFFFF6200  }
0x18: {  	[tilespmem:s15], [sflag:$0x1] =	stream.linear.gather [hbm4b:s21+s3], $0x9E00, $0x38;
	[tilespmem:$0x187E0] =	vst v63  }
0x19: {  	_ =	swait.ge [sflag:s14], $0x9E00  }
0x1a: {  	[sflag:s14] =	ssyncset.done $0x0  }
0x1b: {  	s1 =	simm.s32 $0x0;
	s0 =	simm.s32 $0x40;
	[sflag:s14] =	ssyncadd.s32 $0xFFFF6200  }
.LBB2_2:
0x1c: {  	p0 =	sne.s32 s0, $0x2740;
	[tilespmem:s1+$0x17400] =	vst v0;
	s1 =	smov.u32 s0;
	s0 =	sadd.s32 $0x40, s0  }
.Ltmp0:
0x1d: {  	(pc) =	sbr.rel @p0 .LBB2_2-.Ltmp0, $2  }
0x1e: {  	_ =	sdelay $0x2  }
0x1f: {  	s1 =	sshra.s32 s1, $0x2  }
0x20: {  	[tilespmem:s1+$0x17400] =	vst v0  }
0x21: {  	[spmem:s10] =	stream.linear.scatter [tilespmem:s7], [sflag:$0x1], $0x9E0, $0x38;
	[tilespmem:$0x187E0] =	vst v63  }
0x22: {  	_ =	swait.ge [sflag:s14], $0x9E0  }
0x23: {  	[sflag:s14] =	ssyncset.done $0x0  }
0x24: {  	[sflag:s14] =	ssyncadd.s32 $0xFFFFF620  }
0x25: {  	s0 =	simm.s32 $0x0;
	s1 =	simm.s32 $0x0;
	[bflag:$0x0] =	sbarrier.arrive $0xFFFF  }
.LBB2_4:
0x26: {  	s7 =	sshll.u32 s1, $0xA  }
0x27: {  	s7 =	sadd.s32 s11, s7  }
0x28: {  	s10 =	sshrl.u32 s7, $0x3  }
0x29: {  	s12 =	simm.s32 $0x13C00;
	s7 =	sadd.s32 s4, s10  }
0x2a: {  	[tilespmem:s12], [sflag:$0x1] =	stream.linear.gather [hbm4b:s7+s0], $0x400, $0x38;
	[tilespmem:$0x187E0] =	vst v63  }
0x2b: {  	_ =	swait.ge [sflag:s14], $0x400  }
0x2c: {  	[sflag:s14] =	ssyncset.done $0x0  }
0x2d: {  	s21 =	simm.s32 $0x14000;
	s20 =	sadd.s32 s5, s10;
	[sflag:s14] =	ssyncadd.s32 $0xFFFFFC00  }
0x2e: {  	[tilespmem:s21], [sflag:$0x1] =	stream.linear.gather [hbm4b:s20+s0], $0x400, $0x38;
	[tilespmem:$0x187E0] =	vst v63  }
0x2f: {  	_ =	swait.ge [sflag:s14], $0x400  }
0x30: {  	[sflag:s14] =	ssyncset.done $0x0  }
0x31: {  	s16 =	simm.s32 $0x14400;
	s12 =	sadd.s32 s8, s10;
	[sflag:s14] =	ssyncadd.s32 $0xFFFFFC00  }
0x32: {  	[tilespmem:s16], [sflag:$0x1] =	stream.linear.gather [hbm4b:s12+s0], $0x400, $0x38;
	[tilespmem:$0x187E0] =	vst v63  }
0x33: {  	_ =	swait.ge [sflag:s14], $0x400  }
0x34: {  	s16 =	sadd.s32 $0x5000, s10;
	[sflag:s14] =	ssyncset.done $0x0  }
0x35: {  	s19 =	simm.s32 $0x14800;
	s17 =	sadd.s32 s8, s16;
	[sflag:s14] =	ssyncadd.s32 $0xFFFFFC00  }
0x36: {  	[tilespmem:s19], [sflag:$0x1] =	stream.linear.gather [hbm4b:s17+s0], $0x400, $0x38;
	[tilespmem:$0x187E0] =	vst v63  }
0x37: {  	_ =	swait.ge [sflag:s14], $0x400  }
0x38: {  	s12 =	sadd.s32 $0xA000, s10;
	[sflag:s14] =	ssyncset.done $0x0  }
0x39: {  	s20 =	sadd.s32 s8, s12;
	s17 =	simm.s32 $0x14C00;
	[sflag:s14] =	ssyncadd.s32 $0xFFFFFC00  }
0x3a: {  	[tilespmem:s17], [sflag:$0x1] =	stream.linear.gather [hbm4b:s20+s0], $0x400, $0x38;
	[tilespmem:$0x187E0] =	vst v63  }
0x3b: {  	_ =	swait.ge [sflag:s14], $0x400  }
0x3c: {  	s7 =	sadd.s32 $0xF000, s10;
	[sflag:s14] =	ssyncset.done $0x0  }
0x3d: {  	s21 =	sadd.s32 s8, s7;
	s19 =	simm.s32 $0x15000;
	[sflag:s14] =	ssyncadd.s32 $0xFFFFFC00  }
0x3e: {  	[tilespmem:s19], [sflag:$0x1] =	stream.linear.gather [hbm4b:s21+s0], $0x400, $0x38;
	[tilespmem:$0x187E0] =	vst v63  }
0x3f: {  	_ =	swait.ge [sflag:s14], $0x400  }
0x40: {  	[sflag:s14] =	ssyncset.done $0x0  }
0x41: {  	s17 =	simm.s32 $0x0;
	[sflag:s14] =	ssyncadd.s32 $0xFFFFFC00  }
0x42: {  	v1 =	vld [tilespmem:s17+$0x13C00]  }
0x43: {  	v2 =	vld [tilespmem:s17+$0x14000];
	_ =	sdelay $0x3  }
0x44: {  	v1 =	vshll.u32 v1, $0x2  }
0x45: {  	v2 =	vshll.u32 v2, $0x2;
	_ =	sdelay $0x3  }
0x46: {  	v3 =	vld.idx.msk [tilespmem:v1+s3+$0x0], $0xffff  }
0x47: {  	v4 =	vld.idx.msk [tilespmem:v2+s15+$0x0], $0xffff;
	_ =	sdelay $0x1  }
0x48: {  	v5 =	vld [tilespmem:s17+$0x14400];
	_ =	sdelay $0x2  }
0x49: {  	v3 =	vadd.f32 v4, v3;
	_ =	sdelay $0x1  }
0x4a: {  	v3 =	vadd.f32 v5, v3;
	_ =	sdelay $0x1  }
0x4b: {  	v55 =	vmul.f32 $2.000000030e-01, v3  }
0x4c: {  	vm0 =	vgt.f32 v3, $0.0e+00  }
0x4d: {  	v3 =	vsel vm0, v3, v55  }
0x4e: {  	v3 =	vmul.f32 $1.442695020e+00, v3;
	_ =	sdelay $0x1  }
0x4f: {  	(erf) = vpow2.f32 v3;
	_ =	sdelay $0x5  }
0x50: {  	v3 =	vor.u32 $0x1, v1  }
0x51: {  	v56 =	vor.u32 $0x1, v2;
	_ =	sdelay $0x1  }
0x52: {  	[tilespmem:s17+$0x16400] =	vst v2;
	v57 =	vpop (erf)  }
0x53: {  	[tilespmem:s17+$0x15400] =	vst v57  }
0x54: {  	v3 =	vld.idx.msk [tilespmem:v3+s3+$0x0], $0xffff  }
0x55: {  	v5 =	vld.idx.msk [tilespmem:v56+s15+$0x0], $0xffff;
	_ =	sdelay $0x1  }
0x56: {  	v6 =	vld [tilespmem:s17+$0x14800];
	_ =	sdelay $0x2  }
0x57: {  	v3 =	vadd.f32 v5, v3;
	_ =	sdelay $0x1  }
0x58: {  	v3 =	vadd.f32 v6, v3;
	_ =	sdelay $0x1  }
0x59: {  	v58 =	vmul.f32 $2.000000030e-01, v3  }
0x5a: {  	vm13 =	vgt.f32 v3, $0.0e+00  }
0x5b: {  	v3 =	vsel vm13, v3, v58  }
0x5c: {  	v3 =	vmul.f32 $1.442695020e+00, v3;
	_ =	sdelay $0x1  }
0x5d: {  	(erf) = vpow2.f32 v3;
	_ =	sdelay $0x5  }
0x5e: {  	v3 =	vor.u32 $0x2, v1  }
0x5f: {  	v59 =	vor.u32 $0x2, v2;
	_ =	sdelay $0x1  }
0x60: {  	[tilespmem:s17+$0x16800] =	vst v56;
	v60 =	vpop (erf)  }
0x61: {  	[tilespmem:s17+$0x15800] =	vst v60  }
0x62: {  	v3 =	vld.idx.msk [tilespmem:v3+s3+$0x0], $0xffff  }
0x63: {  	v4 =	vld.idx.msk [tilespmem:v59+s15+$0x0], $0xffff;
	_ =	sdelay $0x1  }
0x64: {  	v61 =	vld [tilespmem:s17+$0x14C00];
	_ =	sdelay $0x2  }
0x65: {  	v3 =	vadd.f32 v4, v3;
	_ =	sdelay $0x1  }
0x66: {  	v3 =	vadd.f32 v61, v3;
	_ =	sdelay $0x1  }
0x67: {  	v62 =	vmul.f32 $2.000000030e-01, v3  }
0x68: {  	vm14 =	vgt.f32 v3, $0.0e+00  }
0x69: {  	v3 =	vsel vm14, v3, v62  }
0x6a: {  	v3 =	vmul.f32 $1.442695020e+00, v3;
	_ =	sdelay $0x1  }
0x6b: {  	(erf) = vpow2.f32 v3;
	_ =	sdelay $0x5  }
0x6c: {  	v1 =	vor.u32 $0x3, v1  }
0x6d: {  	v2 =	vor.u32 $0x3, v2;
	_ =	sdelay $0x1  }
0x6e: {  	[tilespmem:s17+$0x16C00] =	vst v59;
	v3 =	vpop (erf)  }
0x6f: {  	[tilespmem:s17+$0x15C00] =	vst v3  }
0x70: {  	v1 =	vld.idx.msk [tilespmem:v1+s3+$0x0], $0xffff  }
0x71: {  	v3 =	vld.idx.msk [tilespmem:v2+s15+$0x0], $0xffff;
	_ =	sdelay $0x1  }
0x72: {  	v63 =	vld [tilespmem:s17+$0x15000];
	_ =	sdelay $0x2  }
0x73: {  	v1 =	vadd.f32 v3, v1;
	_ =	sdelay $0x1  }
0x74: {  	v1 =	vadd.f32 v63, v1;
	_ =	sdelay $0x1  }
0x75: {  	v3 =	vmul.f32 $2.000000030e-01, v1  }
0x76: {  	vm15 =	vgt.f32 v1, $0.0e+00  }
0x77: {  	v1 =	vsel vm15, v1, v3  }
0x78: {  	[tilespmem:s17+$0x17000] =	vst v2;
	v2 =	vmul.f32 $1.442695020e+00, v1;
	_ =	sdelay $0x1  }
0x79: {  	s21 =	simm.s32 $0x10;
	(erf) = vpow2.f32 v2  }
0x7a: {  	v1 =	vld [tilespmem:s21+$0x13C00]  }
0x7b: {  	s19 =	simm.s32 $0x80;
	v2 =	vld [tilespmem:s21+$0x14000]  }
.LBB2_5:
0x7c: {  	_ =	sdelay $0x2  }
0x7d: {  	p0 =	sne.s32 s19, $0xFC0;
	s20 =	smov.u32 s19;
	s19 =	sadd.s32 $0x40, s19;
	v1 =	vshll.u32 v1, $0x2  }
0x7e: {  	v2 =	vshll.u32 v2, $0x2;
	_ =	sdelay $0x1  }
0x7f: {  	v3 =	vpop (erf)  }
0x80: {  	[tilespmem:s17+$0x16000] =	vst v3;
	s17 =	smov.u32 s21  }
0x81: {  	v3 =	vld.idx.msk [tilespmem:v1+s3+$0x0], $0xffff  }
0x82: {  	v4 =	vld.idx.msk [tilespmem:v2+s15+$0x0], $0xffff;
	_ =	sdelay $0x1  }
0x83: {  	v5 =	vld [tilespmem:s17+$0x14400];
	_ =	sdelay $0x3  }
0x84: {  	v3 =	vadd.f32 v4, v3;
	_ =	sdelay $0x1  }
0x85: {  	v3 =	vadd.f32 v5, v3;
	_ =	sdelay $0x1  }
0x86: {  	vm0 =	vgt.f32 v3, $0.0e+00;
	v4 =	vmul.f32 $2.000000030e-01, v3;
	_ =	sdelay $0x1  }
0x87: {  	v3 =	vsel vm0, v3, v4  }
0x88: {  	v3 =	vmul.f32 $1.442695020e+00, v3;
	_ =	sdelay $0x1  }
0x89: {  	(erf) = vpow2.f32 v3;
	_ =	sdelay $0x5  }
0x8a: {  	v3 =	vor.u32 $0x1, v1  }
0x8b: {  	v4 =	vor.u32 $0x1, v2;
	_ =	sdelay $0x1  }
0x8c: {  	[tilespmem:s17+$0x16400] =	vst v2;
	v5 =	vpop (erf)  }
0x8d: {  	[tilespmem:s17+$0x15400] =	vst v5  }
0x8e: {  	v3 =	vld.idx.msk [tilespmem:v3+s3+$0x0], $0xffff  }
0x8f: {  	v5 =	vld.idx.msk [tilespmem:v4+s15+$0x0], $0xffff  }
0x90: {  	v6 =	vld [tilespmem:s17+$0x14800];
	[tilespmem:s17+$0x16800] =	vst v4;
	_ =	sdelay $0x4  }
0x91: {  	v3 =	vadd.f32 v5, v3;
	_ =	sdelay $0x1  }
0x92: {  	v3 =	vadd.f32 v6, v3;
	_ =	sdelay $0x1  }
0x93: {  	vm0 =	vgt.f32 v3, $0.0e+00;
	v4 =	vmul.f32 $2.000000030e-01, v3;
	_ =	sdelay $0x1  }
0x94: {  	v3 =	vsel vm0, v3, v4  }
0x95: {  	v3 =	vmul.f32 $1.442695020e+00, v3;
	_ =	sdelay $0x1  }
0x96: {  	(erf) = vpow2.f32 v3;
	_ =	sdelay $0x5  }
0x97: {  	v3 =	vor.u32 $0x2, v1  }
0x98: {  	v4 =	vor.u32 $0x2, v2;
	_ =	sdelay $0x1  }
0x99: {  	v5 =	vpop (erf)  }
0x9a: {  	[tilespmem:s17+$0x15800] =	vst v5;
	v5 =	vld [tilespmem:s17+$0x14C00]  }
0x9b: {  	v3 =	vld.idx.msk [tilespmem:v3+s3+$0x0], $0xffff  }
0x9c: {  	v6 =	vld.idx.msk [tilespmem:v4+s15+$0x0], $0xffff  }
0x9d: {  	[tilespmem:s17+$0x16C00] =	vst v4;
	_ =	sdelay $0x4  }
0x9e: {  	v3 =	vadd.f32 v6, v3;
	_ =	sdelay $0x1  }
0x9f: {  	v3 =	vadd.f32 v5, v3;
	_ =	sdelay $0x1  }
0xa0: {  	vm0 =	vgt.f32 v3, $0.0e+00;
	v4 =	vmul.f32 $2.000000030e-01, v3;
	_ =	sdelay $0x1  }
0xa1: {  	v3 =	vsel vm0, v3, v4  }
0xa2: {  	v3 =	vmul.f32 $1.442695020e+00, v3;
	_ =	sdelay $0x1  }
0xa3: {  	(erf) = vpow2.f32 v3;
	_ =	sdelay $0x5  }
0xa4: {  	v2 =	vor.u32 $0x3, v2;
	v1 =	vor.u32 $0x3, v1;
	_ =	sdelay $0x2  }
0xa5: {  	v3 =	vpop (erf)  }
0xa6: {  	[tilespmem:s17+$0x15C00] =	vst v3;
	v3 =	vld [tilespmem:s17+$0x15000]  }
0xa7: {  	v1 =	vld.idx.msk [tilespmem:v1+s3+$0x0], $0xffff  }
0xa8: {  	v4 =	vld.idx.msk [tilespmem:v2+s15+$0x0], $0xffff  }
0xa9: {  	[tilespmem:s17+$0x17000] =	vst v2;
	_ =	sdelay $0x4  }
0xaa: {  	v1 =	vadd.f32 v4, v1;
	_ =	sdelay $0x1  }
0xab: {  	v1 =	vadd.f32 v3, v1;
	_ =	sdelay $0x1  }
0xac: {  	vm0 =	vgt.f32 v1, $0.0e+00;
	v2 =	vmul.f32 $2.000000030e-01, v1;
	_ =	sdelay $0x1  }
0xad: {  	v1 =	vsel vm0, v1, v2  }
.Ltmp1:
0xae: {  	v1 =	vmul.f32 $1.442695020e+00, v1;
	(pc) =	sbr.rel @p0 .LBB2_5-.Ltmp1, $4  }
0xaf: {  	_ = 	snop  }
0xb0: {  	s21 =	sshra.s32 s20, $0x2;
	(erf) = vpow2.f32 v1  }
0xb1: {  	v1 =	vld [tilespmem:s21+$0x13C00]  }
0xb2: {  	v2 =	vld [tilespmem:s21+$0x14000]  }
0xb3: {  	_ =	sdelay $0x2  }
0xb4: {  	v1 =	vshll.u32 v1, $0x2  }
0xb5: {  	v2 =	vshll.u32 v2, $0x2;
	_ =	sdelay $0x1  }
0xb6: {  	v3 =	vpop (erf)  }
0xb7: {  	[tilespmem:s17+$0x16000] =	vst v3  }
0xb8: {  	v3 =	vld.idx.msk [tilespmem:v1+s3+$0x0], $0xffff  }
0xb9: {  	v4 =	vld.idx.msk [tilespmem:v2+s15+$0x0], $0xffff;
	_ =	sdelay $0x1  }
0xba: {  	v5 =	vld [tilespmem:s21+$0x14400];
	_ =	sdelay $0x2  }
0xbb: {  	v3 =	vadd.f32 v4, v3;
	_ =	sdelay $0x1  }
0xbc: {  	v3 =	vadd.f32 v5, v3;
	_ =	sdelay $0x1  }
0xbd: {  	v55 =	vmul.f32 $2.000000030e-01, v3  }
0xbe: {  	vm0 =	vgt.f32 v3, $0.0e+00  }
0xbf: {  	v3 =	vsel vm0, v3, v55  }
0xc0: {  	v3 =	vmul.f32 $1.442695020e+00, v3;
	_ =	sdelay $0x1  }
0xc1: {  	(erf) = vpow2.f32 v3;
	_ =	sdelay $0x5  }
0xc2: {  	v3 =	vor.u32 $0x1, v1  }
0xc3: {  	v56 =	vor.u32 $0x1, v2;
	_ =	sdelay $0x1  }
0xc4: {  	[tilespmem:s21+$0x16400] =	vst v2;
	v57 =	vpop (erf)  }
0xc5: {  	[tilespmem:s21+$0x15400] =	vst v57  }
0xc6: {  	v3 =	vld.idx.msk [tilespmem:v3+s3+$0x0], $0xffff  }
0xc7: {  	v5 =	vld.idx.msk [tilespmem:v56+s15+$0x0], $0xffff;
	_ =	sdelay $0x1  }
0xc8: {  	v6 =	vld [tilespmem:s21+$0x14800];
	_ =	sdelay $0x2  }
0xc9: {  	v3 =	vadd.f32 v5, v3;
	_ =	sdelay $0x1  }
0xca: {  	v3 =	vadd.f32 v6, v3;
	_ =	sdelay $0x1  }
0xcb: {  	v58 =	vmul.f32 $2.000000030e-01, v3  }
0xcc: {  	vm13 =	vgt.f32 v3, $0.0e+00  }
0xcd: {  	v3 =	vsel vm13, v3, v58  }
0xce: {  	v3 =	vmul.f32 $1.442695020e+00, v3;
	_ =	sdelay $0x1  }
0xcf: {  	(erf) = vpow2.f32 v3;
	_ =	sdelay $0x5  }
0xd0: {  	v3 =	vor.u32 $0x2, v1  }
0xd1: {  	v59 =	vor.u32 $0x2, v2;
	_ =	sdelay $0x1  }
0xd2: {  	[tilespmem:s21+$0x16800] =	vst v56;
	v60 =	vpop (erf)  }
0xd3: {  	[tilespmem:s21+$0x15800] =	vst v60  }
0xd4: {  	v3 =	vld.idx.msk [tilespmem:v3+s3+$0x0], $0xffff  }
0xd5: {  	v4 =	vld.idx.msk [tilespmem:v59+s15+$0x0], $0xffff;
	_ =	sdelay $0x1  }
0xd6: {  	v61 =	vld [tilespmem:s21+$0x14C00];
	_ =	sdelay $0x2  }
0xd7: {  	v3 =	vadd.f32 v4, v3;
	_ =	sdelay $0x1  }
0xd8: {  	v3 =	vadd.f32 v61, v3;
	_ =	sdelay $0x1  }
0xd9: {  	v62 =	vmul.f32 $2.000000030e-01, v3  }
0xda: {  	vm14 =	vgt.f32 v3, $0.0e+00  }
0xdb: {  	v3 =	vsel vm14, v3, v62  }
0xdc: {  	v3 =	vmul.f32 $1.442695020e+00, v3;
	_ =	sdelay $0x1  }
0xdd: {  	(erf) = vpow2.f32 v3;
	_ =	sdelay $0x5  }
0xde: {  	v1 =	vor.u32 $0x3, v1  }
0xdf: {  	v2 =	vor.u32 $0x3, v2;
	_ =	sdelay $0x1  }
0xe0: {  	[tilespmem:s21+$0x16C00] =	vst v59;
	v3 =	vpop (erf)  }
0xe1: {  	[tilespmem:s21+$0x15C00] =	vst v3  }
0xe2: {  	v1 =	vld.idx.msk [tilespmem:v1+s3+$0x0], $0xffff  }
0xe3: {  	v3 =	vld.idx.msk [tilespmem:v2+s15+$0x0], $0xffff;
	_ =	sdelay $0x1  }
0xe4: {  	v63 =	vld [tilespmem:s21+$0x15000];
	_ =	sdelay $0x2  }
0xe5: {  	v1 =	vadd.f32 v3, v1;
	_ =	sdelay $0x1  }
0xe6: {  	v1 =	vadd.f32 v63, v1;
	_ =	sdelay $0x1  }
0xe7: {  	v3 =	vmul.f32 $2.000000030e-01, v1  }
0xe8: {  	vm15 =	vgt.f32 v1, $0.0e+00  }
0xe9: {  	v1 =	vsel vm15, v1, v3  }
0xea: {  	v1 =	vmul.f32 $1.442695020e+00, v1;
	_ =	sdelay $0x1  }
0xeb: {  	(erf) = vpow2.f32 v1;
	_ =	sdelay $0x8  }
0xec: {  	[tilespmem:s21+$0x17000] =	vst v2;
	v1 =	vpop (erf)  }
0xed: {  	s10 =	sadd.s32 s9, s10;
	[tilespmem:s21+$0x16000] =	vst v1  }
0xee: {  	[hbm4b:s10+s3] =	stream.linear.scatter [tilespmem:s23], [sflag:$0x1], $0x400, $0x38;
	[tilespmem:$0x187E0] =	vst v63  }
0xef: {  	_ =	swait.ge [sflag:s14], $0x400  }
0xf0: {  	[sflag:s14] =	ssyncset.done $0x0  }
0xf1: {  	s19 =	simm.s32 $0x16400;
	[sflag:s14] =	ssyncadd.s32 $0xFFFFFC00  }
0xf2: {  	[spmem:s2] =	stream.indirect.scatter.add.f32 [tilespmem:s23], [sflag:$0x1], $0x1, s19, s24, $0xb8;
	[tilespmem:$0x187E0] =	vst v63  }
0xf3: {  	_ =	swait.ge [sflag:s14], $0x80  }
0xf4: {  	[sflag:s14] =	ssyncset.done $0x0  }
0xf5: {  	s20 =	simm.s32 $0x16480;
	s21 =	simm.s32 $0x15480;
	[sflag:s14] =	ssyncadd.s32 $0xFFFFFF80  }
0xf6: {  	[spmem:s2] =	stream.indirect.scatter.add.f32 [tilespmem:s21], [sflag:$0x1], $0x1, s20, s24, $0xb8;
	[tilespmem:$0x187E0] =	vst v63  }
0xf7: {  	_ =	swait.ge [sflag:s14], $0x80  }
0xf8: {  	[sflag:s14] =	ssyncset.done $0x0  }
0xf9: {  	s17 =	simm.s32 $0x16500;
	s19 =	simm.s32 $0x15500;
	[sflag:s14] =	ssyncadd.s32 $0xFFFFFF80  }
0xfa: {  	[spmem:s2] =	stream.indirect.scatter.add.f32 [tilespmem:s19], [sflag:$0x1], $0x1, s17, s24, $0xb8;
	[tilespmem:$0x187E0] =	vst v63  }
0xfb: {  	_ =	swait.ge [sflag:s14], $0x80  }
0xfc: {  	[sflag:s14] =	ssyncset.done $0x0  }
0xfd: {  	s20 =	simm.s32 $0x16580;
	s21 =	simm.s32 $0x15580;
	[sflag:s14] =	ssyncadd.s32 $0xFFFFFF80  }
0xfe: {  	[spmem:s2] =	stream.indirect.scatter.add.f32 [tilespmem:s21], [sflag:$0x1], $0x1, s20, s24, $0xb8;
	[tilespmem:$0x187E0] =	vst v63  }
0xff: {  	_ =	swait.ge [sflag:s14], $0x80  }
0x100: {  	[sflag:s14] =	ssyncset.done $0x0  }
0x101: {  	s17 =	simm.s32 $0x16600;
	s19 =	simm.s32 $0x15600;
	[sflag:s14] =	ssyncadd.s32 $0xFFFFFF80  }
0x102: {  	[spmem:s2] =	stream.indirect.scatter.add.f32 [tilespmem:s19], [sflag:$0x1], $0x1, s17, s24, $0xb8;
	[tilespmem:$0x187E0] =	vst v63  }
0x103: {  	_ =	swait.ge [sflag:s14], $0x80  }
0x104: {  	[sflag:s14] =	ssyncset.done $0x0  }
0x105: {  	s20 =	simm.s32 $0x16680;
	s21 =	simm.s32 $0x15680;
	[sflag:s14] =	ssyncadd.s32 $0xFFFFFF80  }
0x106: {  	[spmem:s2] =	stream.indirect.scatter.add.f32 [tilespmem:s21], [sflag:$0x1], $0x1, s20, s24, $0xb8;
	[tilespmem:$0x187E0] =	vst v63  }
0x107: {  	_ =	swait.ge [sflag:s14], $0x80  }
0x108: {  	[sflag:s14] =	ssyncset.done $0x0  }
0x109: {  	s17 =	simm.s32 $0x16700;
	s19 =	simm.s32 $0x15700;
	[sflag:s14] =	ssyncadd.s32 $0xFFFFFF80  }
0x10a: {  	[spmem:s2] =	stream.indirect.scatter.add.f32 [tilespmem:s19], [sflag:$0x1], $0x1, s17, s24, $0xb8;
	[tilespmem:$0x187E0] =	vst v63  }
0x10b: {  	_ =	swait.ge [sflag:s14], $0x80  }
0x10c: {  	[sflag:s14] =	ssyncset.done $0x0  }
0x10d: {  	s20 =	simm.s32 $0x16780;
	s21 =	simm.s32 $0x15780;
	[sflag:s14] =	ssyncadd.s32 $0xFFFFFF80  }
0x10e: {  	[spmem:s2] =	stream.indirect.scatter.add.f32 [tilespmem:s21], [sflag:$0x1], $0x1, s20, s24, $0xb8;
	[tilespmem:$0x187E0] =	vst v63  }
0x10f: {  	_ =	swait.ge [sflag:s14], $0x80  }
0x110: {  	[sflag:s14] =	ssyncset.done $0x0  }
0x111: {  	s17 =	sadd.s32 s9, s16;
	[sflag:s14] =	ssyncadd.s32 $0xFFFFFF80  }
0x112: {  	[hbm4b:s17+s3] =	stream.linear.scatter [tilespmem:s18], [sflag:$0x1], $0x400, $0x38;
	[tilespmem:$0x187E0] =	vst v63  }
0x113: {  	_ =	swait.ge [sflag:s14], $0x400  }
0x114: {  	[sflag:s14] =	ssyncset.done $0x0  }
0x115: {  	s19 =	simm.s32 $0x16800;
	[sflag:s14] =	ssyncadd.s32 $0xFFFFFC00  }
0x116: {  	[spmem:s2] =	stream.indirect.scatter.add.f32 [tilespmem:s18], [sflag:$0x1], $0x1, s19, s24, $0xb8;
	[tilespmem:$0x187E0] =	vst v63  }
0x117: {  	_ =	swait.ge [sflag:s14], $0x80  }
0x118: {  	[sflag:s14] =	ssyncset.done $0x0  }
0x119: {  	s20 =	simm.s32 $0x16880;
	s21 =	simm.s32 $0x15880;
	[sflag:s14] =	ssyncadd.s32 $0xFFFFFF80  }
0x11a: {  	[spmem:s2] =	stream.indirect.scatter.add.f32 [tilespmem:s21], [sflag:$0x1], $0x1, s20, s24, $0xb8;
	[tilespmem:$0x187E0] =	vst v63  }
0x11b: {  	_ =	swait.ge [sflag:s14], $0x80  }
0x11c: {  	[sflag:s14] =	ssyncset.done $0x0  }
0x11d: {  	s17 =	simm.s32 $0x16900;
	s19 =	simm.s32 $0x15900;
	[sflag:s14] =	ssyncadd.s32 $0xFFFFFF80  }
0x11e: {  	[spmem:s2] =	stream.indirect.scatter.add.f32 [tilespmem:s19], [sflag:$0x1], $0x1, s17, s24, $0xb8;
	[tilespmem:$0x187E0] =	vst v63  }
0x11f: {  	_ =	swait.ge [sflag:s14], $0x80  }
0x120: {  	[sflag:s14] =	ssyncset.done $0x0  }
0x121: {  	s20 =	simm.s32 $0x16980;
	s21 =	simm.s32 $0x15980;
	[sflag:s14] =	ssyncadd.s32 $0xFFFFFF80  }
0x122: {  	[spmem:s2] =	stream.indirect.scatter.add.f32 [tilespmem:s21], [sflag:$0x1], $0x1, s20, s24, $0xb8;
	[tilespmem:$0x187E0] =	vst v63  }
0x123: {  	_ =	swait.ge [sflag:s14], $0x80  }
0x124: {  	[sflag:s14] =	ssyncset.done $0x0  }
0x125: {  	s17 =	simm.s32 $0x16A00;
	s19 =	simm.s32 $0x15A00;
	[sflag:s14] =	ssyncadd.s32 $0xFFFFFF80  }
0x126: {  	[spmem:s2] =	stream.indirect.scatter.add.f32 [tilespmem:s19], [sflag:$0x1], $0x1, s17, s24, $0xb8;
	[tilespmem:$0x187E0] =	vst v63  }
0x127: {  	_ =	swait.ge [sflag:s14], $0x80  }
0x128: {  	[sflag:s14] =	ssyncset.done $0x0  }
0x129: {  	s20 =	simm.s32 $0x16A80;
	s21 =	simm.s32 $0x15A80;
	[sflag:s14] =	ssyncadd.s32 $0xFFFFFF80  }
0x12a: {  	[spmem:s2] =	stream.indirect.scatter.add.f32 [tilespmem:s21], [sflag:$0x1], $0x1, s20, s24, $0xb8;
	[tilespmem:$0x187E0] =	vst v63  }
0x12b: {  	_ =	swait.ge [sflag:s14], $0x80  }
0x12c: {  	[sflag:s14] =	ssyncset.done $0x0  }
0x12d: {  	s17 =	simm.s32 $0x16B00;
	s19 =	simm.s32 $0x15B00;
	[sflag:s14] =	ssyncadd.s32 $0xFFFFFF80  }
0x12e: {  	[spmem:s2] =	stream.indirect.scatter.add.f32 [tilespmem:s19], [sflag:$0x1], $0x1, s17, s24, $0xb8;
	[tilespmem:$0x187E0] =	vst v63  }
0x12f: {  	_ =	swait.ge [sflag:s14], $0x80  }
0x130: {  	[sflag:s14] =	ssyncset.done $0x0  }
0x131: {  	s20 =	simm.s32 $0x16B80;
	s21 =	simm.s32 $0x15B80;
	[sflag:s14] =	ssyncadd.s32 $0xFFFFFF80  }
0x132: {  	[spmem:s2] =	stream.indirect.scatter.add.f32 [tilespmem:s21], [sflag:$0x1], $0x1, s20, s24, $0xb8;
	[tilespmem:$0x187E0] =	vst v63  }
0x133: {  	_ =	swait.ge [sflag:s14], $0x80  }
0x134: {  	[sflag:s14] =	ssyncset.done $0x0  }
0x135: {  	s12 =	sadd.s32 s9, s12;
	[sflag:s14] =	ssyncadd.s32 $0xFFFFFF80  }
0x136: {  	[hbm4b:s12+s3] =	stream.linear.scatter [tilespmem:s13], [sflag:$0x1], $0x400, $0x38;
	[tilespmem:$0x187E0] =	vst v63  }
0x137: {  	_ =	swait.ge [sflag:s14], $0x400  }
0x138: {  	[sflag:s14] =	ssyncset.done $0x0  }
0x139: {  	s16 =	simm.s32 $0x16C00;
	[sflag:s14] =	ssyncadd.s32 $0xFFFFFC00  }
0x13a: {  	[spmem:s2] =	stream.indirect.scatter.add.f32 [tilespmem:s13], [sflag:$0x1], $0x1, s16, s24, $0xb8;
	[tilespmem:$0x187E0] =	vst v63  }
0x13b: {  	_ =	swait.ge [sflag:s14], $0x80  }
0x13c: {  	[sflag:s14] =	ssyncset.done $0x0  }
0x13d: {  	s17 =	simm.s32 $0x16C80;
	s19 =	simm.s32 $0x15C80;
	[sflag:s14] =	ssyncadd.s32 $0xFFFFFF80  }
0x13e: {  	[spmem:s2] =	stream.indirect.scatter.add.f32 [tilespmem:s19], [sflag:$0x1], $0x1, s17, s24, $0xb8;
	[tilespmem:$0x187E0] =	vst v63  }
0x13f: {  	_ =	swait.ge [sflag:s14], $0x80  }
0x140: {  	[sflag:s14] =	ssyncset.done $0x0  }
0x141: {  	s20 =	simm.s32 $0x16D00;
	s21 =	simm.s32 $0x15D00;
	[sflag:s14] =	ssyncadd.s32 $0xFFFFFF80  }
0x142: {  	[spmem:s2] =	stream.indirect.scatter.add.f32 [tilespmem:s21], [sflag:$0x1], $0x1, s20, s24, $0xb8;
	[tilespmem:$0x187E0] =	vst v63  }
0x143: {  	_ =	swait.ge [sflag:s14], $0x80  }
0x144: {  	[sflag:s14] =	ssyncset.done $0x0  }
0x145: {  	s12 =	simm.s32 $0x16D80;
	s16 =	simm.s32 $0x15D80;
	[sflag:s14] =	ssyncadd.s32 $0xFFFFFF80  }
0x146: {  	[spmem:s2] =	stream.indirect.scatter.add.f32 [tilespmem:s16], [sflag:$0x1], $0x1, s12, s24, $0xb8;
	[tilespmem:$0x187E0] =	vst v63  }
0x147: {  	_ =	swait.ge [sflag:s14], $0x80  }
0x148: {  	[sflag:s14] =	ssyncset.done $0x0  }
0x149: {  	s17 =	simm.s32 $0x16E00;
	s19 =	simm.s32 $0x15E00;
	[sflag:s14] =	ssyncadd.s32 $0xFFFFFF80  }
0x14a: {  	[spmem:s2] =	stream.indirect.scatter.add.f32 [tilespmem:s19], [sflag:$0x1], $0x1, s17, s24, $0xb8;
	[tilespmem:$0x187E0] =	vst v63  }
0x14b: {  	_ =	swait.ge [sflag:s14], $0x80  }
0x14c: {  	[sflag:s14] =	ssyncset.done $0x0  }
0x14d: {  	s20 =	simm.s32 $0x16E80;
	s21 =	simm.s32 $0x15E80;
	[sflag:s14] =	ssyncadd.s32 $0xFFFFFF80  }
0x14e: {  	[spmem:s2] =	stream.indirect.scatter.add.f32 [tilespmem:s21], [sflag:$0x1], $0x1, s20, s24, $0xb8;
	[tilespmem:$0x187E0] =	vst v63  }
0x14f: {  	_ =	swait.ge [sflag:s14], $0x80  }
0x150: {  	[sflag:s14] =	ssyncset.done $0x0  }
0x151: {  	s16 =	simm.s32 $0x16F00;
	s17 =	simm.s32 $0x15F00;
	[sflag:s14] =	ssyncadd.s32 $0xFFFFFF80  }
0x152: {  	[spmem:s2] =	stream.indirect.scatter.add.f32 [tilespmem:s17], [sflag:$0x1], $0x1, s16, s24, $0xb8;
	[tilespmem:$0x187E0] =	vst v63  }
0x153: {  	_ =	swait.ge [sflag:s14], $0x80  }
0x154: {  	[sflag:s14] =	ssyncset.done $0x0  }
0x155: {  	s19 =	simm.s32 $0x16F80;
	s20 =	simm.s32 $0x15F80;
	[sflag:s14] =	ssyncadd.s32 $0xFFFFFF80  }
0x156: {  	[spmem:s2] =	stream.indirect.scatter.add.f32 [tilespmem:s20], [sflag:$0x1], $0x1, s19, s24, $0xb8;
	[tilespmem:$0x187E0] =	vst v63  }
0x157: {  	_ =	swait.ge [sflag:s14], $0x80  }
0x158: {  	[sflag:s14] =	ssyncset.done $0x0  }
0x159: {  	s7 =	sadd.s32 s9, s7;
	[sflag:s14] =	ssyncadd.s32 $0xFFFFFF80  }
0x15a: {  	[hbm4b:s7+s3] =	stream.linear.scatter [tilespmem:s6], [sflag:$0x1], $0x400, $0x38;
	[tilespmem:$0x187E0] =	vst v63  }
0x15b: {  	_ =	swait.ge [sflag:s14], $0x400  }
0x15c: {  	[sflag:s14] =	ssyncset.done $0x0  }
0x15d: {  	s21 =	simm.s32 $0x17000;
	[sflag:s14] =	ssyncadd.s32 $0xFFFFFC00  }
0x15e: {  	[spmem:s2] =	stream.indirect.scatter.add.f32 [tilespmem:s6], [sflag:$0x1], $0x1, s21, s24, $0xb8;
	[tilespmem:$0x187E0] =	vst v63  }
0x15f: {  	_ =	swait.ge [sflag:s14], $0x80  }
0x160: {  	[sflag:s14] =	ssyncset.done $0x0  }
0x161: {  	s10 =	simm.s32 $0x17080;
	s12 =	simm.s32 $0x16080;
	[sflag:s14] =	ssyncadd.s32 $0xFFFFFF80  }
0x162: {  	[spmem:s2] =	stream.indirect.scatter.add.f32 [tilespmem:s12], [sflag:$0x1], $0x1, s10, s24, $0xb8;
	[tilespmem:$0x187E0] =	vst v63  }
0x163: {  	_ =	swait.ge [sflag:s14], $0x80  }
0x164: {  	[sflag:s14] =	ssyncset.done $0x0  }
0x165: {  	s16 =	simm.s32 $0x17100;
	s17 =	simm.s32 $0x16100;
	[sflag:s14] =	ssyncadd.s32 $0xFFFFFF80  }
0x166: {  	[spmem:s2] =	stream.indirect.scatter.add.f32 [tilespmem:s17], [sflag:$0x1], $0x1, s16, s24, $0xb8;
	[tilespmem:$0x187E0] =	vst v63  }
0x167: {  	_ =	swait.ge [sflag:s14], $0x80  }
0x168: {  	[sflag:s14] =	ssyncset.done $0x0  }
0x169: {  	s19 =	simm.s32 $0x17180;
	s20 =	simm.s32 $0x16180;
	[sflag:s14] =	ssyncadd.s32 $0xFFFFFF80  }
0x16a: {  	[spmem:s2] =	stream.indirect.scatter.add.f32 [tilespmem:s20], [sflag:$0x1], $0x1, s19, s24, $0xb8;
	[tilespmem:$0x187E0] =	vst v63  }
0x16b: {  	_ =	swait.ge [sflag:s14], $0x80  }
0x16c: {  	[sflag:s14] =	ssyncset.done $0x0  }
0x16d: {  	s21 =	simm.s32 $0x17200;
	[sflag:s14] =	ssyncadd.s32 $0xFFFFFF80  }
0x16e: {  	[spmem:s2] =	stream.indirect.scatter.add.f32 [tilespmem:s22], [sflag:$0x1], $0x1, s21, s24, $0xb8;
	[tilespmem:$0x187E0] =	vst v63  }
0x16f: {  	_ =	swait.ge [sflag:s14], $0x80  }
0x170: {  	[sflag:s14] =	ssyncset.done $0x0  }
0x171: {  	[sflag:s14] =	ssyncadd.s32 $0xFFFFFF80  }
0x172: {  	[spmem:s2] =	stream.indirect.scatter.add.f32 [tilespmem:s26], [sflag:$0x1], $0x1, s25, s24, $0xb8;
	[tilespmem:$0x187E0] =	vst v63  }
0x173: {  	_ =	swait.ge [sflag:s14], $0x80  }
0x174: {  	[sflag:s14] =	ssyncset.done $0x0  }
0x175: {  	[sflag:s14] =	ssyncadd.s32 $0xFFFFFF80  }
0x176: {  	[spmem:s2] =	stream.indirect.scatter.add.f32 [tilespmem:s29], [sflag:$0x1], $0x1, s28, s24, $0xb8;
	[tilespmem:$0x187E0] =	vst v63  }
0x177: {  	s1 =	sadd.s32 $0x1, s1;
	_ =	swait.ge [sflag:s14], $0x80  }
0x178: {  	p0 =	sne.s32 s1, $0x5;
	[sflag:s14] =	ssyncset.done $0x0  }
.Ltmp2:
0x179: {  	[sflag:s14] =	ssyncadd.s32 $0xFFFFFF80;
	(pc) =	sbr.rel @p0 .LBB2_4-.Ltmp2, $4  }
0x17a: {  	[spmem:s2] =	stream.indirect.scatter.add.f32 [tilespmem:s31], [sflag:$0x1], $0x1, s30, s24, $0xb8;
	[tilespmem:$0x187E0] =	vst v63  }
0x17b: {  	_ =	swait.ge [sflag:s14], $0x80  }
0x17c: {  	[sflag:s14] =	ssyncset.done $0x0  }
0x17d: {  	[sflag:s14] =	ssyncadd.s32 $0xFFFFFF80  }
0x17e: {  	[bflag:$0x0] =	sbarrier.arrive $0xFFFF  }
0x17f: {  	s7 =	simm.s32 $0x17400;
	s10 =	rddreg [dreg:$0x5]  }
0x180: {  	[tilespmem:s7], [sflag:$0x1] =	stream.linear.gather [spmem:s10], $0x9E0, $0x38;
	[tilespmem:$0x187E0] =	vst v63  }
0x181: {  	_ =	swait.ge [sflag:s14], $0x9E0  }
0x182: {  	[sflag:s14] =	ssyncset.done $0x0  }
0x183: {  	s0 =	rddreg [dreg:$0x6];
	[sflag:s14] =	ssyncadd.s32 $0xFFFFF620  }
0x184: {  	[hbm4b:s0+s3] =	stream.linear.scatter [tilespmem:s7], [sflag:$0x1], $0x9E0, $0x38;
	[tilespmem:$0x187E0] =	vst v63  }
0x185: {  	_ =	swait.ge [sflag:s14], $0x9E0  }
0x186: {  	s1 =	rddreg [dreg:$0x8]  }
0x187: {  	s21 =	rddreg [dreg:$0x7];
	s1 =	sadd.s32 $0x1, s1  }
0x188: {  	p0 =	sne.s32 s1, s21  }
.Ltmp3:
0x189: {  	_ = 	snop;
	(pc) =	sbr.rel @p0 .LBB2_1-.Ltmp3, $3  }
0x18a: {  	_ =	sdelay $0x1  }
0x18b: {  	[sflag:s14] =	ssyncset.done $0x0  }
0x18c: {  	[sflag:s14] =	ssyncadd.s32 $0xFFFFF620  }
0x18d: {  	_ =	sfence.sel $0x180000  }
0x18e: {  	[bflag:$0x0] =	sbarrier.arrive $0xFFFF  }
0x18f: {  	_ =	strace $0x90000047  }
0x190: {  	s0 =	stileid.u32;
	[bflag:$0x2] =	sbarrier.arrive $0xFFFF  }
0x191: {  	p0 =	sne.s32 s0, $0x0;
	s0 =	rddreg [dreg:$0x2]  }
0x192: {  	s0 =	sadd.s32 @!p0 $0x100000, s0  }
0x193: {  	[sflag:s0] =	ssyncadd.tile.s32 @!p0 $0x1;
	_ =	shalt  }
.Lfunc_end2:
_tile_overlayer_lowered:
.L_overlay_start_2:
0x194: {  	(tag) =	ssettag $0x2  }
0x195: {  	s0 =	rddreg [dreg:$0x0];
	s2 =	stileid.u32  }
0x196: {  	s1 =	rddreg [dreg:$0x1];
	p0 =	sne.s32 s2, $0x0  }
0x197: {  	s3 =	rddreg [dreg:$0x2];
	[bflag:$0x3] =	sbarrier.arrive $0xFFFF;
	s2 =	simm.s32 @!p0 $0x1C01  }
0x198: {  	[timem:s3], [sflag:s2] =	dma.local @!p0 [hbm:s0], s1  }
0x199: {  	s0 =	simm.s32 @!p0 $0x1  }
0x19a: {  	_ =	swait.ge @!p0 [sflag:s0], s1  }
0x19b: {  	s1 =	ssub.s32 @!p0 $0x0, s1;
	[sflag:s0] =	ssyncset.done @!p0 $0x0  }
0x19c: {  	[sflag:s0] =	ssyncadd.s32 @!p0 s1  }
0x19d: {  	[bflag:$0x3] =	sbarrier.arrive $0xFFFF  }
0x19e: {  	_ =	shalt  }

// kernel: kernel.9.cloned.1.call-start
scs
__scs_entry_jumppad:
0x0: {  	(pc) =	sbr.rel $0x88, $3  }
0x1: {  	(tag) =	ssettag $0x0;
	lr =	simm.s32 $0x1  }
0x2: {  	[smem:$0x3F97] =	sst lr;
	_ =	strace $0xD0000000  }
0x3: {  	_ = 	snop  }
0x4: {  	_ = 	snop  }
0x5: {  	_ = 	snop  }
0x6: {  	_ = 	snop  }
0x7: {  	_ = 	snop  }
__scs_overlays_trampoline_lowered:
0x8: {  	[smem:$0x3FA6] =	sst s0  }
0x9: {  	[smem:$0x3FA7] =	sst s1  }
0xa: {  	[smem:$0x3FA8] =	sst s2  }
0xb: {  	[smem:$0x3FA9] =	sst s3  }
0xc: {  	[smem:$0x3FAA] =	sst s4  }
0xd: {  	[smem:$0x3FAB] =	sst s5  }
0xe: {  	[smem:$0x3FAC] =	sst s6  }
0xf: {  	[smem:$0x3FAD] =	sst s7  }
0x10: {  	[smem:$0x3FAE] =	sst s8  }
0x11: {  	[smem:$0x3FAF] =	sst s9;
	s0 =	simm.s32 @!p0 $0x0  }
0x12: {  	s1 =	sld [smem:$0x3F95];
	s0 =	simm.s32 @p0 $0x1  }
0x13: {  	[smem:$0x3FB0] =	sst s0;
	s0 =	simm.s32 @!p1 $0x0  }
0x14: {  	s2 =	sld [smem:$0x3F94];
	s0 =	simm.s32 @p1 $0x1  }
0x15: {  	[smem:$0x3FB1] =	sst s0;
	s0 =	simm.s32 @!p2 $0x0  }
0x16: {  	s3 =	sld [smem:$0x3FDB];
	s0 =	simm.s32 @p2 $0x1  }
0x17: {  	s4 =	simm.s32 $0x1BF5;
	[smem:$0x3FB3] =	sst s0  }
0x18: {  	s0 =	sld [smem:$0x3F96];
	_ =	swait.ge [sflag:s4], $0x0  }
0x19: {  	s7 =	sld [smem:$0x3F97]  }
0x1a: {  	s8 =	sadd.s32 $0xFFFFE003, lr  }
0x1b: {  	s9 =	sadd.s32 $0xFFFFFEF7, lr;
	s5 =	simm.s32 $0xFFFFFFFF;
	p2 =	slt.u32 s8, $0xFFFFF086  }
0x1c: {  	p1 =	slt.u32 s9, $0xF7A;
	s5 =	simm.s32 @!p2 $0x0  }
0x1d: {  	s5 =	simm.s32 @p1 $0x1;
	p0 =	seq.s32 s7, s2  }
0x1e: {  	s7 =	smul.u32 @!p0 $0xF7A, s2;
	p2 =	seq.s32 @!p0 s5, $0x0  }
0x1f: {  	s9 =	smul.u32 $0xF7A, s1;
	s8 =	simm.s32 @!p0 $0x1BF5;
	p2 =	por !p2, p0  }
0x20: {  	[sflag:s8] =	ssyncset.s32 @!p0 $0xFFFFF086;
	s6 =	sadd.s32 @!p0 s3, s7;
	s7 =	simm.s32 @!p0 $0x108  }
0x21: {  	s3 =	sadd.s32 s3, s9;
	s6 =	sadd.s32 @!p0 $0x88, s6;
	s7 =	simm.s32 @p2 $0x1082  }
0x22: {  	[simem:s7], [sflag:s8] =	dma.local @!p0 [hbm:s6], $0xF7A  }
0x23: {  	s9 =	sor.u32 $0xD0000000, s2;
	s6 =	simm.s32 $0x108;
	_ =	swait.ge @!p0 [sflag:s8], $0x0  }
0x24: {  	s3 =	sadd.s32 $0x88, s3;
	s6 =	simm.s32 @!p1 $0x1082;
	[sflag:s4] =	ssyncset.s32 $0xFFFFF086  }
0x25: {  	[simem:s6], [sflag:s4] =	dma.local [hbm:s3], $0xF7A  }
0x26: {  	[smem:$0x3F97] =	sst s1;
	(tag) =	ssettag s2;
	_ =	strace s9  }
0x27: {  	s1 =	sld [smem:$0x3FA7]  }
0x28: {  	s2 =	sld [smem:$0x3FA8]  }
0x29: {  	s4 =	sld [smem:$0x3FAA]  }
0x2a: {  	p0 =	seq.s32 s5, $0x0;
	s5 =	sld [smem:$0x3FAB]  }
0x2b: {  	s6 =	sld [smem:$0x3FAC]  }
0x2c: {  	s7 =	sld [smem:$0x3FAD]  }
0x2d: {  	s3 =	simm.s32 $0x108;
	s8 =	sld [smem:$0x3FAE]  }
0x2e: {  	s3 =	simm.s32 @!p0 $0x1082;
	s9 =	sld [smem:$0x3FAF]  }
0x2f: {  	lr =	sadd.s32 s0, s3;
	s0 =	sld [smem:$0x3FA6]  }
0x30: {  	s3 =	sld [smem:$0x3FA9]  }
0x31: {  	[smem:$0x3FB2] =	sst s10  }
0x32: {  	s10 =	sld [smem:$0x3FB0];
	_ =	sdelay $0x3  }
0x33: {  	p0 =	seq.s32 s10, $0x1;
	s10 =	sld [smem:$0x3FB2];
	_ =	sdelay $0x3  }
0x34: {  	[smem:$0x3FB2] =	sst s10  }
0x35: {  	s10 =	sld [smem:$0x3FB1];
	_ =	sdelay $0x3  }
0x36: {  	p1 =	seq.s32 s10, $0x1;
	s10 =	sld [smem:$0x3FB2];
	_ =	sdelay $0x3  }
0x37: {  	[smem:$0x3FB2] =	sst s10  }
0x38: {  	s10 =	sld [smem:$0x3FB3]  }
0x39: {  	_ = 	snop;
	(pc) =	sbr.ind lr, $3  }
0x3a: {  	_ = 	snop  }
0x3b: {  	_ = 	snop  }
0x3c: {  	p2 =	seq.s32 s10, $0x1;
	s10 =	sld [smem:$0x3FB2]  }
0x3d: {  	_ =	shalt  }
0x3e: {  	_ =	shalt  }
0x3f: {  	_ =	shalt  }
0x40: {  	_ =	shalt  }
0x41: {  	_ =	shalt  }
0x42: {  	_ =	shalt  }
0x43: {  	_ =	shalt  }
0x44: {  	_ =	shalt  }
0x45: {  	_ =	shalt  }
0x46: {  	_ =	shalt  }
0x47: {  	_ =	shalt  }
0x48: {  	_ =	shalt  }
0x49: {  	_ =	shalt  }
0x4a: {  	_ =	shalt  }
0x4b: {  	_ =	shalt  }
0x4c: {  	_ =	shalt  }
0x4d: {  	_ =	shalt  }
0x4e: {  	_ =	shalt  }
0x4f: {  	_ =	shalt  }
0x50: {  	_ =	shalt  }
0x51: {  	_ =	shalt  }
0x52: {  	_ =	shalt  }
0x53: {  	_ =	shalt  }
0x54: {  	_ =	shalt  }
0x55: {  	_ =	shalt  }
0x56: {  	_ =	shalt  }
0x57: {  	_ =	shalt  }
0x58: {  	_ =	shalt  }
0x59: {  	_ =	shalt  }
0x5a: {  	_ =	shalt  }
0x5b: {  	_ =	shalt  }
0x5c: {  	_ =	shalt  }
0x5d: {  	_ =	shalt  }
0x5e: {  	_ =	shalt  }
0x5f: {  	_ =	shalt  }
0x60: {  	_ =	shalt  }
0x61: {  	_ =	shalt  }
0x62: {  	_ =	shalt  }
0x63: {  	_ =	shalt  }
0x64: {  	_ =	shalt  }
0x65: {  	_ =	shalt  }
0x66: {  	_ =	shalt  }
0x67: {  	_ =	shalt  }
0x68: {  	_ =	shalt  }
0x69: {  	_ =	shalt  }
0x6a: {  	_ =	shalt  }
0x6b: {  	_ =	shalt  }
0x6c: {  	_ =	shalt  }
0x6d: {  	_ =	shalt  }
0x6e: {  	_ =	shalt  }
0x6f: {  	_ =	shalt  }
0x70: {  	_ =	shalt  }
0x71: {  	_ =	shalt  }
0x72: {  	_ =	shalt  }
0x73: {  	_ =	shalt  }
0x74: {  	_ =	shalt  }
0x75: {  	_ =	shalt  }
0x76: {  	_ =	shalt  }
0x77: {  	_ =	shalt  }
0x78: {  	_ =	shalt  }
0x79: {  	_ =	shalt  }
0x7a: {  	_ =	shalt  }
0x7b: {  	_ =	shalt  }
0x7c: {  	_ =	shalt  }
0x7d: {  	_ =	shalt  }
0x7e: {  	_ =	shalt  }
0x7f: {  	_ =	shalt  }
0x80: {  	_ =	shalt  }
0x81: {  	_ =	shalt  }
0x82: {  	_ =	shalt  }
0x83: {  	_ =	shalt  }
0x84: {  	_ =	shalt  }
0x85: {  	_ =	shalt  }
0x86: {  	_ =	shalt  }
0x87: {  	_ =	shalt  }
.Lfunc_end0:
.L_simem_size_0:
called_computation.1_lowered:
.L_overlay_start_0:
0x88: {  	s2 =	sld [smem:$0x3FD9]  }
0x89: {  	s3 =	sld [smem:$0x3FFE];
	_ =	sdelay $0x1  }
0x8a: {  	s1 =	srdreg.scid  }
0x8b: {  	s0 =	sand.u32 $0x1, s1  }
0x8c: {  	s17 =	sshll.u32 s0, $0xA;
	s2 =	sadd.s32 s3, s2  }
0x8d: {  	s2 =	sadd.s32 s2, s17  }
0x8e: {  	[smem:$0x3FBE] =	sst s2  }
0x8f: {  	_ = 	snop  }
0x90: {  	s2 =	sld [smem:$0x3FD0];
	(tm) =	ssettm $0x1  }
0x91: {  	s18 =	sld [smem:$0x3FFB];
	_ =	sdelay $0x3  }
0x92: {  	_ =	strace s18  }
0x93: {  	s3 =	sld [smem:$0x3FFC];
	_ =	sdelay $0x3  }
0x94: {  	_ =	strace s3  }
0x95: {  	s3 =	sld [smem:$0x3FFD];
	_ =	sdelay $0x3  }
0x96: {  	_ =	strace s3  }
0x97: {  	_ =	strace $0x8FFFFFFF  }
0x98: {  	s19 =	sld [smem:$0x3FDB];
	_ =	sdelay $0x1  }
0x99: {  	s4 =	simm.s32 $_scs_section_size  }
0x9a: {  	s5 =	simm.s32 $_size__tile_overlayer_lowered;
	s6 =	simm.s32 $_tile_overlayer_lowered  }
0x9b: {  	s22 =	simm.s32 $0x1BFF;
	s21 =	sshll.u32 s6, $0x1;
	s3 =	sadd.s32 s4, s19  }
0x9c: {  	s7 =	simm.s32 $0x0;
	s20 =	sshll.u32 s5, $0x1;
	s5 =	sadd.s32 s21, s3  }
0x9d: {  	[timem:s7], [sflag:s22] =	dma.local [hbm:s5], s20  }
0x9e: {  	_ =	swait.ge [sflag:s22], s20  }
0x9f: {  	s4 =	ssub.s32 $0x0, s20;
	[sflag:s22] =	ssyncset.done $0x0  }
0xa0: {  	[sflag:s22] =	ssyncadd.s32 s4;
	_ =	sdelay $0x1  }
0xa1: {  	s23 =	simm.s32 $0x1B8B  }
0xa2: {  	_ =	swait.ge [sflag:s23], $0x1  }
0xa3: {  	[sflag:s23] =	ssyncset.done $0x0  }
0xa4: {  	s25 =	simm.s32 $0x1B8E;
	s24 =	sld [smem:$0x3FFE];
	[sflag:s23] =	ssyncadd.s32 $0xFFFFFFFF  }
0xa5: {  	s26 =	simm.s32 $execute0_lowered;
	[smem:$0x3FD2] =	sst s25  }
0xa6: {  	s5 =	sshll.u32 s26, $0x1;
	_ =	strace $0x80000049;
	[dreg:$0x1] =	wrdreg $0xFFFFFFFF  }
0xa7: {  	s28 =	simm.s32 $_size_execute0_lowered;
	s3 =	sadd.s32 s3, s5;
	[dreg:$0x0] =	wrdreg $0x0  }
0xa8: {  	s5 =	sshll.u32 s28, $0x1;
	[dreg:$0x2] =	wrdreg s3  }
0xa9: {  	[dreg:$0x3] =	wrdreg s5  }
0xaa: {  	[dreg:$0x4] =	wrdreg $0xC0  }
0xab: {  	_ =	task [dreg:s7], $0x5FFFF  }
0xac: {  	[dreg:$0x1] =	wrdreg $0xFFFFFFFF  }
0xad: {  	[dreg:$0x0] =	wrdreg $0x60  }
0xae: {  	[dreg:$0x2] =	wrdreg s24  }
0xaf: {  	[dreg:$0x3] =	wrdreg s2  }
0xb0: {  	[dreg:$0x4] =	wrdreg $0x93800  }
0xb1: {  	[dreg:$0x5] =	wrdreg $0x9  }
0xb2: {  	_ =	task.clear_ibuf [dreg:s7], $0x6FFFF;
	_ =	strace $0x90000049  }
0xb3: {  	s29 =	simm.s32 $0x9;
	_ =	strace $0x8000004B  }
0xb4: {  	_ =	swait.ge [sflag:s29], $0x1  }
0xb5: {  	[sflag:s29] =	ssyncadd.s32 $0xFFFFFFFF  }
0xb6: {  	_ =	strace $0x9000004B  }
0xb7: {  	_ =	sfence  }
0xb8: {  	s30 =	sld [smem:$0x0];
	_ =	sdelay $0x2  }
0xb9: {  	s31 =	sshll.u32 s1, $0xD;
	s1 =	sshrl.u32 s1, $0x2  }
0xba: {  	s3 =	sand.u32 $0x4000, s31;
	s1 =	sadd.s32 s1, s30  }
0xbb: {  	s0 =	sor.u32 s3, s0;
	s1 =	sshll.u32 s1, $0x11  }
0xbc: {  	s0 =	sor.u32 s1, s0  }
0xbd: {  	s0 =	sadd.s32 $0x8F2B, s0  }
0xbe: {  	[sflag:s0] =	ssyncadd.remote.s32 $0x1  }
0xbf: {  	_ =	sfence.sel $0xFFFF  }
0xc0: {  	[dreg:$0x0] =	wrdreg $0xFFFFFFFF;
	(pc) =	sbr.abs _section_cstart, $3  }
0xc1: {  	[dreg:$0x1] =	wrdreg $0xFFFFFFFF  }
0xc2: {  	_ =	task.clear_ibuf [dreg:s7], $0x2FFFF;
	_ =	strace $0x9FFFFFFF  }
0xc3: {  	(tm) =	ssettm $0x7FFFFFFF  }
tec
execute0_lowered:
.L_overlay_start_1:
0x0: {  	(tag) =	ssettag $0x1  }
0x1: {  	s8 =	rddreg [dreg:$0x0]  }
0x2: {  	s1 =	rddreg [dreg:$0x1]  }
0x3: {  	s2 =	rddreg [dreg:$0x2];
	s3 =	srdreg.scid  }
0x4: {  	s0 =	rddreg [dreg:$0x3];
	s4 =	simm.s32 $0x0;
	s19 =	simm.s32 $0x5000  }
0x5: {  	s20 =	simm.s32 $0x5080;
	s21 =	simm.s32 $0x5100;
	s12 =	sand.u32 $0x1, s3  }
0x6: {  	s22 =	simm.s32 $0x80;
	s24 =	simm.s32 $0x5380;
	s9 =	smul.u32 $0x9E0, s12  }
0x7: {  	s25 =	simm.s32 $0x0;
	s3 =	stileid.u32;
	s10 =	smul.u32 $0x13C000, s12  }
0x8: {  	[smem:$0x7FF] =	sst s4;
	s5 =	sadd.s32 $0x19400, s8;
	s11 =	smul.u32 $0x13C00, s3  }
0x9: {  	s6 =	sadd.s32 $0x1E400, s8;
	s7 =	sadd.s32 $0x25C00, s8;
	s14 =	smul.u32 $0x4F000, s3  }
0xa: {  	_ =	strace $0x8000004A;
	s30 =	ssub.s32 $0x2, s12;
	s23 =	smul.u32 $0x2710, s12  }
0xb: {  	s18 =	sshll.u32 s3, $0x6;
	s13 =	sshrl.u32 s30, $0x1;
	s9 =	sadd.s32 s9, s8  }
0xc: {  	s10 =	sadd.s32 s11, s10;
	s16 =	ssub.s32 s30, s13;
	s31 =	sshrl.u32 s14, $0x2  }
0xd: {  	v0 =	vmov s23;
	s23 =	simm.s32 $0x4F80;
	s10 =	sshrl.u32 s10, $0x3;
	s9 =	sadd.s32 $0x23400, s9  }
0xe: {  	s17 =	sadd.s32 s31, s2;
	s14 =	smax.u32 s16, $0x1;
	s16 =	sor.u32 $0x1C01, s18  }
0xf: {  	s18 =	simm.s32 $0x4F00;
	s15 =	sadd.s32 s10, s8;
	s10 =	smul.u32 $0x50000, s12  }
0x10: {  	s8 =	smul.u32 $0x2800, s3;
	s17 =	sshrl.u32 s17, $0x3;
	s11 =	sadd.s32 $0x39C00, s15  }
0x11: {  	s13 =	sadd.s32 $0x88C00, s15;
	s15 =	simm.s32 $0x1;
	s12 =	sadd.s32 $0x28000, s10  }
.LBB2_1:
0x12: {  	[tilespmem:s4], [sflag:$0x1] =	stream.linear.gather [hbm4b:s9+s4], $0x4F00, $0x38;
	[tilespmem:$0x1CF80] =	vst v63  }
0x13: {  	_ =	swait.ge [sflag:s15], $0x4F00  }
0x14: {  	[sflag:s15] =	ssyncset.done $0x0  }
0x15: {  	[sflag:s15] =	ssyncadd.s32 $0xFFFFB100  }
0x16: {  	[spmem:s17], [sflag:s16] =	dma.local [hbm:s11], $0x2780  }
0x17: {  	_ =	swait.ge [sflag:s15], $0x2780  }
0x18: {  	[sflag:s15] =	ssyncset.done $0x0  }
0x19: {  	[sflag:s15] =	ssyncadd.s32 $0xFFFFD880  }
0x1a: {  	s26 =	simm.s32 $0x0;
	[bflag:$0x0] =	sbarrier.arrive $0xFFFF  }
.LBB2_2:
0x1b: {  	s28 =	sshll.u32 s26, $0x7  }
0x1c: {  	s29 =	sadd.s32 s8, s28  }
0x1d: {  	s30 =	sshrl.u32 s29, $0x3  }
0x1e: {  	s28 =	simm.s32 $0x0;
	s31 =	sadd.s32 s5, s30  }
0x1f: {  	[tilespmem:s18], [sflag:$0x1] =	stream.linear.gather [hbm4b:s31+s28], $0x80, $0x38;
	[tilespmem:$0x1CF80] =	vst v63  }
0x20: {  	_ =	swait.ge [sflag:s15], $0x80  }
0x21: {  	[sflag:s15] =	ssyncset.done $0x0  }
0x22: {  	s30 =	sadd.s32 s6, s30;
	[sflag:s15] =	ssyncadd.s32 $0xFFFFFF80  }
0x23: {  	[tilespmem:s19], [sflag:$0x1] =	stream.linear.gather [hbm4b:s30+s28], $0x80, $0x38;
	[tilespmem:$0x1CF80] =	vst v63  }
0x24: {  	s30 =	sadd.s32 s10, s29;
	_ =	swait.ge [sflag:s15], $0x80  }
0x25: {  	s30 =	sshrl.u32 s30, $0x3;
	[sflag:s15] =	ssyncset.done $0x0  }
0x26: {  	s30 =	sadd.s32 s7, s30;
	[sflag:s15] =	ssyncadd.s32 $0xFFFFFF80  }
0x27: {  	[tilespmem:s20], [sflag:$0x1] =	stream.linear.gather [hbm4b:s30+s28], $0x80, $0x38;
	[tilespmem:$0x1CF80] =	vst v63  }
0x28: {  	s29 =	sadd.s32 s12, s29;
	_ =	swait.ge [sflag:s15], $0x80  }
0x29: {  	s29 =	sshrl.u32 s29, $0x3;
	[sflag:s15] =	ssyncset.done $0x0  }
0x2a: {  	s29 =	sadd.s32 s7, s29;
	[sflag:s15] =	ssyncadd.s32 $0xFFFFFF80  }
0x2b: {  	[tilespmem:s21], [sflag:$0x1] =	stream.linear.gather [hbm4b:s29+s28], $0x80, $0x38;
	[tilespmem:$0x1CF80] =	vst v63  }
0x2c: {  	_ =	swait.ge [sflag:s15], $0x80  }
0x2d: {  	[sflag:s15] =	ssyncset.done $0x0  }
0x2e: {  	[sflag:s15] =	ssyncadd.s32 $0xFFFFFF80  }
0x2f: {  	v1 =	vld [tilespmem:$0x5000];
	_ =	sdelay $0x2  }
0x30: {  	v2 =	vld [tilespmem:$0x4F00];
	_ =	sdelay $0x1  }
0x31: {  	v1 =	vshll.u32 v1, $0x1  }
0x32: {  	v3 =	vor.u32 $0x1, v1;
	_ =	sdelay $0x1  }
0x33: {  	v2 =	vadd.s32 v0, v2  }
0x34: {  	[tilespmem:$0x4F80] =	vst v2  }
0x35: {  	v1 =	vld.idx.msk [tilespmem:v1+s28+$0x0], $0xffff  }
0x36: {  	v2 =	vld.idx.msk [tilespmem:v3+s28+$0x0], $0xffff;
	_ =	sdelay $0x3  }
0x37: {  	v1 =	vadd.f32 $1.000000020e-16, v1  }
0x38: {  	v2 =	vadd.f32 $1.000000020e-16, v2  }
0x39: {  	(erf) = vrcp.f32 v1  }
0x3a: {  	(erf) = vrcp.f32 v2;
	_ =	sdelay $0x2  }
0x3b: {  	v1 =	vld [tilespmem:$0x5080]  }
0x3c: {  	v2 =	vld [tilespmem:$0x5010]  }
0x3d: {  	v3 =	vld [tilespmem:$0x5100];
	_ =	sdelay $0x1  }
0x3e: {  	v4 =	vld [tilespmem:$0x4F10]  }
0x3f: {  	v5 =	vpop (erf)  }
0x40: {  	v2 =	vshll.u32 v2, $0x1;
	v1 =	vmul.f32 v5, v1;
	v5 =	vpop (erf)  }
0x41: {  	v3 =	vmul.f32 v3, v5;
	v5 =	vor.u32 $0x1, v2  }
0x42: {  	[tilespmem:$0x5180] =	vst v1  }
0x43: {  	v1 =	vadd.s32 v0, v4;
	[tilespmem:$0x5280] =	vst v3  }
0x44: {  	[tilespmem:$0x4F90] =	vst v1  }
0x45: {  	v1 =	vld.idx.msk [tilespmem:v2+s28+$0x0], $0xffff  }
0x46: {  	v2 =	vld.idx.msk [tilespmem:v5+s28+$0x0], $0xffff;
	_ =	sdelay $0x3  }
0x47: {  	v1 =	vadd.f32 $1.000000020e-16, v1  }
0x48: {  	v2 =	vadd.f32 $1.000000020e-16, v2  }
0x49: {  	(erf) = vrcp.f32 v1  }
0x4a: {  	(erf) = vrcp.f32 v2;
	_ =	sdelay $0x2  }
0x4b: {  	v1 =	vld [tilespmem:$0x5090]  }
0x4c: {  	v2 =	vld [tilespmem:$0x5020]  }
0x4d: {  	v3 =	vld [tilespmem:$0x5110]  }
0x4e: {  	v4 =	vld [tilespmem:$0x4F20];
	_ =	sdelay $0x1  }
0x4f: {  	v5 =	vpop (erf)  }
0x50: {  	v2 =	vshll.u32 v2, $0x1;
	v1 =	vmul.f32 v5, v1;
	v5 =	vpop (erf)  }
0x51: {  	v3 =	vmul.f32 v3, v5;
	v5 =	vor.u32 $0x1, v2  }
0x52: {  	[tilespmem:$0x5190] =	vst v1;
	v1 =	vadd.s32 v0, v4  }
0x53: {  	[tilespmem:$0x4FA0] =	vst v1  }
0x54: {  	[tilespmem:$0x5290] =	vst v3  }
0x55: {  	v1 =	vld.idx.msk [tilespmem:v2+s28+$0x0], $0xffff  }
0x56: {  	v2 =	vld.idx.msk [tilespmem:v5+s28+$0x0], $0xffff;
	_ =	sdelay $0x3  }
0x57: {  	v1 =	vadd.f32 $1.000000020e-16, v1  }
0x58: {  	v2 =	vadd.f32 $1.000000020e-16, v2  }
0x59: {  	(erf) = vrcp.f32 v1  }
0x5a: {  	(erf) = vrcp.f32 v2;
	_ =	sdelay $0x2  }
0x5b: {  	v1 =	vld [tilespmem:$0x50A0]  }
0x5c: {  	v2 =	vld [tilespmem:$0x5030]  }
0x5d: {  	v3 =	vld [tilespmem:$0x5120]  }
0x5e: {  	v4 =	vld [tilespmem:$0x4F30];
	_ =	sdelay $0x1  }
0x5f: {  	v5 =	vpop (erf)  }
0x60: {  	v2 =	vshll.u32 v2, $0x1;
	v1 =	vmul.f32 v5, v1;
	v5 =	vpop (erf)  }
0x61: {  	v3 =	vmul.f32 v3, v5;
	v5 =	vor.u32 $0x1, v2  }
0x62: {  	[tilespmem:$0x51A0] =	vst v1;
	v1 =	vadd.s32 v0, v4  }
0x63: {  	[tilespmem:$0x4FB0] =	vst v1  }
0x64: {  	[tilespmem:$0x52A0] =	vst v3  }
0x65: {  	v1 =	vld.idx.msk [tilespmem:v2+s28+$0x0], $0xffff  }
0x66: {  	v2 =	vld.idx.msk [tilespmem:v5+s28+$0x0], $0xffff;
	_ =	sdelay $0x3  }
0x67: {  	v1 =	vadd.f32 $1.000000020e-16, v1  }
0x68: {  	v2 =	vadd.f32 $1.000000020e-16, v2  }
0x69: {  	(erf) = vrcp.f32 v1  }
0x6a: {  	(erf) = vrcp.f32 v2;
	_ =	sdelay $0x2  }
0x6b: {  	v1 =	vld [tilespmem:$0x50B0]  }
0x6c: {  	v2 =	vld [tilespmem:$0x5040]  }
0x6d: {  	v3 =	vld [tilespmem:$0x5130]  }
0x6e: {  	v4 =	vld [tilespmem:$0x4F40];
	_ =	sdelay $0x1  }
0x6f: {  	v5 =	vpop (erf)  }
0x70: {  	v2 =	vshll.u32 v2, $0x1;
	v1 =	vmul.f32 v5, v1;
	v5 =	vpop (erf)  }
0x71: {  	v3 =	vmul.f32 v3, v5;
	v5 =	vor.u32 $0x1, v2  }
0x72: {  	[tilespmem:$0x51B0] =	vst v1;
	v1 =	vadd.s32 v0, v4  }
0x73: {  	[tilespmem:$0x4FC0] =	vst v1  }
0x74: {  	[tilespmem:$0x52B0] =	vst v3  }
0x75: {  	v1 =	vld.idx.msk [tilespmem:v2+s28+$0x0], $0xffff  }
0x76: {  	v2 =	vld.idx.msk [tilespmem:v5+s28+$0x0], $0xffff;
	_ =	sdelay $0x3  }
0x77: {  	v1 =	vadd.f32 $1.000000020e-16, v1  }
0x78: {  	v2 =	vadd.f32 $1.000000020e-16, v2  }
0x79: {  	(erf) = vrcp.f32 v1  }
0x7a: {  	(erf) = vrcp.f32 v2;
	_ =	sdelay $0x2  }
0x7b: {  	v1 =	vld [tilespmem:$0x50C0]  }
0x7c: {  	v2 =	vld [tilespmem:$0x5050]  }
0x7d: {  	v3 =	vld [tilespmem:$0x5140]  }
0x7e: {  	v4 =	vld [tilespmem:$0x4F50];
	_ =	sdelay $0x1  }
0x7f: {  	v5 =	vpop (erf)  }
0x80: {  	v2 =	vshll.u32 v2, $0x1;
	v1 =	vmul.f32 v5, v1;
	v5 =	vpop (erf)  }
0x81: {  	v3 =	vmul.f32 v3, v5;
	v5 =	vor.u32 $0x1, v2  }
0x82: {  	[tilespmem:$0x51C0] =	vst v1;
	v1 =	vadd.s32 v0, v4  }
0x83: {  	[tilespmem:$0x4FD0] =	vst v1  }
0x84: {  	[tilespmem:$0x52C0] =	vst v3  }
0x85: {  	v1 =	vld.idx.msk [tilespmem:v2+s28+$0x0], $0xffff  }
0x86: {  	v2 =	vld.idx.msk [tilespmem:v5+s28+$0x0], $0xffff;
	_ =	sdelay $0x3  }
0x87: {  	v1 =	vadd.f32 $1.000000020e-16, v1  }
0x88: {  	v2 =	vadd.f32 $1.000000020e-16, v2  }
0x89: {  	(erf) = vrcp.f32 v1  }
0x8a: {  	(erf) = vrcp.f32 v2;
	_ =	sdelay $0x2  }
0x8b: {  	v1 =	vld [tilespmem:$0x50D0]  }
0x8c: {  	v2 =	vld [tilespmem:$0x5060]  }
0x8d: {  	v3 =	vld [tilespmem:$0x5150]  }
0x8e: {  	v4 =	vld [tilespmem:$0x4F60];
	_ =	sdelay $0x1  }
0x8f: {  	v5 =	vpop (erf)  }
0x90: {  	v2 =	vshll.u32 v2, $0x1;
	v1 =	vmul.f32 v5, v1;
	v5 =	vpop (erf)  }
0x91: {  	v3 =	vmul.f32 v3, v5;
	v5 =	vor.u32 $0x1, v2  }
0x92: {  	[tilespmem:$0x51D0] =	vst v1;
	v1 =	vadd.s32 v0, v4  }
0x93: {  	[tilespmem:$0x4FE0] =	vst v1  }
0x94: {  	[tilespmem:$0x52D0] =	vst v3  }
0x95: {  	v1 =	vld.idx.msk [tilespmem:v2+s28+$0x0], $0xffff  }
0x96: {  	v2 =	vld.idx.msk [tilespmem:v5+s28+$0x0], $0xffff;
	_ =	sdelay $0x3  }
0x97: {  	v1 =	vadd.f32 $1.000000020e-16, v1  }
0x98: {  	v2 =	vadd.f32 $1.000000020e-16, v2  }
0x99: {  	(erf) = vrcp.f32 v1  }
0x9a: {  	(erf) = vrcp.f32 v2;
	_ =	sdelay $0x2  }
0x9b: {  	v1 =	vld [tilespmem:$0x50E0]  }
0x9c: {  	v2 =	vld [tilespmem:$0x5070]  }
0x9d: {  	v3 =	vld [tilespmem:$0x5160]  }
0x9e: {  	v4 =	vld [tilespmem:$0x4F70];
	_ =	sdelay $0x1  }
0x9f: {  	v5 =	vpop (erf)  }
0xa0: {  	v2 =	vshll.u32 v2, $0x1;
	v1 =	vmul.f32 v5, v1;
	v5 =	vpop (erf)  }
0xa1: {  	v3 =	vmul.f32 v3, v5;
	v5 =	vor.u32 $0x1, v2  }
0xa2: {  	[tilespmem:$0x51E0] =	vst v1;
	v1 =	vadd.s32 v0, v4  }
0xa3: {  	[tilespmem:$0x4FF0] =	vst v1  }
0xa4: {  	[tilespmem:$0x52E0] =	vst v3  }
0xa5: {  	v1 =	vld.idx.msk [tilespmem:v2+s28+$0x0], $0xffff  }
0xa6: {  	v2 =	vld.idx.msk [tilespmem:v5+s28+$0x0], $0xffff;
	_ =	sdelay $0x3  }
0xa7: {  	v1 =	vadd.f32 $1.000000020e-16, v1  }
0xa8: {  	v2 =	vadd.f32 $1.000000020e-16, v2  }
0xa9: {  	(erf) = vrcp.f32 v1  }
0xaa: {  	(erf) = vrcp.f32 v2;
	_ =	sdelay $0x3  }
0xab: {  	v1 =	vld [tilespmem:$0x50F0]  }
0xac: {  	v2 =	vld [tilespmem:$0x5170];
	_ =	sdelay $0x2  }
0xad: {  	v3 =	vpop (erf)  }
0xae: {  	v1 =	vmul.f32 v3, v1;
	v3 =	vpop (erf)  }
0xaf: {  	v2 =	vmul.f32 v2, v3  }
0xb0: {  	[tilespmem:$0x51F0] =	vst v1  }
0xb1: {  	[tilespmem:$0x52F0] =	vst v2  }
0xb2: {  	[tilespmem:s24], [sflag:$0x1] =	stream.indirect.gather [hbm4b:s1+s22], $0x80, s23, s22, $0xb8;
	[tilespmem:$0x1CF80] =	vst v63  }
0xb3: {  	_ =	swait.ge [sflag:s15], $0x4000  }
0xb4: {  	[sflag:s15] =	ssyncset.done $0x0  }
0xb5: {  	s28 =	simm.s32 $0x53C0;
	[sflag:s15] =	ssyncadd.s32 $0xFFFFC000  }
0xb6: {  	v8 =	vld [tilespmem:s28+$0xFFFFFFF0]  }
0xb7: {  	v6 =	vld [tilespmem:s28+$0xFFFFFFC0]  }
0xb8: {  	s29 =	simm.s32 $0x0;
	v7 =	vld [tilespmem:s28+$0xFFFFFFD0]  }
0xb9: {  	v4 =	vld.msk [tilespmem:s29+$0x5180 ss:$0x0], $0xffff  }
0xba: {  	v2 =	vld.msk [tilespmem:s29+$0x5280 ss:$0x0], $0xffff  }
0xbb: {  	v11 =	vld [tilespmem:s28+$0x0]  }
0xbc: {  	v3 =	vld [tilespmem:s28+$0xFFFFFFE0]  }
0xbd: {  	v1 =	vld [tilespmem:s28+$0x30]  }
0xbe: {  	v5 =	vld [tilespmem:s28+$0x20]  }
0xbf: {  	v10 =	vmul.f32 v6, v4;
	v6 =	vld [tilespmem:s28+$0x10]  }
0xc0: {  	v7 =	vmul.f32 v7, v4  }
0xc1: {  	s30 =	simm.s32 $0x53C0;
	s29 =	simm.s32 $0x4;
	v9 =	vmul.f32 v8, v4;
	v8 =	vmul.f32 v11, v2  }
.LBB2_3:
0xc2: {  	p0 =	sne.s32 s29, $0x1FC  }
0xc3: {  	[tilespmem:s28+$0xFFFFFFC0] =	vst v10;
	v3 =	vmul.f32 v3, v4;
	v4 =	vmul.f32 v5, v2;
	s30 =	sadd.s32 $0x80, s30;
	s31 =	smov.u32 s29;
	s29 =	sadd.s32 $0x4, s29  }
0xc4: {  	v1 =	vmul.f32 v1, v2;
	[tilespmem:s28+$0xFFFFFFF0] =	vst v9;
	v5 =	vmul.f32 v6, v2  }
0xc5: {  	[tilespmem:s28+$0xFFFFFFD0] =	vst v7  }
0xc6: {  	v9 =	vld [tilespmem:s30+$0xFFFFFFF0];
	[tilespmem:s28+$0x0] =	vst v8  }
0xc7: {  	v7 =	vld [tilespmem:s30+$0xFFFFFFC0];
	[tilespmem:s28+$0xFFFFFFE0] =	vst v3  }
0xc8: {  	v3 =	vld [tilespmem:s30+$0xFFFFFFE0];
	[tilespmem:s28+$0x30] =	vst v1  }
0xc9: {  	v1 =	vld [tilespmem:s30+$0x30];
	[tilespmem:s28+$0x10] =	vst v5  }
0xca: {  	s31 =	sshra.s32 s31, $0x2;
	v8 =	vld [tilespmem:s30+$0xFFFFFFD0];
	[tilespmem:s28+$0x20] =	vst v4;
	s28 =	smov.u32 s30  }
0xcb: {  	v4 =	vld.msk [tilespmem:s31+$0x5180 ss:$0x0], $0xffff  }
0xcc: {  	v2 =	vld.msk [tilespmem:s31+$0x5280 ss:$0x0], $0xffff  }
0xcd: {  	v11 =	vld [tilespmem:s30+$0x0]  }
.Ltmp0:
0xce: {  	v5 =	vld [tilespmem:s30+$0x20];
	(pc) =	sbr.rel @p0 .LBB2_3-.Ltmp0, $3  }
0xcf: {  	v6 =	vld [tilespmem:s30+$0x10];
	_ =	sdelay $0x1  }
0xd0: {  	v10 =	vmul.f32 v7, v4;
	v7 =	vmul.f32 v8, v4  }
0xd1: {  	v9 =	vmul.f32 v9, v4;
	v8 =	vmul.f32 v11, v2  }
0xd2: {  	[tilespmem:s28+$0xFFFFFFC0] =	vst v10  }
0xd3: {  	[tilespmem:s28+$0xFFFFFFD0] =	vst v7  }
0xd4: {  	v3 =	vmul.f32 v3, v4;
	[tilespmem:s28+$0xFFFFFFF0] =	vst v9  }
0xd5: {  	v1 =	vmul.f32 v1, v2;
	[tilespmem:s28+$0x0] =	vst v8  }
0xd6: {  	v63 =	vmul.f32 v6, v2;
	[tilespmem:s28+$0xFFFFFFE0] =	vst v3  }
0xd7: {  	s26 =	sadd.s32 $0x1, s26;
	v2 =	vmul.f32 v5, v2;
	[tilespmem:s28+$0x30] =	vst v1  }
0xd8: {  	p0 =	sne.s32 s26, $0x50;
	[tilespmem:s28+$0x10] =	vst v63  }
.Ltmp1:
0xd9: {  	[tilespmem:s28+$0x20] =	vst v2;
	(pc) =	sbr.rel @p0 .LBB2_2-.Ltmp1, $4  }
0xda: {  	[spmem:s2] =	stream.indirect.scatter.add.f32 [tilespmem:s24], [sflag:$0x1], $0x80, s19, s22, $0xb8;
	[tilespmem:$0x1CF80] =	vst v63  }
0xdb: {  	_ =	swait.ge [sflag:s15], $0x4000  }
0xdc: {  	[sflag:s15] =	ssyncset.done $0x0  }
0xdd: {  	[sflag:s15] =	ssyncadd.s32 $0xFFFFC000  }
0xde: {  	s25 =	sadd.s32 $0x1, s25  }
0xdf: {  	p0 =	sne.s32 s25, s14  }
.Ltmp2:
0xe0: {  	[bflag:$0x0] =	sbarrier.arrive $0xFFFF;
	(pc) =	sbr.rel @p0 .LBB2_1-.Ltmp2, $4  }
0xe1: {  	[hbm:s13], [sflag:s16] =	dma.local [spmem:s17], $0x2780  }
0xe2: {  	_ =	swait.ge [sflag:s15], $0x2780  }
0xe3: {  	[sflag:s15] =	ssyncset.done $0x0  }
0xe4: {  	[sflag:s15] =	ssyncadd.s32 $0xFFFFD880  }
0xe5: {  	_ =	sfence.sel $0x180000  }
0xe6: {  	[bflag:$0x0] =	sbarrier.arrive $0xFFFF  }
0xe7: {  	p0 =	sne.s32 s3, $0x0;
	_ =	strace $0x9000004A  }
0xe8: {  	s0 =	sadd.s32 @!p0 $0x100000, s0;
	[bflag:$0x2] =	sbarrier.arrive $0xFFFF  }
0xe9: {  	[sflag:s0] =	ssyncadd.tile.s32 @!p0 $0x1;
	_ =	shalt  }
.Lfunc_end2:
_tile_overlayer_lowered:
.L_overlay_start_2:
0xea: {  	(tag) =	ssettag $0x2  }
0xeb: {  	s0 =	rddreg [dreg:$0x0];
	s2 =	stileid.u32  }
0xec: {  	s1 =	rddreg [dreg:$0x1];
	p0 =	sne.s32 s2, $0x0  }
0xed: {  	s3 =	rddreg [dreg:$0x2];
	[bflag:$0x3] =	sbarrier.arrive $0xFFFF;
	s2 =	simm.s32 @!p0 $0x1C01  }
0xee: {  	[timem:s3], [sflag:s2] =	dma.local @!p0 [hbm:s0], s1  }
0xef: {  	s0 =	simm.s32 @!p0 $0x1  }
0xf0: {  	_ =	swait.ge @!p0 [sflag:s0], s1  }
0xf1: {  	s1 =	ssub.s32 @!p0 $0x0, s1;
	[sflag:s0] =	ssyncset.done @!p0 $0x0  }
0xf2: {  	[sflag:s0] =	ssyncadd.s32 @!p0 s1  }
0xf3: {  	[bflag:$0x3] =	sbarrier.arrive $0xFFFF  }
0xf4: {  	_ =	shalt  }

</sc_bundles>
